<compile_context>
chip_gen: v7x
topology: tpu7x:2x2x1
jax: 0.10.2.dev20260603
libtpu: 0.0.44.dev20260713+nightly
codegen_flags: <defaults>
</compile_context>

<pallas_src>
import functools

import jax
import jax.numpy as jnp
from jax import lax
from jax.experimental import pallas as pl
from jax.experimental.pallas import tpu as pltpu
from jax.experimental.pallas import tpu_sc as plsc

N = 10000
NP = 10240
E = 320000
D_IN = 128
H = 256

NC = 2
NS = 16
CHUNK = 125
EROWS = E // CHUNK
ROWS_PER_W = EROWS // (NC * NS)
ROWS_PER_S = EROWS // NS
NPS = NP // NS
ZR = 64

_mesh = plsc.VectorSubcoreMesh(core_axis_name="c", subcore_axis_name="s")

BN = 1024


def _fill_const(buf, nrows, width, val):
    v = jnp.full((16,), val, jnp.float32)

    def body(i, carry):
        for k in range(width // 16):
            buf[i, pl.ds(k * 16, 16)] = v
        return carry

    lax.fori_loop(0, nrows, body, 0)


@functools.partial(
    pl.kernel,
    out_type=jax.ShapeDtypeStruct((NC, NP, 16), jnp.float32),
    mesh=_mesh,
    scratch_types=[
        pltpu.VMEM((ROWS_PER_S, CHUNK), jnp.int32),
        pltpu.VMEM((CHUNK, 16), jnp.float32),
        pltpu.VMEM((ZR, 16), jnp.float32),
        pltpu.VMEM_SHARED((NP, 16), jnp.float32),
    ],
)
def _deg_kernel(src_hbm, dst_hbm, out_hbm, idx_v, ones_v, zbuf, deg_sh):
    c = lax.axis_index("c")
    s = lax.axis_index("s")
    _fill_const(ones_v, CHUNK, 16, 1.0)
    _fill_const(zbuf, ZR, 16, 0.0)
    for k in range(NPS // ZR):
        pltpu.sync_copy(zbuf, deg_sh.at[pl.ds(s * NPS + k * ZR, ZR)])
    plsc.subcore_barrier()

    @pl.when(c == 0)
    def _():
        pltpu.sync_copy(src_hbm.at[pl.ds(s * ROWS_PER_S, ROWS_PER_S)], idx_v)

    @pl.when(c == 1)
    def _():
        pltpu.sync_copy(dst_hbm.at[pl.ds(s * ROWS_PER_S, ROWS_PER_S)], idx_v)

    def chunk(j, carry):
        pltpu.sync_copy(ones_v, deg_sh.at[idx_v.at[j]], add=True)
        return carry

    lax.fori_loop(0, ROWS_PER_S, chunk, 0)
    plsc.subcore_barrier()
    pltpu.sync_copy(deg_sh.at[pl.ds(s * NPS, NPS)],
                    out_hbm.at[c, pl.ds(s * NPS, NPS)])


@functools.partial(
    pl.kernel,
    out_type=jax.ShapeDtypeStruct((NC, NP, D_IN), jnp.float32),
    mesh=_mesh,
    scratch_types=[
        pltpu.VMEM((ROWS_PER_W, CHUNK), jnp.int32),
        pltpu.VMEM((ROWS_PER_W, CHUNK), jnp.int32),
        pltpu.VMEM((CHUNK, D_IN), jnp.float32),
        pltpu.VMEM((ZR, D_IN), jnp.float32),
        pltpu.VMEM_SHARED((NP, D_IN), jnp.float32),
        pltpu.SemaphoreType.DMA,
    ],
)
def _agg1_kernel(table_hbm, src_hbm, dst_hbm, out_hbm,
                 src_v, dst_v, msg_v, zbuf, agg_sh, sem):
    c = lax.axis_index("c")
    s = lax.axis_index("s")
    _fill_const(zbuf, ZR, D_IN, 0.0)
    for k in range(NPS // ZR):
        pltpu.sync_copy(zbuf, agg_sh.at[pl.ds(s * NPS + k * ZR, ZR)])
    plsc.subcore_barrier()
    base = (c * NS + s) * ROWS_PER_W
    pltpu.sync_copy(src_hbm.at[pl.ds(base, ROWS_PER_W)], src_v)
    pltpu.sync_copy(dst_hbm.at[pl.ds(base, ROWS_PER_W)], dst_v)

    def chunk(j, carry):
        pltpu.async_copy(table_hbm.at[src_v.at[j]], msg_v, sem).wait()
        pltpu.sync_copy(msg_v, agg_sh.at[dst_v.at[j]], add=True)
        return carry

    lax.fori_loop(0, ROWS_PER_W, chunk, 0)
    plsc.subcore_barrier()
    pltpu.sync_copy(agg_sh.at[pl.ds(s * NPS, NPS)],
                    out_hbm.at[c, pl.ds(s * NPS, NPS)])


@functools.partial(
    pl.kernel,
    out_type=jax.ShapeDtypeStruct((NC, NP, D_IN), jnp.float32),
    mesh=_mesh,
    scratch_types=[
        pltpu.VMEM((ROWS_PER_W, CHUNK), jnp.int32),
        pltpu.VMEM((ROWS_PER_W, CHUNK), jnp.int32),
        pltpu.VMEM((CHUNK, D_IN), jnp.float32),
        pltpu.VMEM((ZR, D_IN), jnp.float32),
        pltpu.VMEM_SHARED((NP, D_IN), jnp.float32),
        pltpu.SemaphoreType.DMA,
    ],
)
def _agg2_kernel(taba_hbm, tabb_hbm, src_hbm, dst_hbm, out_hbm,
                 src_v, dst_v, msg_v, zbuf, agg_sh, sem):
    c = lax.axis_index("c")
    s = lax.axis_index("s")
    _fill_const(zbuf, ZR, D_IN, 0.0)
    for k in range(NPS // ZR):
        pltpu.sync_copy(zbuf, agg_sh.at[pl.ds(s * NPS + k * ZR, ZR)])
    plsc.subcore_barrier()

    def run(table):
        for p in range(ROWS_PER_S // ROWS_PER_W):
            base = s * ROWS_PER_S + p * ROWS_PER_W
            pltpu.sync_copy(src_hbm.at[pl.ds(base, ROWS_PER_W)], src_v)
            pltpu.sync_copy(dst_hbm.at[pl.ds(base, ROWS_PER_W)], dst_v)

            def chunk(j, carry):
                pltpu.async_copy(table.at[src_v.at[j]], msg_v, sem).wait()
                pltpu.sync_copy(msg_v, agg_sh.at[dst_v.at[j]], add=True)
                return carry

            lax.fori_loop(0, ROWS_PER_W, chunk, 0)

    @pl.when(c == 0)
    def _():
        run(taba_hbm)

    @pl.when(c == 1)
    def _():
        run(tabb_hbm)

    plsc.subcore_barrier()
    pltpu.sync_copy(agg_sh.at[pl.ds(s * NPS, NPS)],
                    out_hbm.at[c, pl.ds(s * NPS, NPS)])


def _prep_body(x_ref, ds_ref, dd_ref, hs1_ref, ns_ref, nd_ref):
    ns = lax.rsqrt(jnp.maximum(ds_ref[:, :1], 1.0))
    nd = lax.rsqrt(jnp.maximum(dd_ref[:, :1], 1.0))
    hs1_ref[...] = x_ref[...] * ns
    ns_ref[...] = jnp.broadcast_to(ns, (BN, D_IN))
    nd_ref[...] = jnp.broadcast_to(nd, (BN, D_IN))


def _prep_call(x, degs, degd):
    return pl.pallas_call(
        _prep_body,
        grid=(NP // BN,),
        in_specs=[
            pl.BlockSpec((BN, D_IN), lambda i: (i, 0)),
            pl.BlockSpec((BN, 16), lambda i: (i, 0)),
            pl.BlockSpec((BN, 16), lambda i: (i, 0)),
        ],
        out_specs=[
            pl.BlockSpec((BN, D_IN), lambda i: (i, 0)),
            pl.BlockSpec((BN, D_IN), lambda i: (i, 0)),
            pl.BlockSpec((BN, D_IN), lambda i: (i, 0)),
        ],
        out_shape=[
            jax.ShapeDtypeStruct((NP, D_IN), jnp.float32),
            jax.ShapeDtypeStruct((NP, D_IN), jnp.float32),
            jax.ShapeDtypeStruct((NP, D_IN), jnp.float32),
        ],
    )(x, degs, degd)


def _l1_body(a0_ref, a1_ref, nd_ref, ns_ref, w_ref, b_ref, outa_ref, outb_ref):
    agg = (a0_ref[...] + a1_ref[...]) * nd_ref[...]
    h = jnp.dot(agg, w_ref[...], preferred_element_type=jnp.float32,
                precision=lax.Precision.HIGHEST) + b_ref[...]
    h = jnp.maximum(h, 0.0) * ns_ref[:, :1]
    outa_ref[...] = h[:, :D_IN]
    outb_ref[...] = h[:, D_IN:]


def _l1_call(a0, a1, nd, ns, W1, b1):
    return pl.pallas_call(
        _l1_body,
        grid=(NP // BN,),
        in_specs=[
            pl.BlockSpec((BN, D_IN), lambda i: (i, 0)),
            pl.BlockSpec((BN, D_IN), lambda i: (i, 0)),
            pl.BlockSpec((BN, D_IN), lambda i: (i, 0)),
            pl.BlockSpec((BN, D_IN), lambda i: (i, 0)),
            pl.BlockSpec((D_IN, H), lambda i: (0, 0)),
            pl.BlockSpec((1, H), lambda i: (0, 0)),
        ],
        out_specs=[
            pl.BlockSpec((BN, D_IN), lambda i: (i, 0)),
            pl.BlockSpec((BN, D_IN), lambda i: (i, 0)),
        ],
        out_shape=[
            jax.ShapeDtypeStruct((NP, D_IN), jnp.float32),
            jax.ShapeDtypeStruct((NP, D_IN), jnp.float32),
        ],
    )(a0, a1, nd, ns, W1, b1)


def _l2_body(aa_ref, ab_ref, nd_ref, w2a_ref, w2b_ref, b2_ref,
             wc1_ref, bc1_ref, wc3_ref, bc3_ref, out_ref, acc_ref):
    i = pl.program_id(0)

    @pl.when(i == 0)
    def _():
        acc_ref[...] = jnp.zeros_like(acc_ref)

    a = aa_ref[...] * nd_ref[...]
    b = ab_ref[...] * nd_ref[...]
    h = (jnp.dot(a, w2a_ref[...], preferred_element_type=jnp.float32,
                 precision=lax.Precision.HIGHEST)
         + jnp.dot(b, w2b_ref[...], preferred_element_type=jnp.float32,
                   precision=lax.Precision.HIGHEST)
         + b2_ref[...])
    h = jnp.maximum(h, 0.0)
    row = i * BN + lax.broadcasted_iota(jnp.int32, (BN, 1), 0)
    h = jnp.where(row < N, h, 0.0)
    acc_ref[...] += jnp.sum(h, axis=0, keepdims=True)

    @pl.when(i == pl.num_programs(0) - 1)
    def _():
        hg = acc_ref[...] * (1.0 / N)
        z = jnp.maximum(jnp.dot(hg, wc1_ref[...],
                                preferred_element_type=jnp.float32,
                                precision=lax.Precision.HIGHEST)
                        + bc1_ref[...], 0.0)
        out_ref[...] = jnp.dot(z, wc3_ref[...],
                               preferred_element_type=jnp.float32,
                               precision=lax.Precision.HIGHEST) + bc3_ref[...]


def _l2_call(aa, ab, nd, W2a, W2b, b2, Wc1, bc1, Wc3, bc3):
    return pl.pallas_call(
        _l2_body,
        grid=(NP // BN,),
        in_specs=[
            pl.BlockSpec((BN, D_IN), lambda i: (i, 0)),
            pl.BlockSpec((BN, D_IN), lambda i: (i, 0)),
            pl.BlockSpec((BN, D_IN), lambda i: (i, 0)),
            pl.BlockSpec((D_IN, H), lambda i: (0, 0)),
            pl.BlockSpec((D_IN, H), lambda i: (0, 0)),
            pl.BlockSpec((1, H), lambda i: (0, 0)),
            pl.BlockSpec((H, H), lambda i: (0, 0)),
            pl.BlockSpec((1, H), lambda i: (0, 0)),
            pl.BlockSpec((H, 1), lambda i: (0, 0)),
            pl.BlockSpec((1, 1), lambda i: (0, 0)),
        ],
        out_specs=pl.BlockSpec((1, 1), lambda i: (0, 0)),
        out_shape=jax.ShapeDtypeStruct((1, 1), jnp.float32),
        scratch_shapes=[pltpu.VMEM((1, H), jnp.float32)],
    )(aa, ab, nd, W2a, W2b, b2, Wc1, bc1, Wc3, bc3)


def kernel(x, edge_index, W1, b1, W2, b2, Wc1, bc1, Wc3, bc3):
    src2 = edge_index[0].reshape(EROWS, CHUNK)
    dst2 = edge_index[1].reshape(EROWS, CHUNK)
    xp = jnp.pad(x, ((0, NP - N), (0, 0)))

    degs = _deg_kernel(src2, dst2)
    hs1, ns, nd = _prep_call(xp, degs[0], degs[1])
    agg1 = _agg1_kernel(hs1, src2, dst2)
    h1a, h1b = _l1_call(agg1[0], agg1[1], nd, ns, W1, b1.reshape(1, H))
    agg2 = _agg2_kernel(h1a, h1b, src2, dst2)
    out = _l2_call(agg2[0], agg2[1], nd,
                   W2[:D_IN], W2[D_IN:], b2.reshape(1, H),
                   Wc1, bc1.reshape(1, H), Wc3, bc3.reshape(1, 1))
    return out

# --- scband reference (transcript-rebuilt; emitter-appended) ---
"""Pipeline reference for scband-gcnreg-1mlp-29703993819336 (READ-ONLY COPY).

The authoritative reference and input builder live on the scoring server;
editing this copy changes nothing except your own understanding.
"""

import jax, jax.numpy as jnp
import numpy as np

N = 10000
E = 320000
D_IN = 128
H = 256
C = 1


def setup_inputs(seed: int = 0) -> dict:
    key = jax.random.key(seed)
    ks = jax.random.split(key, 12)
    x = jax.random.normal(ks[0], (N, D_IN), dtype=jnp.float32)
    edge_index = jax.random.randint(ks[1], (2, E), 0, N, dtype=jnp.int32)
    W1 = jax.random.normal(ks[2], (D_IN, H), dtype=jnp.float32) * (1.0 / np.sqrt(D_IN))
    b1 = jnp.zeros((H,), dtype=jnp.float32)
    W2 = jax.random.normal(ks[3], (H, H), dtype=jnp.float32) * (1.0 / np.sqrt(H))
    b2 = jnp.zeros((H,), dtype=jnp.float32)
    Wc1 = jax.random.normal(ks[4], (H, H), dtype=jnp.float32) * (1.0 / np.sqrt(H))
    bc1 = jnp.zeros((H,), dtype=jnp.float32)
    Wc3 = jax.random.normal(ks[5], (H, C), dtype=jnp.float32) * (1.0 / np.sqrt(H))
    bc3 = jnp.zeros((C,), dtype=jnp.float32)
    return {"x": x, "edge_index": edge_index, "W1": W1, "b1": b1, "W2": W2,
            "b2": b2, "Wc1": Wc1, "bc1": bc1, "Wc3": Wc3, "bc3": bc3}


def reference(x, edge_index, W1, b1, W2, b2, Wc1, bc1, Wc3, bc3):
    src = edge_index[0]
    dst = edge_index[1]
    # DGL GraphConv(norm='both'): h' = D_in^{-1/2} A D_out^{-1/2} h W + b
    deg_out = jnp.clip(jnp.bincount(src, length=N), 1).astype(jnp.float32)
    deg_in = jnp.clip(jnp.bincount(dst, length=N), 1).astype(jnp.float32)
    norm_s = deg_out ** -0.5
    norm_d = deg_in ** -0.5

    def gconv(h, W, b):
        hs = h * norm_s[:, None]
        msg = jnp.take(hs, src, axis=0)
        agg = jax.ops.segment_sum(msg, dst, num_segments=N)
        agg = agg * norm_d[:, None]
        return agg @ W + b

    h1 = jax.nn.relu(gconv(x, W1, b1))
    h1 = jax.nn.relu(gconv(h1, W2, b2))
    # dgl.mean_nodes over a single graph -> [1, H]
    hg = jnp.mean(h1, axis=0, keepdims=True)
    out = jax.nn.relu(hg @ Wc1 + bc1)
    out = out @ Wc3 + bc3
    return out

if __name__ == "__main__":
    import jax
    _d = setup_inputs()
    print(jax.jit(kernel)(*tuple(_d.values())))

</pallas_src>

<mosaic_0001>
#map = affine_map<(d0, d1) -> (0, 0)>
#map1 = affine_map<(d0, d1) -> (0, 0, 0)>
module attributes {stable_mosaic.version = 14 : i64} {
  func.func @_deg_kernel(%arg0: i32, %arg1: i32, %arg2: memref<2560x125xi32, #tpu.memory_space<hbm>>, %arg3: memref<2560x125xi32, #tpu.memory_space<hbm>>, %arg4: memref<2x10240x16xf32, #tpu.memory_space<hbm>>, %arg5: memref<160x125xi32, #tpu.memory_space<vmem>>, %arg6: memref<125x16xf32, #tpu.memory_space<vmem>>, %arg7: memref<64x16xf32, #tpu.memory_space<vmem>>, %arg8: memref<10240x16xf32, #tpu.memory_space<vmem_shared>>) attributes {dimension_semantics = [#tpu.dimension_semantics<core_parallel>, #tpu.dimension_semantics<subcore_parallel>], iteration_bounds = array<i64: 2, 16>, scalar_prefetch = 0 : i64, scratch_operands = 4 : i64, tpu.core_type = #tpu.core_type<sc_vector_subcore>, window_params = [{transform_indices = #map}, {transform_indices = #map}, {transform_indices = #map1}]} {
    %broadcast_in_dim3A = arith.constant 1.000000e+00 : f32
    %broadcast_in_dim3A_0 = vector.broadcast %broadcast_in_dim3A : f32 to vector<16xf32>
    %scan3A = arith.constant 0 : i32
    %scan3A_1 = arith.constant 0 : i32
    %scan3A_2 = arith.constant 125 : i32
    %scan3A_3 = arith.addi %scan3A_1, %scan3A_2 : i32
    %scan3A_4 = arith.constant 1 : i32
    scf.for %scan3A_70 = %scan3A_1 to %scan3A_3 step %scan3A_4  : i32 {
      %swap3A = arith.index_cast %scan3A_70 : i32 to index
      %swap3A_71 = arith.constant 0 : index
      %swap3A_72 = tpu.vector_load %arg6[%swap3A, %swap3A_71] {strides = array<i32>} : memref<125x16xf32, #tpu.memory_space<vmem>>, vector<1x16xf32>,
      %swap3A_73 = vector.shape_cast %swap3A_72 : vector<1x16xf32> to vector<16xf32>
      %swap3A_74 = vector.shape_cast %broadcast_in_dim3A_0 : vector<16xf32> to vector<1x16xf32>
      tpu.vector_store %arg6[%swap3A, %swap3A_71], %swap3A_74 {strides = array<i32>} : memref<125x16xf32, #tpu.memory_space<vmem>>, vector<1x16xf32>,
    }
    %scan3A_5 = arith.constant 125 : i32
    %broadcast_in_dim3A_6 = arith.constant 0.000000e+00 : f32
    %broadcast_in_dim3A_7 = vector.broadcast %broadcast_in_dim3A_6 : f32 to vector<16xf32>
    %scan3A_8 = arith.constant 0 : i32
    %scan3A_9 = arith.constant 0 : i32
    %scan3A_10 = arith.constant 64 : i32
    %scan3A_11 = arith.addi %scan3A_9, %scan3A_10 : i32
    %scan3A_12 = arith.constant 1 : i32
    scf.for %scan3A_70 = %scan3A_9 to %scan3A_11 step %scan3A_12  : i32 {
      %swap3A = arith.index_cast %scan3A_70 : i32 to index
      %swap3A_71 = arith.constant 0 : index
      %swap3A_72 = tpu.vector_load %arg7[%swap3A, %swap3A_71] {strides = array<i32>} : memref<64x16xf32, #tpu.memory_space<vmem>>, vector<1x16xf32>,
      %swap3A_73 = vector.shape_cast %swap3A_72 : vector<1x16xf32> to vector<16xf32>
      %swap3A_74 = vector.shape_cast %broadcast_in_dim3A_7 : vector<16xf32> to vector<1x16xf32>
      tpu.vector_store %arg7[%swap3A, %swap3A_71], %swap3A_74 {strides = array<i32>} : memref<64x16xf32, #tpu.memory_space<vmem>>, vector<1x16xf32>,
    }
    %scan3A_13 = arith.constant 64 : i32
    %mul3A = arith.constant 640 : i32
    %mul3A_14 = arith.muli %arg1, %mul3A : i32
    %add3A = arith.constant 0 : i32
    %add3A_15 = arith.addi %mul3A_14, %add3A : i32
    "tpu.region"() ({
      %run_scoped3A = tpu.sem_alloc : memref<!tpu.dma_semaphore, #tpu.memory_space<semaphore_mem>>
      %dma_start3A = arith.constant 0 : i32
      %dma_start3A_70 = tpu.memref_slice %arg8[%add3A_15, %dma_start3A] : memref<10240x16xf32, #tpu.memory_space<vmem_shared>> -> memref<64x16xf32, #tpu.memory_space<vmem_shared>>
      %dma_start3A_71 = arith.constant 0 : i32
      %dma_start3A_72 = tpu.memref_slice %arg8[%add3A_15, %dma_start3A_71] : memref<10240x16xf32, #tpu.memory_space<vmem_shared>> -> memref<64x16xf32, #tpu.memory_space<vmem_shared>>
      tpu.enqueue_dma source(%arg7 : memref<64x16xf32, #tpu.memory_space<vmem>>) target(%dma_start3A_72 : memref<64x16xf32, #tpu.memory_space<vmem_shared>>) target_semaphore(%run_scoped3A : memref<!tpu.dma_semaphore, #tpu.memory_space<semaphore_mem>>)
      %dma_wait3A = arith.constant 0 : i32
      %dma_wait3A_73 = tpu.memref_slice %arg8[%add3A_15, %dma_wait3A] : memref<10240x16xf32, #tpu.memory_space<vmem_shared>> -> memref<64x16xf32, #tpu.memory_space<vmem_shared>>
      %dma_wait3A_74 = arith.constant 0 : i32
      %dma_wait3A_75 = tpu.memref_slice %arg8[%add3A_15, %dma_wait3A_74] : memref<10240x16xf32, #tpu.memory_space<vmem_shared>> -> memref<64x16xf32, #tpu.memory_space<vmem_shared>>
      tpu.wait_dma2 semaphore(%run_scoped3A : memref<!tpu.dma_semaphore, #tpu.memory_space<semaphore_mem>>) src(%arg7 : memref<64x16xf32, #tpu.memory_space<vmem>>) dst(%dma_wait3A_75 : memref<64x16xf32, #tpu.memory_space<vmem_shared>>)
      tpu.yield
    }) : () -> ()
    %mul3A_16 = arith.constant 640 : i32
    %mul3A_17 = arith.muli %arg1, %mul3A_16 : i32
    %add3A_18 = arith.constant 64 : i32
    %add3A_19 = arith.addi %mul3A_17, %add3A_18 : i32
    "tpu.region"() ({
      %run_scoped3A = tpu.sem_alloc : memref<!tpu.dma_semaphore, #tpu.memory_space<semaphore_mem>>
      %dma_start3A = arith.constant 0 : i32
      %dma_start3A_70 = tpu.memref_slice %arg8[%add3A_19, %dma_start3A] : memref<10240x16xf32, #tpu.memory_space<vmem_shared>> -> memref<64x16xf32, #tpu.memory_space<vmem_shared>>
      %dma_start3A_71 = arith.constant 0 : i32
      %dma_start3A_72 = tpu.memref_slice %arg8[%add3A_19, %dma_start3A_71] : memref<10240x16xf32, #tpu.memory_space<vmem_shared>> -> memref<64x16xf32, #tpu.memory_space<vmem_shared>>
      tpu.enqueue_dma source(%arg7 : memref<64x16xf32, #tpu.memory_space<vmem>>) target(%dma_start3A_72 : memref<64x16xf32, #tpu.memory_space<vmem_shared>>) target_semaphore(%run_scoped3A : memref<!tpu.dma_semaphore, #tpu.memory_space<semaphore_mem>>)
      %dma_wait3A = arith.constant 0 : i32
      %dma_wait3A_73 = tpu.memref_slice %arg8[%add3A_19, %dma_wait3A] : memref<10240x16xf32, #tpu.memory_space<vmem_shared>> -> memref<64x16xf32, #tpu.memory_space<vmem_shared>>
      %dma_wait3A_74 = arith.constant 0 : i32
      %dma_wait3A_75 = tpu.memref_slice %arg8[%add3A_19, %dma_wait3A_74] : memref<10240x16xf32, #tpu.memory_space<vmem_shared>> -> memref<64x16xf32, #tpu.memory_space<vmem_shared>>
      tpu.wait_dma2 semaphore(%run_scoped3A : memref<!tpu.dma_semaphore, #tpu.memory_space<semaphore_mem>>) src(%arg7 : memref<64x16xf32, #tpu.memory_space<vmem>>) dst(%dma_wait3A_75 : memref<64x16xf32, #tpu.memory_space<vmem_shared>>)
      tpu.yield
    }) : () -> ()
    %mul3A_20 = arith.constant 640 : i32
    %mul3A_21 = arith.muli %arg1, %mul3A_20 : i32
    %add3A_22 = arith.constant 128 : i32
    %add3A_23 = arith.addi %mul3A_21, %add3A_22 : i32
    "tpu.region"() ({
      %run_scoped3A = tpu.sem_alloc : memref<!tpu.dma_semaphore, #tpu.memory_space<semaphore_mem>>
      %dma_start3A = arith.constant 0 : i32
      %dma_start3A_70 = tpu.memref_slice %arg8[%add3A_23, %dma_start3A] : memref<10240x16xf32, #tpu.memory_space<vmem_shared>> -> memref<64x16xf32, #tpu.memory_space<vmem_shared>>
      %dma_start3A_71 = arith.constant 0 : i32
      %dma_start3A_72 = tpu.memref_slice %arg8[%add3A_23, %dma_start3A_71] : memref<10240x16xf32, #tpu.memory_space<vmem_shared>> -> memref<64x16xf32, #tpu.memory_space<vmem_shared>>
      tpu.enqueue_dma source(%arg7 : memref<64x16xf32, #tpu.memory_space<vmem>>) target(%dma_start3A_72 : memref<64x16xf32, #tpu.memory_space<vmem_shared>>) target_semaphore(%run_scoped3A : memref<!tpu.dma_semaphore, #tpu.memory_space<semaphore_mem>>)
      %dma_wait3A = arith.constant 0 : i32
      %dma_wait3A_73 = tpu.memref_slice %arg8[%add3A_23, %dma_wait3A] : memref<10240x16xf32, #tpu.memory_space<vmem_shared>> -> memref<64x16xf32, #tpu.memory_space<vmem_shared>>
      %dma_wait3A_74 = arith.constant 0 : i32
      %dma_wait3A_75 = tpu.memref_slice %arg8[%add3A_23, %dma_wait3A_74] : memref<10240x16xf32, #tpu.memory_space<vmem_shared>> -> memref<64x16xf32, #tpu.memory_space<vmem_shared>>
      tpu.wait_dma2 semaphore(%run_scoped3A : memref<!tpu.dma_semaphore, #tpu.memory_space<semaphore_mem>>) src(%arg7 : memref<64x16xf32, #tpu.memory_space<vmem>>) dst(%dma_wait3A_75 : memref<64x16xf32, #tpu.memory_space<vmem_shared>>)
      tpu.yield
    }) : () -> ()
    %mul3A_24 = arith.constant 640 : i32
    %mul3A_25 = arith.muli %arg1, %mul3A_24 : i32
    %add3A_26 = arith.constant 192 : i32
    %add3A_27 = arith.addi %mul3A_25, %add3A_26 : i32
    "tpu.region"() ({
      %run_scoped3A = tpu.sem_alloc : memref<!tpu.dma_semaphore, #tpu.memory_space<semaphore_mem>>
      %dma_start3A = arith.constant 0 : i32
      %dma_start3A_70 = tpu.memref_slice %arg8[%add3A_27, %dma_start3A] : memref<10240x16xf32, #tpu.memory_space<vmem_shared>> -> memref<64x16xf32, #tpu.memory_space<vmem_shared>>
      %dma_start3A_71 = arith.constant 0 : i32
      %dma_start3A_72 = tpu.memref_slice %arg8[%add3A_27, %dma_start3A_71] : memref<10240x16xf32, #tpu.memory_space<vmem_shared>> -> memref<64x16xf32, #tpu.memory_space<vmem_shared>>
      tpu.enqueue_dma source(%arg7 : memref<64x16xf32, #tpu.memory_space<vmem>>) target(%dma_start3A_72 : memref<64x16xf32, #tpu.memory_space<vmem_shared>>) target_semaphore(%run_scoped3A : memref<!tpu.dma_semaphore, #tpu.memory_space<semaphore_mem>>)
      %dma_wait3A = arith.constant 0 : i32
      %dma_wait3A_73 = tpu.memref_slice %arg8[%add3A_27, %dma_wait3A] : memref<10240x16xf32, #tpu.memory_space<vmem_shared>> -> memref<64x16xf32, #tpu.memory_space<vmem_shared>>
      %dma_wait3A_74 = arith.constant 0 : i32
      %dma_wait3A_75 = tpu.memref_slice %arg8[%add3A_27, %dma_wait3A_74] : memref<10240x16xf32, #tpu.memory_space<vmem_shared>> -> memref<64x16xf32, #tpu.memory_space<vmem_shared>>
      tpu.wait_dma2 semaphore(%run_scoped3A : memref<!tpu.dma_semaphore, #tpu.memory_space<semaphore_mem>>) src(%arg7 : memref<64x16xf32, #tpu.memory_space<vmem>>) dst(%dma_wait3A_75 : memref<64x16xf32, #tpu.memory_space<vmem_shared>>)
      tpu.yield
    }) : () -> ()
    %mul3A_28 = arith.constant 640 : i32
    %mul3A_29 = arith.muli %arg1, %mul3A_28 : i32
    %add3A_30 = arith.constant 256 : i32
    %add3A_31 = arith.addi %mul3A_29, %add3A_30 : i32
    "tpu.region"() ({
      %run_scoped3A = tpu.sem_alloc : memref<!tpu.dma_semaphore, #tpu.memory_space<semaphore_mem>>
      %dma_start3A = arith.constant 0 : i32
      %dma_start3A_70 = tpu.memref_slice %arg8[%add3A_31, %dma_start3A] : memref<10240x16xf32, #tpu.memory_space<vmem_shared>> -> memref<64x16xf32, #tpu.memory_space<vmem_shared>>
      %dma_start3A_71 = arith.constant 0 : i32
      %dma_start3A_72 = tpu.memref_slice %arg8[%add3A_31, %dma_start3A_71] : memref<10240x16xf32, #tpu.memory_space<vmem_shared>> -> memref<64x16xf32, #tpu.memory_space<vmem_shared>>
      tpu.enqueue_dma source(%arg7 : memref<64x16xf32, #tpu.memory_space<vmem>>) target(%dma_start3A_72 : memref<64x16xf32, #tpu.memory_space<vmem_shared>>) target_semaphore(%run_scoped3A : memref<!tpu.dma_semaphore, #tpu.memory_space<semaphore_mem>>)
      %dma_wait3A = arith.constant 0 : i32
      %dma_wait3A_73 = tpu.memref_slice %arg8[%add3A_31, %dma_wait3A] : memref<10240x16xf32, #tpu.memory_space<vmem_shared>> -> memref<64x16xf32, #tpu.memory_space<vmem_shared>>
      %dma_wait3A_74 = arith.constant 0 : i32
      %dma_wait3A_75 = tpu.memref_slice %arg8[%add3A_31, %dma_wait3A_74] : memref<10240x16xf32, #tpu.memory_space<vmem_shared>> -> memref<64x16xf32, #tpu.memory_space<vmem_shared>>
      tpu.wait_dma2 semaphore(%run_scoped3A : memref<!tpu.dma_semaphore, #tpu.memory_space<semaphore_mem>>) src(%arg7 : memref<64x16xf32, #tpu.memory_space<vmem>>) dst(%dma_wait3A_75 : memref<64x16xf32, #tpu.memory_space<vmem_shared>>)
      tpu.yield
    }) : () -> ()
    %mul3A_32 = arith.constant 640 : i32
    %mul3A_33 = arith.muli %arg1, %mul3A_32 : i32
    %add3A_34 = arith.constant 320 : i32
    %add3A_35 = arith.addi %mul3A_33, %add3A_34 : i32
    "tpu.region"() ({
      %run_scoped3A = tpu.sem_alloc : memref<!tpu.dma_semaphore, #tpu.memory_space<semaphore_mem>>
      %dma_start3A = arith.constant 0 : i32
      %dma_start3A_70 = tpu.memref_slice %arg8[%add3A_35, %dma_start3A] : memref<10240x16xf32, #tpu.memory_space<vmem_shared>> -> memref<64x16xf32, #tpu.memory_space<vmem_shared>>
      %dma_start3A_71 = arith.constant 0 : i32
      %dma_start3A_72 = tpu.memref_slice %arg8[%add3A_35, %dma_start3A_71] : memref<10240x16xf32, #tpu.memory_space<vmem_shared>> -> memref<64x16xf32, #tpu.memory_space<vmem_shared>>
      tpu.enqueue_dma source(%arg7 : memref<64x16xf32, #tpu.memory_space<vmem>>) target(%dma_start3A_72 : memref<64x16xf32, #tpu.memory_space<vmem_shared>>) target_semaphore(%run_scoped3A : memref<!tpu.dma_semaphore, #tpu.memory_space<semaphore_mem>>)
      %dma_wait3A = arith.constant 0 : i32
      %dma_wait3A_73 = tpu.memref_slice %arg8[%add3A_35, %dma_wait3A] : memref<10240x16xf32, #tpu.memory_space<vmem_shared>> -> memref<64x16xf32, #tpu.memory_space<vmem_shared>>
      %dma_wait3A_74 = arith.constant 0 : i32
      %dma_wait3A_75 = tpu.memref_slice %arg8[%add3A_35, %dma_wait3A_74] : memref<10240x16xf32, #tpu.memory_space<vmem_shared>> -> memref<64x16xf32, #tpu.memory_space<vmem_shared>>
      tpu.wait_dma2 semaphore(%run_scoped3A : memref<!tpu.dma_semaphore, #tpu.memory_space<semaphore_mem>>) src(%arg7 : memref<64x16xf32, #tpu.memory_space<vmem>>) dst(%dma_wait3A_75 : memref<64x16xf32, #tpu.memory_space<vmem_shared>>)
      tpu.yield
    }) : () -> ()
    %mul3A_36 = arith.constant 640 : i32
    %mul3A_37 = arith.muli %arg1, %mul3A_36 : i32
    %add3A_38 = arith.constant 384 : i32
    %add3A_39 = arith.addi %mul3A_37, %add3A_38 : i32
    "tpu.region"() ({
      %run_scoped3A = tpu.sem_alloc : memref<!tpu.dma_semaphore, #tpu.memory_space<semaphore_mem>>
      %dma_start3A = arith.constant 0 : i32
      %dma_start3A_70 = tpu.memref_slice %arg8[%add3A_39, %dma_start3A] : memref<10240x16xf32, #tpu.memory_space<vmem_shared>> -> memref<64x16xf32, #tpu.memory_space<vmem_shared>>
      %dma_start3A_71 = arith.constant 0 : i32
      %dma_start3A_72 = tpu.memref_slice %arg8[%add3A_39, %dma_start3A_71] : memref<10240x16xf32, #tpu.memory_space<vmem_shared>> -> memref<64x16xf32, #tpu.memory_space<vmem_shared>>
      tpu.enqueue_dma source(%arg7 : memref<64x16xf32, #tpu.memory_space<vmem>>) target(%dma_start3A_72 : memref<64x16xf32, #tpu.memory_space<vmem_shared>>) target_semaphore(%run_scoped3A : memref<!tpu.dma_semaphore, #tpu.memory_space<semaphore_mem>>)
      %dma_wait3A = arith.constant 0 : i32
      %dma_wait3A_73 = tpu.memref_slice %arg8[%add3A_39, %dma_wait3A] : memref<10240x16xf32, #tpu.memory_space<vmem_shared>> -> memref<64x16xf32, #tpu.memory_space<vmem_shared>>
      %dma_wait3A_74 = arith.constant 0 : i32
      %dma_wait3A_75 = tpu.memref_slice %arg8[%add3A_39, %dma_wait3A_74] : memref<10240x16xf32, #tpu.memory_space<vmem_shared>> -> memref<64x16xf32, #tpu.memory_space<vmem_shared>>
      tpu.wait_dma2 semaphore(%run_scoped3A : memref<!tpu.dma_semaphore, #tpu.memory_space<semaphore_mem>>) src(%arg7 : memref<64x16xf32, #tpu.memory_space<vmem>>) dst(%dma_wait3A_75 : memref<64x16xf32, #tpu.memory_space<vmem_shared>>)
      tpu.yield
    }) : () -> ()
    %mul3A_40 = arith.constant 640 : i32
    %mul3A_41 = arith.muli %arg1, %mul3A_40 : i32
    %add3A_42 = arith.constant 448 : i32
    %add3A_43 = arith.addi %mul3A_41, %add3A_42 : i32
    "tpu.region"() ({
      %run_scoped3A = tpu.sem_alloc : memref<!tpu.dma_semaphore, #tpu.memory_space<semaphore_mem>>
      %dma_start3A = arith.constant 0 : i32
      %dma_start3A_70 = tpu.memref_slice %arg8[%add3A_43, %dma_start3A] : memref<10240x16xf32, #tpu.memory_space<vmem_shared>> -> memref<64x16xf32, #tpu.memory_space<vmem_shared>>
      %dma_start3A_71 = arith.constant 0 : i32
      %dma_start3A_72 = tpu.memref_slice %arg8[%add3A_43, %dma_start3A_71] : memref<10240x16xf32, #tpu.memory_space<vmem_shared>> -> memref<64x16xf32, #tpu.memory_space<vmem_shared>>
      tpu.enqueue_dma source(%arg7 : memref<64x16xf32, #tpu.memory_space<vmem>>) target(%dma_start3A_72 : memref<64x16xf32, #tpu.memory_space<vmem_shared>>) target_semaphore(%run_scoped3A : memref<!tpu.dma_semaphore, #tpu.memory_space<semaphore_mem>>)
      %dma_wait3A = arith.constant 0 : i32
      %dma_wait3A_73 = tpu.memref_slice %arg8[%add3A_43, %dma_wait3A] : memref<10240x16xf32, #tpu.memory_space<vmem_shared>> -> memref<64x16xf32, #tpu.memory_space<vmem_shared>>
      %dma_wait3A_74 = arith.constant 0 : i32
      %dma_wait3A_75 = tpu.memref_slice %arg8[%add3A_43, %dma_wait3A_74] : memref<10240x16xf32, #tpu.memory_space<vmem_shared>> -> memref<64x16xf32, #tpu.memory_space<vmem_shared>>
      tpu.wait_dma2 semaphore(%run_scoped3A : memref<!tpu.dma_semaphore, #tpu.memory_space<semaphore_mem>>) src(%arg7 : memref<64x16xf32, #tpu.memory_space<vmem>>) dst(%dma_wait3A_75 : memref<64x16xf32, #tpu.memory_space<vmem_shared>>)
      tpu.yield
    }) : () -> ()
    %mul3A_44 = arith.constant 640 : i32
    %mul3A_45 = arith.muli %arg1, %mul3A_44 : i32
    %add3A_46 = arith.constant 512 : i32
    %add3A_47 = arith.addi %mul3A_45, %add3A_46 : i32
    "tpu.region"() ({
      %run_scoped3A = tpu.sem_alloc : memref<!tpu.dma_semaphore, #tpu.memory_space<semaphore_mem>>
      %dma_start3A = arith.constant 0 : i32
      %dma_start3A_70 = tpu.memref_slice %arg8[%add3A_47, %dma_start3A] : memref<10240x16xf32, #tpu.memory_space<vmem_shared>> -> memref<64x16xf32, #tpu.memory_space<vmem_shared>>
      %dma_start3A_71 = arith.constant 0 : i32
      %dma_start3A_72 = tpu.memref_slice %arg8[%add3A_47, %dma_start3A_71] : memref<10240x16xf32, #tpu.memory_space<vmem_shared>> -> memref<64x16xf32, #tpu.memory_space<vmem_shared>>
      tpu.enqueue_dma source(%arg7 : memref<64x16xf32, #tpu.memory_space<vmem>>) target(%dma_start3A_72 : memref<64x16xf32, #tpu.memory_space<vmem_shared>>) target_semaphore(%run_scoped3A : memref<!tpu.dma_semaphore, #tpu.memory_space<semaphore_mem>>)
      %dma_wait3A = arith.constant 0 : i32
      %dma_wait3A_73 = tpu.memref_slice %arg8[%add3A_47, %dma_wait3A] : memref<10240x16xf32, #tpu.memory_space<vmem_shared>> -> memref<64x16xf32, #tpu.memory_space<vmem_shared>>
      %dma_wait3A_74 = arith.constant 0 : i32
      %dma_wait3A_75 = tpu.memref_slice %arg8[%add3A_47, %dma_wait3A_74] : memref<10240x16xf32, #tpu.memory_space<vmem_shared>> -> memref<64x16xf32, #tpu.memory_space<vmem_shared>>
      tpu.wait_dma2 semaphore(%run_scoped3A : memref<!tpu.dma_semaphore, #tpu.memory_space<semaphore_mem>>) src(%arg7 : memref<64x16xf32, #tpu.memory_space<vmem>>) dst(%dma_wait3A_75 : memref<64x16xf32, #tpu.memory_space<vmem_shared>>)
      tpu.yield
    }) : () -> ()
    %mul3A_48 = arith.constant 640 : i32
    %mul3A_49 = arith.muli %arg1, %mul3A_48 : i32
    %add3A_50 = arith.constant 576 : i32
    %add3A_51 = arith.addi %mul3A_49, %add3A_50 : i32
    "tpu.region"() ({
      %run_scoped3A = tpu.sem_alloc : memref<!tpu.dma_semaphore, #tpu.memory_space<semaphore_mem>>
      %dma_start3A = arith.constant 0 : i32
      %dma_start3A_70 = tpu.memref_slice %arg8[%add3A_51, %dma_start3A] : memref<10240x16xf32, #tpu.memory_space<vmem_shared>> -> memref<64x16xf32, #tpu.memory_space<vmem_shared>>
      %dma_start3A_71 = arith.constant 0 : i32
      %dma_start3A_72 = tpu.memref_slice %arg8[%add3A_51, %dma_start3A_71] : memref<10240x16xf32, #tpu.memory_space<vmem_shared>> -> memref<64x16xf32, #tpu.memory_space<vmem_shared>>
      tpu.enqueue_dma source(%arg7 : memref<64x16xf32, #tpu.memory_space<vmem>>) target(%dma_start3A_72 : memref<64x16xf32, #tpu.memory_space<vmem_shared>>) target_semaphore(%run_scoped3A : memref<!tpu.dma_semaphore, #tpu.memory_space<semaphore_mem>>)
      %dma_wait3A = arith.constant 0 : i32
      %dma_wait3A_73 = tpu.memref_slice %arg8[%add3A_51, %dma_wait3A] : memref<10240x16xf32, #tpu.memory_space<vmem_shared>> -> memref<64x16xf32, #tpu.memory_space<vmem_shared>>
      %dma_wait3A_74 = arith.constant 0 : i32
      %dma_wait3A_75 = tpu.memref_slice %arg8[%add3A_51, %dma_wait3A_74] : memref<10240x16xf32, #tpu.memory_space<vmem_shared>> -> memref<64x16xf32, #tpu.memory_space<vmem_shared>>
      tpu.wait_dma2 semaphore(%run_scoped3A : memref<!tpu.dma_semaphore, #tpu.memory_space<semaphore_mem>>) src(%arg7 : memref<64x16xf32, #tpu.memory_space<vmem>>) dst(%dma_wait3A_75 : memref<64x16xf32, #tpu.memory_space<vmem_shared>>)
      tpu.yield
    }) : () -> ()
    %barrier3A = arith.constant 0 : index
    tpu.barrier barrier_id(%barrier3A)
    %eq3A = arith.constant 0 : i32
    %eq3A_52 = arith.cmpi eq, %arg0, %eq3A : i32
    %convert_element_type3A = arith.extui %eq3A_52 : i1 to i32
    %cond3A = arith.constant 0 : i32
    %cond3A_53 = arith.cmpi ne, %convert_element_type3A, %cond3A : i32
    scf.if %cond3A_53 {
      %mul3A_70 = arith.constant 160 : i32
      %mul3A_71 = arith.muli %arg1, %mul3A_70 : i32
      "tpu.region"() ({
        %run_scoped3A = tpu.sem_alloc : memref<!tpu.dma_semaphore, #tpu.memory_space<semaphore_mem>>
        %dma_start3A = arith.constant 0 : i32
        %dma_start3A_72 = tpu.memref_slice %arg2[%mul3A_71, %dma_start3A] : memref<2560x125xi32, #tpu.memory_space<hbm>> -> memref<160x125xi32, #tpu.memory_space<hbm>>
        %dma_start3A_73 = arith.constant 0 : i32
        %dma_start3A_74 = tpu.memref_slice %arg2[%mul3A_71, %dma_start3A_73] : memref<2560x125xi32, #tpu.memory_space<hbm>> -> memref<160x125xi32, #tpu.memory_space<hbm>>
        tpu.enqueue_dma source(%dma_start3A_74 : memref<160x125xi32, #tpu.memory_space<hbm>>) target(%arg5 : memref<160x125xi32, #tpu.memory_space<vmem>>) target_semaphore(%run_scoped3A : memref<!tpu.dma_semaphore, #tpu.memory_space<semaphore_mem>>)
        %dma_wait3A = arith.constant 0 : i32
        %dma_wait3A_75 = tpu.memref_slice %arg2[%mul3A_71, %dma_wait3A] : memref<2560x125xi32, #tpu.memory_space<hbm>> -> memref<160x125xi32, #tpu.memory_space<hbm>>
        %dma_wait3A_76 = arith.constant 0 : i32
        %dma_wait3A_77 = tpu.memref_slice %arg2[%mul3A_71, %dma_wait3A_76] : memref<2560x125xi32, #tpu.memory_space<hbm>> -> memref<160x125xi32, #tpu.memory_space<hbm>>
        tpu.wait_dma2 semaphore(%run_scoped3A : memref<!tpu.dma_semaphore, #tpu.memory_space<semaphore_mem>>) src(%dma_wait3A_77 : memref<160x125xi32, #tpu.memory_space<hbm>>) dst(%arg5 : memref<160x125xi32, #tpu.memory_space<vmem>>)
        tpu.yield
      }) : () -> ()
    } else {
    }
    %eq3A_54 = arith.constant 1 : i32
    %eq3A_55 = arith.cmpi eq, %arg0, %eq3A_54 : i32
    %convert_element_type3A_56 = arith.extui %eq3A_55 : i1 to i32
    %cond3A_57 = arith.constant 0 : i32
    %cond3A_58 = arith.cmpi ne, %convert_element_type3A_56, %cond3A_57 : i32
    scf.if %cond3A_58 {
      %mul3A_70 = arith.constant 160 : i32
      %mul3A_71 = arith.muli %arg1, %mul3A_70 : i32
      "tpu.region"() ({
        %run_scoped3A = tpu.sem_alloc : memref<!tpu.dma_semaphore, #tpu.memory_space<semaphore_mem>>
        %dma_start3A = arith.constant 0 : i32
        %dma_start3A_72 = tpu.memref_slice %arg3[%mul3A_71, %dma_start3A] : memref<2560x125xi32, #tpu.memory_space<hbm>> -> memref<160x125xi32, #tpu.memory_space<hbm>>
        %dma_start3A_73 = arith.constant 0 : i32
        %dma_start3A_74 = tpu.memref_slice %arg3[%mul3A_71, %dma_start3A_73] : memref<2560x125xi32, #tpu.memory_space<hbm>> -> memref<160x125xi32, #tpu.memory_space<hbm>>
        tpu.enqueue_dma source(%dma_start3A_74 : memref<160x125xi32, #tpu.memory_space<hbm>>) target(%arg5 : memref<160x125xi32, #tpu.memory_space<vmem>>) target_semaphore(%run_scoped3A : memref<!tpu.dma_semaphore, #tpu.memory_space<semaphore_mem>>)
        %dma_wait3A = arith.constant 0 : i32
        %dma_wait3A_75 = tpu.memref_slice %arg3[%mul3A_71, %dma_wait3A] : memref<2560x125xi32, #tpu.memory_space<hbm>> -> memref<160x125xi32, #tpu.memory_space<hbm>>
        %dma_wait3A_76 = arith.constant 0 : i32
        %dma_wait3A_77 = tpu.memref_slice %arg3[%mul3A_71, %dma_wait3A_76] : memref<2560x125xi32, #tpu.memory_space<hbm>> -> memref<160x125xi32, #tpu.memory_space<hbm>>
        tpu.wait_dma2 semaphore(%run_scoped3A : memref<!tpu.dma_semaphore, #tpu.memory_space<semaphore_mem>>) src(%dma_wait3A_77 : memref<160x125xi32, #tpu.memory_space<hbm>>) dst(%arg5 : memref<160x125xi32, #tpu.memory_space<vmem>>)
        tpu.yield
      }) : () -> ()
    } else {
    }
    %scan3A_59 = arith.constant 0 : i32
    %scan3A_60 = arith.constant 0 : i32
    %scan3A_61 = arith.constant 160 : i32
    %scan3A_62 = arith.addi %scan3A_60, %scan3A_61 : i32
    %scan3A_63 = arith.constant 1 : i32
    scf.for %scan3A_70 = %scan3A_60 to %scan3A_62 step %scan3A_63  : i32 {
      "tpu.region"() ({
        %run_scoped3A = tpu.sem_alloc : memref<!tpu.dma_semaphore, #tpu.memory_space<semaphore_mem>>
        %dma_start3A = arith.constant 0 : i32
        %dma_start3A_71 = tpu.memref_slice %arg5[%scan3A_70, %dma_start3A] : memref<160x125xi32, #tpu.memory_space<vmem>> -> memref<1x125xi32, #tpu.memory_space<vmem>>
        %dma_start3A_72 = tpu.memref_squeeze %dma_start3A_71 : memref<1x125xi32, #tpu.memory_space<vmem>> -> memref<125xi32, #tpu.memory_space<vmem>>
        %dma_start3A_73 = arith.constant 0 : i32
        %dma_start3A_74 = arith.constant 0 : i32
        %dma_start3A_75 = tpu.memref_slice %arg8[%dma_start3A_73, %dma_start3A_74] : memref<10240x16xf32, #tpu.memory_space<vmem_shared>> -> memref<10240x16xf32, #tpu.memory_space<vmem_shared>>
        tpu.enqueue_indirect_dma source(%arg6 : memref<125x16xf32, #tpu.memory_space<vmem>>) target(%dma_start3A_75 : memref<10240x16xf32, #tpu.memory_space<vmem_shared>>) offsets(%dma_start3A_72 : memref<125xi32, #tpu.memory_space<vmem>>) semaphore(%run_scoped3A : memref<!tpu.dma_semaphore, #tpu.memory_space<semaphore_mem>>) {add = true}
        %dma_wait3A = arith.constant 0 : i32
        %dma_wait3A_76 = tpu.memref_slice %arg5[%scan3A_70, %dma_wait3A] : memref<160x125xi32, #tpu.memory_space<vmem>> -> memref<1x125xi32, #tpu.memory_space<vmem>>
        %dma_wait3A_77 = tpu.memref_squeeze %dma_wait3A_76 : memref<1x125xi32, #tpu.memory_space<vmem>> -> memref<125xi32, #tpu.memory_space<vmem>>
        %dma_wait3A_78 = arith.constant 0 : i32
        %dma_wait3A_79 = arith.constant 0 : i32
        %dma_wait3A_80 = tpu.memref_slice %arg8[%dma_wait3A_78, %dma_wait3A_79] : memref<10240x16xf32, #tpu.memory_space<vmem_shared>> -> memref<10240x16xf32, #tpu.memory_space<vmem_shared>>
        tpu.wait_indirect_dma semaphore(%run_scoped3A : memref<!tpu.dma_semaphore, #tpu.memory_space<semaphore_mem>>) src(%arg6 : memref<125x16xf32, #tpu.memory_space<vmem>>) dst(%dma_wait3A_80 : memref<10240x16xf32, #tpu.memory_space<vmem_shared>>)
        tpu.yield
      }) : () -> ()
    }
    %scan3A_64 = arith.constant 160 : i32
    %barrier3A_65 = arith.constant 0 : index
    tpu.barrier barrier_id(%barrier3A_65)
    %mul3A_66 = arith.constant 640 : i32
    %mul3A_67 = arith.muli %arg1, %mul3A_66 : i32
    %mul3A_68 = arith.constant 640 : i32
    %mul3A_69 = arith.muli %arg1, %mul3A_68 : i32
    "tpu.region"() ({
      %run_scoped3A = tpu.sem_alloc : memref<!tpu.dma_semaphore, #tpu.memory_space<semaphore_mem>>
      %dma_start3A = arith.constant 0 : i32
      %dma_start3A_70 = tpu.memref_slice %arg4[%arg0, %mul3A_69, %dma_start3A] : memref<2x10240x16xf32, #tpu.memory_space<hbm>> -> memref<1x640x16xf32, #tpu.memory_space<hbm>>
      %dma_start3A_71 = tpu.memref_squeeze %dma_start3A_70 : memref<1x640x16xf32, #tpu.memory_space<hbm>> -> memref<640x16xf32, #tpu.memory_space<hbm>>
      %dma_start3A_72 = arith.constant 0 : i32
      %dma_start3A_73 = tpu.memref_slice %arg8[%mul3A_67, %dma_start3A_72] : memref<10240x16xf32, #tpu.memory_space<vmem_shared>> -> memref<640x16xf32, #tpu.memory_space<vmem_shared>>
      tpu.enqueue_dma source(%dma_start3A_73 : memref<640x16xf32, #tpu.memory_space<vmem_shared>>) target(%dma_start3A_71 : memref<640x16xf32, #tpu.memory_space<hbm>>) target_semaphore(%run_scoped3A : memref<!tpu.dma_semaphore, #tpu.memory_space<semaphore_mem>>)
      %dma_wait3A = arith.constant 0 : i32
      %dma_wait3A_74 = tpu.memref_slice %arg4[%arg0, %mul3A_69, %dma_wait3A] : memref<2x10240x16xf32, #tpu.memory_space<hbm>> -> memref<1x640x16xf32, #tpu.memory_space<hbm>>
      %dma_wait3A_75 = tpu.memref_squeeze %dma_wait3A_74 : memref<1x640x16xf32, #tpu.memory_space<hbm>> -> memref<640x16xf32, #tpu.memory_space<hbm>>
      %dma_wait3A_76 = arith.constant 0 : i32
      %dma_wait3A_77 = tpu.memref_slice %arg8[%mul3A_67, %dma_wait3A_76] : memref<10240x16xf32, #tpu.memory_space<vmem_shared>> -> memref<640x16xf32, #tpu.memory_space<vmem_shared>>
      tpu.wait_dma2 semaphore(%run_scoped3A : memref<!tpu.dma_semaphore, #tpu.memory_space<semaphore_mem>>) src(%dma_wait3A_77 : memref<640x16xf32, #tpu.memory_space<vmem_shared>>) dst(%dma_wait3A_75 : memref<640x16xf32, #tpu.memory_space<hbm>>)
      tpu.yield
    }) : () -> ()
    return
  }
}

#map = affine_map<(d0, d1) -> (0, 0)>
#map1 = affine_map<(d0, d1) -> (0, 0, 0)>
module attributes {stable_mosaic.version = 14 : i64} {
  func.func @_agg2_kernel(%arg0: i32, %arg1: i32, %arg2: memref<10240x128xf32, #tpu.memory_space<hbm>>, %arg3: memref<10240x128xf32, #tpu.memory_space<hbm>>, %arg4: memref<2560x125xi32, #tpu.memory_space<hbm>>, %arg5: memref<2560x125xi32, #tpu.memory_space<hbm>>, %arg6: memref<2x10240x128xf32, #tpu.memory_space<hbm>>, %arg7: memref<80x125xi32, #tpu.memory_space<vmem>>, %arg8: memref<80x125xi32, #tpu.memory_space<vmem>>, %arg9: memref<125x128xf32, #tpu.memory_space<vmem>>, %arg10: memref<64x128xf32, #tpu.memory_space<vmem>>, %arg11: memref<10240x128xf32, #tpu.memory_space<vmem_shared>>, %arg12: memref<!tpu.dma_semaphore, #tpu.memory_space<semaphore_mem>>) attributes {dimension_semantics = [#tpu.dimension_semantics<core_parallel>, #tpu.dimension_semantics<subcore_parallel>], iteration_bounds = array<i64: 2, 16>, scalar_prefetch = 0 : i64, scratch_operands = 6 : i64, tpu.core_type = #tpu.core_type<sc_vector_subcore>, window_params = [{transform_indices = #map}, {transform_indices = #map}, {transform_indices = #map}, {transform_indices = #map}, {transform_indices = #map1}]} {
    %broadcast_in_dim3A = arith.constant 0.000000e+00 : f32
    %broadcast_in_dim3A_0 = vector.broadcast %broadcast_in_dim3A : f32 to vector<16xf32>
    %scan3A = arith.constant 0 : i32
    %scan3A_1 = arith.constant 0 : i32
    %scan3A_2 = arith.constant 64 : i32
    %scan3A_3 = arith.addi %scan3A_1, %scan3A_2 : i32
    %scan3A_4 = arith.constant 1 : i32
    scf.for %scan3A_56 = %scan3A_1 to %scan3A_3 step %scan3A_4  : i32 {
      %swap3A = arith.index_cast %scan3A_56 : i32 to index
      %swap3A_57 = arith.constant 0 : index
      %swap3A_58 = tpu.vector_load %arg10[%swap3A, %swap3A_57] {strides = array<i32>} : memref<64x128xf32, #tpu.memory_space<vmem>>, vector<1x16xf32>,
      %swap3A_59 = vector.shape_cast %swap3A_58 : vector<1x16xf32> to vector<16xf32>
      %swap3A_60 = vector.shape_cast %broadcast_in_dim3A_0 : vector<16xf32> to vector<1x16xf32>
      tpu.vector_store %arg10[%swap3A, %swap3A_57], %swap3A_60 {strides = array<i32>} : memref<64x128xf32, #tpu.memory_space<vmem>>, vector<1x16xf32>,
      %swap3A_61 = arith.index_cast %scan3A_56 : i32 to index
      %swap3A_62 = arith.constant 16 : index
      %swap3A_63 = tpu.vector_load %arg10[%swap3A_61, %swap3A_62] {strides = array<i32>} : memref<64x128xf32, #tpu.memory_space<vmem>>, vector<1x16xf32>,
      %swap3A_64 = vector.shape_cast %swap3A_63 : vector<1x16xf32> to vector<16xf32>
      %swap3A_65 = vector.shape_cast %broadcast_in_dim3A_0 : vector<16xf32> to vector<1x16xf32>
      tpu.vector_store %arg10[%swap3A_61, %swap3A_62], %swap3A_65 {strides = array<i32>} : memref<64x128xf32, #tpu.memory_space<vmem>>, vector<1x16xf32>,
      %swap3A_66 = arith.index_cast %scan3A_56 : i32 to index
      %swap3A_67 = arith.constant 32 : index
      %swap3A_68 = tpu.vector_load %arg10[%swap3A_66, %swap3A_67] {strides = array<i32>} : memref<64x128xf32, #tpu.memory_space<vmem>>, vector<1x16xf32>,
      %swap3A_69 = vector.shape_cast %swap3A_68 : vector<1x16xf32> to vector<16xf32>
      %swap3A_70 = vector.shape_cast %broadcast_in_dim3A_0 : vector<16xf32> to vector<1x16xf32>
      tpu.vector_store %arg10[%swap3A_66, %swap3A_67], %swap3A_70 {strides = array<i32>} : memref<64x128xf32, #tpu.memory_space<vmem>>, vector<1x16xf32>,
      %swap3A_71 = arith.index_cast %scan3A_56 : i32 to index
      %swap3A_72 = arith.constant 48 : index
      %swap3A_73 = tpu.vector_load %arg10[%swap3A_71, %swap3A_72] {strides = array<i32>} : memref<64x128xf32, #tpu.memory_space<vmem>>, vector<1x16xf32>,
      %swap3A_74 = vector.shape_cast %swap3A_73 : vector<1x16xf32> to vector<16xf32>
      %swap3A_75 = vector.shape_cast %broadcast_in_dim3A_0 : vector<16xf32> to vector<1x16xf32>
      tpu.vector_store %arg10[%swap3A_71, %swap3A_72], %swap3A_75 {strides = array<i32>} : memref<64x128xf32, #tpu.memory_space<vmem>>, vector<1x16xf32>,
      %swap3A_76 = arith.index_cast %scan3A_56 : i32 to index
      %swap3A_77 = arith.constant 64 : index
      %swap3A_78 = tpu.vector_load %arg10[%swap3A_76, %swap3A_77] {strides = array<i32>} : memref<64x128xf32, #tpu.memory_space<vmem>>, vector<1x16xf32>,
      %swap3A_79 = vector.shape_cast %swap3A_78 : vector<1x16xf32> to vector<16xf32>
      %swap3A_80 = vector.shape_cast %broadcast_in_dim3A_0 : vector<16xf32> to vector<1x16xf32>
      tpu.vector_store %arg10[%swap3A_76, %swap3A_77], %swap3A_80 {strides = array<i32>} : memref<64x128xf32, #tpu.memory_space<vmem>>, vector<1x16xf32>,
      %swap3A_81 = arith.index_cast %scan3A_56 : i32 to index
      %swap3A_82 = arith.constant 80 : index
      %swap3A_83 = tpu.vector_load %arg10[%swap3A_81, %swap3A_82] {strides = array<i32>} : memref<64x128xf32, #tpu.memory_space<vmem>>, vector<1x16xf32>,
      %swap3A_84 = vector.shape_cast %swap3A_83 : vector<1x16xf32> to vector<16xf32>
      %swap3A_85 = vector.shape_cast %broadcast_in_dim3A_0 : vector<16xf32> to vector<1x16xf32>
      tpu.vector_store %arg10[%swap3A_81, %swap3A_82], %swap3A_85 {strides = array<i32>} : memref<64x128xf32, #tpu.memory_space<vmem>>, vector<1x16xf32>,
      %swap3A_86 = arith.index_cast %scan3A_56 : i32 to index
      %swap3A_87 = arith.constant 96 : index
      %swap3A_88 = tpu.vector_load %arg10[%swap3A_86, %swap3A_87] {strides = array<i32>} : memref<64x128xf32, #tpu.memory_space<vmem>>, vector<1x16xf32>,
      %swap3A_89 = vector.shape_cast %swap3A_88 : vector<1x16xf32> to vector<16xf32>
      %swap3A_90 = vector.shape_cast %broadcast_in_dim3A_0 : vector<16xf32> to vector<1x16xf32>
      tpu.vector_store %arg10[%swap3A_86, %swap3A_87], %swap3A_90 {strides = array<i32>} : memref<64x128xf32, #tpu.memory_space<vmem>>, vector<1x16xf32>,
      %swap3A_91 = arith.index_cast %scan3A_56 : i32 to index
      %swap3A_92 = arith.constant 112 : index
      %swap3A_93 = tpu.vector_load %arg10[%swap3A_91, %swap3A_92] {strides = array<i32>} : memref<64x128xf32, #tpu.memory_space<vmem>>, vector<1x16xf32>,
      %swap3A_94 = vector.shape_cast %swap3A_93 : vector<1x16xf32> to vector<16xf32>
      %swap3A_95 = vector.shape_cast %broadcast_in_dim3A_0 : vector<16xf32> to vector<1x16xf32>
      tpu.vector_store %arg10[%swap3A_91, %swap3A_92], %swap3A_95 {strides = array<i32>} : memref<64x128xf32, #tpu.memory_space<vmem>>, vector<1x16xf32>,
    }
    %scan3A_5 = arith.constant 64 : i32
    %mul3A = arith.constant 640 : i32
    %mul3A_6 = arith.muli %arg1, %mul3A : i32
    %add3A = arith.constant 0 : i32
    %add3A_7 = arith.addi %mul3A_6, %add3A : i32
    "tpu.region"() ({
      %run_scoped3A = tpu.sem_alloc : memref<!tpu.dma_semaphore, #tpu.memory_space<semaphore_mem>>
      %dma_start3A = arith.constant 0 : i32
      %dma_start3A_56 = tpu.memref_slice %arg11[%add3A_7, %dma_start3A] : memref<10240x128xf32, #tpu.memory_space<vmem_shared>> -> memref<64x128xf32, #tpu.memory_space<vmem_shared>>
      %dma_start3A_57 = arith.constant 0 : i32
      %dma_start3A_58 = tpu.memref_slice %arg11[%add3A_7, %dma_start3A_57] : memref<10240x128xf32, #tpu.memory_space<vmem_shared>> -> memref<64x128xf32, #tpu.memory_space<vmem_shared>>
      tpu.enqueue_dma source(%arg10 : memref<64x128xf32, #tpu.memory_space<vmem>>) target(%dma_start3A_58 : memref<64x128xf32, #tpu.memory_space<vmem_shared>>) target_semaphore(%run_scoped3A : memref<!tpu.dma_semaphore, #tpu.memory_space<semaphore_mem>>)
      %dma_wait3A = arith.constant 0 : i32
      %dma_wait3A_59 = tpu.memref_slice %arg11[%add3A_7, %dma_wait3A] : memref<10240x128xf32, #tpu.memory_space<vmem_shared>> -> memref<64x128xf32, #tpu.memory_space<vmem_shared>>
      %dma_wait3A_60 = arith.constant 0 : i32
      %dma_wait3A_61 = tpu.memref_slice %arg11[%add3A_7, %dma_wait3A_60] : memref<10240x128xf32, #tpu.memory_space<vmem_shared>> -> memref<64x128xf32, #tpu.memory_space<vmem_shared>>
      tpu.wait_dma2 semaphore(%run_scoped3A : memref<!tpu.dma_semaphore, #tpu.memory_space<semaphore_mem>>) src(%arg10 : memref<64x128xf32, #tpu.memory_space<vmem>>) dst(%dma_wait3A_61 : memref<64x128xf32, #tpu.memory_space<vmem_shared>>)
      tpu.yield
    }) : () -> ()
    %mul3A_8 = arith.constant 640 : i32
    %mul3A_9 = arith.muli %arg1, %mul3A_8 : i32
    %add3A_10 = arith.constant 64 : i32
    %add3A_11 = arith.addi %mul3A_9, %add3A_10 : i32
    "tpu.region"() ({
      %run_scoped3A = tpu.sem_alloc : memref<!tpu.dma_semaphore, #tpu.memory_space<semaphore_mem>>
      %dma_start3A = arith.constant 0 : i32
      %dma_start3A_56 = tpu.memref_slice %arg11[%add3A_11, %dma_start3A] : memref<10240x128xf32, #tpu.memory_space<vmem_shared>> -> memref<64x128xf32, #tpu.memory_space<vmem_shared>>
      %dma_start3A_57 = arith.constant 0 : i32
      %dma_start3A_58 = tpu.memref_slice %arg11[%add3A_11, %dma_start3A_57] : memref<10240x128xf32, #tpu.memory_space<vmem_shared>> -> memref<64x128xf32, #tpu.memory_space<vmem_shared>>
      tpu.enqueue_dma source(%arg10 : memref<64x128xf32, #tpu.memory_space<vmem>>) target(%dma_start3A_58 : memref<64x128xf32, #tpu.memory_space<vmem_shared>>) target_semaphore(%run_scoped3A : memref<!tpu.dma_semaphore, #tpu.memory_space<semaphore_mem>>)
      %dma_wait3A = arith.constant 0 : i32
      %dma_wait3A_59 = tpu.memref_slice %arg11[%add3A_11, %dma_wait3A] : memref<10240x128xf32, #tpu.memory_space<vmem_shared>> -> memref<64x128xf32, #tpu.memory_space<vmem_shared>>
      %dma_wait3A_60 = arith.constant 0 : i32
      %dma_wait3A_61 = tpu.memref_slice %arg11[%add3A_11, %dma_wait3A_60] : memref<10240x128xf32, #tpu.memory_space<vmem_shared>> -> memref<64x128xf32, #tpu.memory_space<vmem_shared>>
      tpu.wait_dma2 semaphore(%run_scoped3A : memref<!tpu.dma_semaphore, #tpu.memory_space<semaphore_mem>>) src(%arg10 : memref<64x128xf32, #tpu.memory_space<vmem>>) dst(%dma_wait3A_61 : memref<64x128xf32, #tpu.memory_space<vmem_shared>>)
      tpu.yield
    }) : () -> ()
    %mul3A_12 = arith.constant 640 : i32
    %mul3A_13 = arith.muli %arg1, %mul3A_12 : i32
    %add3A_14 = arith.constant 128 : i32
    %add3A_15 = arith.addi %mul3A_13, %add3A_14 : i32
    "tpu.region"() ({
      %run_scoped3A = tpu.sem_alloc : memref<!tpu.dma_semaphore, #tpu.memory_space<semaphore_mem>>
      %dma_start3A = arith.constant 0 : i32
      %dma_start3A_56 = tpu.memref_slice %arg11[%add3A_15, %dma_start3A] : memref<10240x128xf32, #tpu.memory_space<vmem_shared>> -> memref<64x128xf32, #tpu.memory_space<vmem_shared>>
      %dma_start3A_57 = arith.constant 0 : i32
      %dma_start3A_58 = tpu.memref_slice %arg11[%add3A_15, %dma_start3A_57] : memref<10240x128xf32, #tpu.memory_space<vmem_shared>> -> memref<64x128xf32, #tpu.memory_space<vmem_shared>>
      tpu.enqueue_dma source(%arg10 : memref<64x128xf32, #tpu.memory_space<vmem>>) target(%dma_start3A_58 : memref<64x128xf32, #tpu.memory_space<vmem_shared>>) target_semaphore(%run_scoped3A : memref<!tpu.dma_semaphore, #tpu.memory_space<semaphore_mem>>)
      %dma_wait3A = arith.constant 0 : i32
      %dma_wait3A_59 = tpu.memref_slice %arg11[%add3A_15, %dma_wait3A] : memref<10240x128xf32, #tpu.memory_space<vmem_shared>> -> memref<64x128xf32, #tpu.memory_space<vmem_shared>>
      %dma_wait3A_60 = arith.constant 0 : i32
      %dma_wait3A_61 = tpu.memref_slice %arg11[%add3A_15, %dma_wait3A_60] : memref<10240x128xf32, #tpu.memory_space<vmem_shared>> -> memref<64x128xf32, #tpu.memory_space<vmem_shared>>
      tpu.wait_dma2 semaphore(%run_scoped3A : memref<!tpu.dma_semaphore, #tpu.memory_space<semaphore_mem>>) src(%arg10 : memref<64x128xf32, #tpu.memory_space<vmem>>) dst(%dma_wait3A_61 : memref<64x128xf32, #tpu.memory_space<vmem_shared>>)
      tpu.yield
    }) : () -> ()
    %mul3A_16 = arith.constant 640 : i32
    %mul3A_17 = arith.muli %arg1, %mul3A_16 : i32
    %add3A_18 = arith.constant 192 : i32
    %add3A_19 = arith.addi %mul3A_17, %add3A_18 : i32
    "tpu.region"() ({
      %run_scoped3A = tpu.sem_alloc : memref<!tpu.dma_semaphore, #tpu.memory_space<semaphore_mem>>
      %dma_start3A = arith.constant 0 : i32
      %dma_start3A_56 = tpu.memref_slice %arg11[%add3A_19, %dma_start3A] : memref<10240x128xf32, #tpu.memory_space<vmem_shared>> -> memref<64x128xf32, #tpu.memory_space<vmem_shared>>
      %dma_start3A_57 = arith.constant 0 : i32
      %dma_start3A_58 = tpu.memref_slice %arg11[%add3A_19, %dma_start3A_57] : memref<10240x128xf32, #tpu.memory_space<vmem_shared>> -> memref<64x128xf32, #tpu.memory_space<vmem_shared>>
      tpu.enqueue_dma source(%arg10 : memref<64x128xf32, #tpu.memory_space<vmem>>) target(%dma_start3A_58 : memref<64x128xf32, #tpu.memory_space<vmem_shared>>) target_semaphore(%run_scoped3A : memref<!tpu.dma_semaphore, #tpu.memory_space<semaphore_mem>>)
      %dma_wait3A = arith.constant 0 : i32
      %dma_wait3A_59 = tpu.memref_slice %arg11[%add3A_19, %dma_wait3A] : memref<10240x128xf32, #tpu.memory_space<vmem_shared>> -> memref<64x128xf32, #tpu.memory_space<vmem_shared>>
      %dma_wait3A_60 = arith.constant 0 : i32
      %dma_wait3A_61 = tpu.memref_slice %arg11[%add3A_19, %dma_wait3A_60] : memref<10240x128xf32, #tpu.memory_space<vmem_shared>> -> memref<64x128xf32, #tpu.memory_space<vmem_shared>>
      tpu.wait_dma2 semaphore(%run_scoped3A : memref<!tpu.dma_semaphore, #tpu.memory_space<semaphore_mem>>) src(%arg10 : memref<64x128xf32, #tpu.memory_space<vmem>>) dst(%dma_wait3A_61 : memref<64x128xf32, #tpu.memory_space<vmem_shared>>)
      tpu.yield
    }) : () -> ()
    %mul3A_20 = arith.constant 640 : i32
    %mul3A_21 = arith.muli %arg1, %mul3A_20 : i32
    %add3A_22 = arith.constant 256 : i32
    %add3A_23 = arith.addi %mul3A_21, %add3A_22 : i32
    "tpu.region"() ({
      %run_scoped3A = tpu.sem_alloc : memref<!tpu.dma_semaphore, #tpu.memory_space<semaphore_mem>>
      %dma_start3A = arith.constant 0 : i32
      %dma_start3A_56 = tpu.memref_slice %arg11[%add3A_23, %dma_start3A] : memref<10240x128xf32, #tpu.memory_space<vmem_shared>> -> memref<64x128xf32, #tpu.memory_space<vmem_shared>>
      %dma_start3A_57 = arith.constant 0 : i32
      %dma_start3A_58 = tpu.memref_slice %arg11[%add3A_23, %dma_start3A_57] : memref<10240x128xf32, #tpu.memory_space<vmem_shared>> -> memref<64x128xf32, #tpu.memory_space<vmem_shared>>
      tpu.enqueue_dma source(%arg10 : memref<64x128xf32, #tpu.memory_space<vmem>>) target(%dma_start3A_58 : memref<64x128xf32, #tpu.memory_space<vmem_shared>>) target_semaphore(%run_scoped3A : memref<!tpu.dma_semaphore, #tpu.memory_space<semaphore_mem>>)
      %dma_wait3A = arith.constant 0 : i32
      %dma_wait3A_59 = tpu.memref_slice %arg11[%add3A_23, %dma_wait3A] : memref<10240x128xf32, #tpu.memory_space<vmem_shared>> -> memref<64x128xf32, #tpu.memory_space<vmem_shared>>
      %dma_wait3A_60 = arith.constant 0 : i32
      %dma_wait3A_61 = tpu.memref_slice %arg11[%add3A_23, %dma_wait3A_60] : memref<10240x128xf32, #tpu.memory_space<vmem_shared>> -> memref<64x128xf32, #tpu.memory_space<vmem_shared>>
      tpu.wait_dma2 semaphore(%run_scoped3A : memref<!tpu.dma_semaphore, #tpu.memory_space<semaphore_mem>>) src(%arg10 : memref<64x128xf32, #tpu.memory_space<vmem>>) dst(%dma_wait3A_61 : memref<64x128xf32, #tpu.memory_space<vmem_shared>>)
      tpu.yield
    }) : () -> ()
    %mul3A_24 = arith.constant 640 : i32
    %mul3A_25 = arith.muli %arg1, %mul3A_24 : i32
    %add3A_26 = arith.constant 320 : i32
    %add3A_27 = arith.addi %mul3A_25, %add3A_26 : i32
    "tpu.region"() ({
      %run_scoped3A = tpu.sem_alloc : memref<!tpu.dma_semaphore, #tpu.memory_space<semaphore_mem>>
      %dma_start3A = arith.constant 0 : i32
      %dma_start3A_56 = tpu.memref_slice %arg11[%add3A_27, %dma_start3A] : memref<10240x128xf32, #tpu.memory_space<vmem_shared>> -> memref<64x128xf32, #tpu.memory_space<vmem_shared>>
      %dma_start3A_57 = arith.constant 0 : i32
      %dma_start3A_58 = tpu.memref_slice %arg11[%add3A_27, %dma_start3A_57] : memref<10240x128xf32, #tpu.memory_space<vmem_shared>> -> memref<64x128xf32, #tpu.memory_space<vmem_shared>>
      tpu.enqueue_dma source(%arg10 : memref<64x128xf32, #tpu.memory_space<vmem>>) target(%dma_start3A_58 : memref<64x128xf32, #tpu.memory_space<vmem_shared>>) target_semaphore(%run_scoped3A : memref<!tpu.dma_semaphore, #tpu.memory_space<semaphore_mem>>)
      %dma_wait3A = arith.constant 0 : i32
      %dma_wait3A_59 = tpu.memref_slice %arg11[%add3A_27, %dma_wait3A] : memref<10240x128xf32, #tpu.memory_space<vmem_shared>> -> memref<64x128xf32, #tpu.memory_space<vmem_shared>>
      %dma_wait3A_60 = arith.constant 0 : i32
      %dma_wait3A_61 = tpu.memref_slice %arg11[%add3A_27, %dma_wait3A_60] : memref<10240x128xf32, #tpu.memory_space<vmem_shared>> -> memref<64x128xf32, #tpu.memory_space<vmem_shared>>
      tpu.wait_dma2 semaphore(%run_scoped3A : memref<!tpu.dma_semaphore, #tpu.memory_space<semaphore_mem>>) src(%arg10 : memref<64x128xf32, #tpu.memory_space<vmem>>) dst(%dma_wait3A_61 : memref<64x128xf32, #tpu.memory_space<vmem_shared>>)
      tpu.yield
    }) : () -> ()
    %mul3A_28 = arith.constant 640 : i32
    %mul3A_29 = arith.muli %arg1, %mul3A_28 : i32
    %add3A_30 = arith.constant 384 : i32
    %add3A_31 = arith.addi %mul3A_29, %add3A_30 : i32
    "tpu.region"() ({
      %run_scoped3A = tpu.sem_alloc : memref<!tpu.dma_semaphore, #tpu.memory_space<semaphore_mem>>
      %dma_start3A = arith.constant 0 : i32
      %dma_start3A_56 = tpu.memref_slice %arg11[%add3A_31, %dma_start3A] : memref<10240x128xf32, #tpu.memory_space<vmem_shared>> -> memref<64x128xf32, #tpu.memory_space<vmem_shared>>
      %dma_start3A_57 = arith.constant 0 : i32
      %dma_start3A_58 = tpu.memref_slice %arg11[%add3A_31, %dma_start3A_57] : memref<10240x128xf32, #tpu.memory_space<vmem_shared>> -> memref<64x128xf32, #tpu.memory_space<vmem_shared>>
      tpu.enqueue_dma source(%arg10 : memref<64x128xf32, #tpu.memory_space<vmem>>) target(%dma_start3A_58 : memref<64x128xf32, #tpu.memory_space<vmem_shared>>) target_semaphore(%run_scoped3A : memref<!tpu.dma_semaphore, #tpu.memory_space<semaphore_mem>>)
      %dma_wait3A = arith.constant 0 : i32
      %dma_wait3A_59 = tpu.memref_slice %arg11[%add3A_31, %dma_wait3A] : memref<10240x128xf32, #tpu.memory_space<vmem_shared>> -> memref<64x128xf32, #tpu.memory_space<vmem_shared>>
      %dma_wait3A_60 = arith.constant 0 : i32
      %dma_wait3A_61 = tpu.memref_slice %arg11[%add3A_31, %dma_wait3A_60] : memref<10240x128xf32, #tpu.memory_space<vmem_shared>> -> memref<64x128xf32, #tpu.memory_space<vmem_shared>>
      tpu.wait_dma2 semaphore(%run_scoped3A : memref<!tpu.dma_semaphore, #tpu.memory_space<semaphore_mem>>) src(%arg10 : memref<64x128xf32, #tpu.memory_space<vmem>>) dst(%dma_wait3A_61 : memref<64x128xf32, #tpu.memory_space<vmem_shared>>)
      tpu.yield
    }) : () -> ()
    %mul3A_32 = arith.constant 640 : i32
    %mul3A_33 = arith.muli %arg1, %mul3A_32 : i32
    %add3A_34 = arith.constant 448 : i32
    %add3A_35 = arith.addi %mul3A_33, %add3A_34 : i32
    "tpu.region"() ({
      %run_scoped3A = tpu.sem_alloc : memref<!tpu.dma_semaphore, #tpu.memory_space<semaphore_mem>>
      %dma_start3A = arith.constant 0 : i32
      %dma_start3A_56 = tpu.memref_slice %arg11[%add3A_35, %dma_start3A] : memref<10240x128xf32, #tpu.memory_space<vmem_shared>> -> memref<64x128xf32, #tpu.memory_space<vmem_shared>>
      %dma_start3A_57 = arith.constant 0 : i32
      %dma_start3A_58 = tpu.memref_slice %arg11[%add3A_35, %dma_start3A_57] : memref<10240x128xf32, #tpu.memory_space<vmem_shared>> -> memref<64x128xf32, #tpu.memory_space<vmem_shared>>
      tpu.enqueue_dma source(%arg10 : memref<64x128xf32, #tpu.memory_space<vmem>>) target(%dma_start3A_58 : memref<64x128xf32, #tpu.memory_space<vmem_shared>>) target_semaphore(%run_scoped3A : memref<!tpu.dma_semaphore, #tpu.memory_space<semaphore_mem>>)
      %dma_wait3A = arith.constant 0 : i32
      %dma_wait3A_59 = tpu.memref_slice %arg11[%add3A_35, %dma_wait3A] : memref<10240x128xf32, #tpu.memory_space<vmem_shared>> -> memref<64x128xf32, #tpu.memory_space<vmem_shared>>
      %dma_wait3A_60 = arith.constant 0 : i32
      %dma_wait3A_61 = tpu.memref_slice %arg11[%add3A_35, %dma_wait3A_60] : memref<10240x128xf32, #tpu.memory_space<vmem_shared>> -> memref<64x128xf32, #tpu.memory_space<vmem_shared>>
      tpu.wait_dma2 semaphore(%run_scoped3A : memref<!tpu.dma_semaphore, #tpu.memory_space<semaphore_mem>>) src(%arg10 : memref<64x128xf32, #tpu.memory_space<vmem>>) dst(%dma_wait3A_61 : memref<64x128xf32, #tpu.memory_space<vmem_shared>>)
      tpu.yield
    }) : () -> ()
    %mul3A_36 = arith.constant 640 : i32
    %mul3A_37 = arith.muli %arg1, %mul3A_36 : i32
    %add3A_38 = arith.constant 512 : i32
    %add3A_39 = arith.addi %mul3A_37, %add3A_38 : i32
    "tpu.region"() ({
      %run_scoped3A = tpu.sem_alloc : memref<!tpu.dma_semaphore, #tpu.memory_space<semaphore_mem>>
      %dma_start3A = arith.constant 0 : i32
      %dma_start3A_56 = tpu.memref_slice %arg11[%add3A_39, %dma_start3A] : memref<10240x128xf32, #tpu.memory_space<vmem_shared>> -> memref<64x128xf32, #tpu.memory_space<vmem_shared>>
      %dma_start3A_57 = arith.constant 0 : i32
      %dma_start3A_58 = tpu.memref_slice %arg11[%add3A_39, %dma_start3A_57] : memref<10240x128xf32, #tpu.memory_space<vmem_shared>> -> memref<64x128xf32, #tpu.memory_space<vmem_shared>>
      tpu.enqueue_dma source(%arg10 : memref<64x128xf32, #tpu.memory_space<vmem>>) target(%dma_start3A_58 : memref<64x128xf32, #tpu.memory_space<vmem_shared>>) target_semaphore(%run_scoped3A : memref<!tpu.dma_semaphore, #tpu.memory_space<semaphore_mem>>)
      %dma_wait3A = arith.constant 0 : i32
      %dma_wait3A_59 = tpu.memref_slice %arg11[%add3A_39, %dma_wait3A] : memref<10240x128xf32, #tpu.memory_space<vmem_shared>> -> memref<64x128xf32, #tpu.memory_space<vmem_shared>>
      %dma_wait3A_60 = arith.constant 0 : i32
      %dma_wait3A_61 = tpu.memref_slice %arg11[%add3A_39, %dma_wait3A_60] : memref<10240x128xf32, #tpu.memory_space<vmem_shared>> -> memref<64x128xf32, #tpu.memory_space<vmem_shared>>
      tpu.wait_dma2 semaphore(%run_scoped3A : memref<!tpu.dma_semaphore, #tpu.memory_space<semaphore_mem>>) src(%arg10 : memref<64x128xf32, #tpu.memory_space<vmem>>) dst(%dma_wait3A_61 : memref<64x128xf32, #tpu.memory_space<vmem_shared>>)
      tpu.yield
    }) : () -> ()
    %mul3A_40 = arith.constant 640 : i32
    %mul3A_41 = arith.muli %arg1, %mul3A_40 : i32
    %add3A_42 = arith.constant 576 : i32
    %add3A_43 = arith.addi %mul3A_41, %add3A_42 : i32
    "tpu.region"() ({
      %run_scoped3A = tpu.sem_alloc : memref<!tpu.dma_semaphore, #tpu.memory_space<semaphore_mem>>
      %dma_start3A = arith.constant 0 : i32
      %dma_start3A_56 = tpu.memref_slice %arg11[%add3A_43, %dma_start3A] : memref<10240x128xf32, #tpu.memory_space<vmem_shared>> -> memref<64x128xf32, #tpu.memory_space<vmem_shared>>
      %dma_start3A_57 = arith.constant 0 : i32
      %dma_start3A_58 = tpu.memref_slice %arg11[%add3A_43, %dma_start3A_57] : memref<10240x128xf32, #tpu.memory_space<vmem_shared>> -> memref<64x128xf32, #tpu.memory_space<vmem_shared>>
      tpu.enqueue_dma source(%arg10 : memref<64x128xf32, #tpu.memory_space<vmem>>) target(%dma_start3A_58 : memref<64x128xf32, #tpu.memory_space<vmem_shared>>) target_semaphore(%run_scoped3A : memref<!tpu.dma_semaphore, #tpu.memory_space<semaphore_mem>>)
      %dma_wait3A = arith.constant 0 : i32
      %dma_wait3A_59 = tpu.memref_slice %arg11[%add3A_43, %dma_wait3A] : memref<10240x128xf32, #tpu.memory_space<vmem_shared>> -> memref<64x128xf32, #tpu.memory_space<vmem_shared>>
      %dma_wait3A_60 = arith.constant 0 : i32
      %dma_wait3A_61 = tpu.memref_slice %arg11[%add3A_43, %dma_wait3A_60] : memref<10240x128xf32, #tpu.memory_space<vmem_shared>> -> memref<64x128xf32, #tpu.memory_space<vmem_shared>>
      tpu.wait_dma2 semaphore(%run_scoped3A : memref<!tpu.dma_semaphore, #tpu.memory_space<semaphore_mem>>) src(%arg10 : memref<64x128xf32, #tpu.memory_space<vmem>>) dst(%dma_wait3A_61 : memref<64x128xf32, #tpu.memory_space<vmem_shared>>)
      tpu.yield
    }) : () -> ()
    %barrier3A = arith.constant 0 : index
    tpu.barrier barrier_id(%barrier3A)
    %eq3A = arith.constant 0 : i32
    %eq3A_44 = arith.cmpi eq, %arg0, %eq3A : i32
    %convert_element_type3A = arith.extui %eq3A_44 : i1 to i32
    %cond3A = arith.constant 0 : i32
    %cond3A_45 = arith.cmpi ne, %convert_element_type3A, %cond3A : i32
    scf.if %cond3A_45 {
      %mul3A_56 = arith.constant 160 : i32
      %mul3A_57 = arith.muli %arg1, %mul3A_56 : i32
      %add3A_58 = arith.constant 0 : i32
      %add3A_59 = arith.addi %mul3A_57, %add3A_58 : i32
      "tpu.region"() ({
        %run_scoped3A = tpu.sem_alloc : memref<!tpu.dma_semaphore, #tpu.memory_space<semaphore_mem>>
        %dma_start3A = arith.constant 0 : i32
        %dma_start3A_76 = tpu.memref_slice %arg4[%add3A_59, %dma_start3A] : memref<2560x125xi32, #tpu.memory_space<hbm>> -> memref<80x125xi32, #tpu.memory_space<hbm>>
        %dma_start3A_77 = arith.constant 0 : i32
        %dma_start3A_78 = tpu.memref_slice %arg4[%add3A_59, %dma_start3A_77] : memref<2560x125xi32, #tpu.memory_space<hbm>> -> memref<80x125xi32, #tpu.memory_space<hbm>>
        tpu.enqueue_dma source(%dma_start3A_78 : memref<80x125xi32, #tpu.memory_space<hbm>>) target(%arg7 : memref<80x125xi32, #tpu.memory_space<vmem>>) target_semaphore(%run_scoped3A : memref<!tpu.dma_semaphore, #tpu.memory_space<semaphore_mem>>)
        %dma_wait3A = arith.constant 0 : i32
        %dma_wait3A_79 = tpu.memref_slice %arg4[%add3A_59, %dma_wait3A] : memref<2560x125xi32, #tpu.memory_space<hbm>> -> memref<80x125xi32, #tpu.memory_space<hbm>>
        %dma_wait3A_80 = arith.constant 0 : i32
        %dma_wait3A_81 = tpu.memref_slice %arg4[%add3A_59, %dma_wait3A_80] : memref<2560x125xi32, #tpu.memory_space<hbm>> -> memref<80x125xi32, #tpu.memory_space<hbm>>
        tpu.wait_dma2 semaphore(%run_scoped3A : memref<!tpu.dma_semaphore, #tpu.memory_space<semaphore_mem>>) src(%dma_wait3A_81 : memref<80x125xi32, #tpu.memory_space<hbm>>) dst(%arg7 : memref<80x125xi32, #tpu.memory_space<vmem>>)
        tpu.yield
      }) : () -> ()
      "tpu.region"() ({
        %run_scoped3A = tpu.sem_alloc : memref<!tpu.dma_semaphore, #tpu.memory_space<semaphore_mem>>
        %dma_start3A = arith.constant 0 : i32
        %dma_start3A_76 = tpu.memref_slice %arg5[%add3A_59, %dma_start3A] : memref<2560x125xi32, #tpu.memory_space<hbm>> -> memref<80x125xi32, #tpu.memory_space<hbm>>
        %dma_start3A_77 = arith.constant 0 : i32
        %dma_start3A_78 = tpu.memref_slice %arg5[%add3A_59, %dma_start3A_77] : memref<2560x125xi32, #tpu.memory_space<hbm>> -> memref<80x125xi32, #tpu.memory_space<hbm>>
        tpu.enqueue_dma source(%dma_start3A_78 : memref<80x125xi32, #tpu.memory_space<hbm>>) target(%arg8 : memref<80x125xi32, #tpu.memory_space<vmem>>) target_semaphore(%run_scoped3A : memref<!tpu.dma_semaphore, #tpu.memory_space<semaphore_mem>>)
        %dma_wait3A = arith.constant 0 : i32
        %dma_wait3A_79 = tpu.memref_slice %arg5[%add3A_59, %dma_wait3A] : memref<2560x125xi32, #tpu.memory_space<hbm>> -> memref<80x125xi32, #tpu.memory_space<hbm>>
        %dma_wait3A_80 = arith.constant 0 : i32
        %dma_wait3A_81 = tpu.memref_slice %arg5[%add3A_59, %dma_wait3A_80] : memref<2560x125xi32, #tpu.memory_space<hbm>> -> memref<80x125xi32, #tpu.memory_space<hbm>>
        tpu.wait_dma2 semaphore(%run_scoped3A : memref<!tpu.dma_semaphore, #tpu.memory_space<semaphore_mem>>) src(%dma_wait3A_81 : memref<80x125xi32, #tpu.memory_space<hbm>>) dst(%arg8 : memref<80x125xi32, #tpu.memory_space<vmem>>)
        tpu.yield
      }) : () -> ()
      %scan3A_60 = arith.constant 0 : i32
      %scan3A_61 = arith.constant 0 : i32
      %scan3A_62 = arith.constant 80 : i32
      %scan3A_63 = arith.addi %scan3A_61, %scan3A_62 : i32
      %scan3A_64 = arith.constant 1 : i32
      scf.for %scan3A_76 = %scan3A_61 to %scan3A_63 step %scan3A_64  : i32 {
        %dma_start3A = arith.constant 0 : i32
        %dma_start3A_77 = tpu.memref_slice %arg7[%scan3A_76, %dma_start3A] : memref<80x125xi32, #tpu.memory_space<vmem>> -> memref<1x125xi32, #tpu.memory_space<vmem>>
        %dma_start3A_78 = tpu.memref_squeeze %dma_start3A_77 : memref<1x125xi32, #tpu.memory_space<vmem>> -> memref<125xi32, #tpu.memory_space<vmem>>
        %dma_start3A_79 = arith.constant 0 : i32
        %dma_start3A_80 = arith.constant 0 : i32
        %dma_start3A_81 = tpu.memref_slice %arg2[%dma_start3A_79, %dma_start3A_80] : memref<10240x128xf32, #tpu.memory_space<hbm>> -> memref<10240x128xf32, #tpu.memory_space<hbm>>
        tpu.enqueue_indirect_dma source(%dma_start3A_81 : memref<10240x128xf32, #tpu.memory_space<hbm>>) target(%arg9 : memref<125x128xf32, #tpu.memory_space<vmem>>) offsets(%dma_start3A_78 : memref<125xi32, #tpu.memory_space<vmem>>) semaphore(%arg12 : memref<!tpu.dma_semaphore, #tpu.memory_space<semaphore_mem>>)
        %dma_wait3A = arith.constant 0 : i32
        %dma_wait3A_82 = tpu.memref_slice %arg7[%scan3A_76, %dma_wait3A] : memref<80x125xi32, #tpu.memory_space<vmem>> -> memref<1x125xi32, #tpu.memory_space<vmem>>
        %dma_wait3A_83 = tpu.memref_squeeze %dma_wait3A_82 : memref<1x125xi32, #tpu.memory_space<vmem>> -> memref<125xi32, #tpu.memory_space<vmem>>
        %dma_wait3A_84 = arith.constant 0 : i32
        %dma_wait3A_85 = arith.constant 0 : i32
        %dma_wait3A_86 = tpu.memref_slice %arg2[%dma_wait3A_84, %dma_wait3A_85] : memref<10240x128xf32, #tpu.memory_space<hbm>> -> memref<10240x128xf32, #tpu.memory_space<hbm>>
        tpu.wait_indirect_dma semaphore(%arg12 : memref<!tpu.dma_semaphore, #tpu.memory_space<semaphore_mem>>) src(%dma_wait3A_86 : memref<10240x128xf32, #tpu.memory_space<hbm>>) dst(%arg9 : memref<125x128xf32, #tpu.memory_space<vmem>>)
        "tpu.region"() ({
          %run_scoped3A = tpu.sem_alloc : memref<!tpu.dma_semaphore, #tpu.memory_space<semaphore_mem>>
          %dma_start3A_87 = arith.constant 0 : i32
          %dma_start3A_88 = tpu.memref_slice %arg8[%scan3A_76, %dma_start3A_87] : memref<80x125xi32, #tpu.memory_space<vmem>> -> memref<1x125xi32, #tpu.memory_space<vmem>>
          %dma_start3A_89 = tpu.memref_squeeze %dma_start3A_88 : memref<1x125xi32, #tpu.memory_space<vmem>> -> memref<125xi32, #tpu.memory_space<vmem>>
          %dma_start3A_90 = arith.constant 0 : i32
          %dma_start3A_91 = arith.constant 0 : i32
          %dma_start3A_92 = tpu.memref_slice %arg11[%dma_start3A_90, %dma_start3A_91] : memref<10240x128xf32, #tpu.memory_space<vmem_shared>> -> memref<10240x128xf32, #tpu.memory_space<vmem_shared>>
          tpu.enqueue_indirect_dma source(%arg9 : memref<125x128xf32, #tpu.memory_space<vmem>>) target(%dma_start3A_92 : memref<10240x128xf32, #tpu.memory_space<vmem_shared>>) offsets(%dma_start3A_89 : memref<125xi32, #tpu.memory_space<vmem>>) semaphore(%run_scoped3A : memref<!tpu.dma_semaphore, #tpu.memory_space<semaphore_mem>>) {add = true}
          %dma_wait3A_93 = arith.constant 0 : i32
          %dma_wait3A_94 = tpu.memref_slice %arg8[%scan3A_76, %dma_wait3A_93] : memref<80x125xi32, #tpu.memory_space<vmem>> -> memref<1x125xi32, #tpu.memory_space<vmem>>
          %dma_wait3A_95 = tpu.memref_squeeze %dma_wait3A_94 : memref<1x125xi32, #tpu.memory_space<vmem>> -> memref<125xi32, #tpu.memory_space<vmem>>
          %dma_wait3A_96 = arith.constant 0 : i32
          %dma_wait3A_97 = arith.constant 0 : i32
          %dma_wait3A_98 = tpu.memref_slice %arg11[%dma_wait3A_96, %dma_wait3A_97] : memref<10240x128xf32, #tpu.memory_space<vmem_shared>> -> memref<10240x128xf32, #tpu.memory_space<vmem_shared>>
          tpu.wait_indirect_dma semaphore(%run_scoped3A : memref<!tpu.dma_semaphore, #tpu.memory_space<semaphore_mem>>) src(%arg9 : memref<125x128xf32, #tpu.memory_space<vmem>>) dst(%dma_wait3A_98 : memref<10240x128xf32, #tpu.memory_space<vmem_shared>>)
          tpu.yield
        }) : () -> ()
      }
      %scan3A_65 = arith.constant 80 : i32
      %mul3A_66 = arith.constant 160 : i32
      %mul3A_67 = arith.muli %arg1, %mul3A_66 : i32
      %add3A_68 = arith.constant 80 : i32
      %add3A_69 = arith.addi %mul3A_67, %add3A_68 : i32
      "tpu.region"() ({
        %run_scoped3A = tpu.sem_alloc : memref<!tpu.dma_semaphore, #tpu.memory_space<semaphore_mem>>
        %dma_start3A = arith.constant 0 : i32
        %dma_start3A_76 = tpu.memref_slice %arg4[%add3A_69, %dma_start3A] : memref<2560x125xi32, #tpu.memory_space<hbm>> -> memref<80x125xi32, #tpu.memory_space<hbm>>
        %dma_start3A_77 = arith.constant 0 : i32
        %dma_start3A_78 = tpu.memref_slice %arg4[%add3A_69, %dma_start3A_77] : memref<2560x125xi32, #tpu.memory_space<hbm>> -> memref<80x125xi32, #tpu.memory_space<hbm>>
        tpu.enqueue_dma source(%dma_start3A_78 : memref<80x125xi32, #tpu.memory_space<hbm>>) target(%arg7 : memref<80x125xi32, #tpu.memory_space<vmem>>) target_semaphore(%run_scoped3A : memref<!tpu.dma_semaphore, #tpu.memory_space<semaphore_mem>>)
        %dma_wait3A = arith.constant 0 : i32
        %dma_wait3A_79 = tpu.memref_slice %arg4[%add3A_69, %dma_wait3A] : memref<2560x125xi32, #tpu.memory_space<hbm>> -> memref<80x125xi32, #tpu.memory_space<hbm>>
        %dma_wait3A_80 = arith.constant 0 : i32
        %dma_wait3A_81 = tpu.memref_slice %arg4[%add3A_69, %dma_wait3A_80] : memref<2560x125xi32, #tpu.memory_space<hbm>> -> memref<80x125xi32, #tpu.memory_space<hbm>>
        tpu.wait_dma2 semaphore(%run_scoped3A : memref<!tpu.dma_semaphore, #tpu.memory_space<semaphore_mem>>) src(%dma_wait3A_81 : memref<80x125xi32, #tpu.memory_space<hbm>>) dst(%arg7 : memref<80x125xi32, #tpu.memory_space<vmem>>)
        tpu.yield
      }) : () -> ()
      "tpu.region"() ({
        %run_scoped3A = tpu.sem_alloc : memref<!tpu.dma_semaphore, #tpu.memory_space<semaphore_mem>>
        %dma_start3A = arith.constant 0 : i32
        %dma_start3A_76 = tpu.memref_slice %arg5[%add3A_69, %dma_start3A] : memref<2560x125xi32, #tpu.memory_space<hbm>> -> memref<80x125xi32, #tpu.memory_space<hbm>>
        %dma_start3A_77 = arith.constant 0 : i32
        %dma_start3A_78 = tpu.memref_slice %arg5[%add3A_69, %dma_start3A_77] : memref<2560x125xi32, #tpu.memory_space<hbm>> -> memref<80x125xi32, #tpu.memory_space<hbm>>
        tpu.enqueue_dma source(%dma_start3A_78 : memref<80x125xi32, #tpu.memory_space<hbm>>) target(%arg8 : memref<80x125xi32, #tpu.memory_space<vmem>>) target_semaphore(%run_scoped3A : memref<!tpu.dma_semaphore, #tpu.memory_space<semaphore_mem>>)
        %dma_wait3A = arith.constant 0 : i32
        %dma_wait3A_79 = tpu.memref_slice %arg5[%add3A_69, %dma_wait3A] : memref<2560x125xi32, #tpu.memory_space<hbm>> -> memref<80x125xi32, #tpu.memory_space<hbm>>
        %dma_wait3A_80 = arith.constant 0 : i32
        %dma_wait3A_81 = tpu.memref_slice %arg5[%add3A_69, %dma_wait3A_80] : memref<2560x125xi32, #tpu.memory_space<hbm>> -> memref<80x125xi32, #tpu.memory_space<hbm>>
        tpu.wait_dma2 semaphore(%run_scoped3A : memref<!tpu.dma_semaphore, #tpu.memory_space<semaphore_mem>>) src(%dma_wait3A_81 : memref<80x125xi32, #tpu.memory_space<hbm>>) dst(%arg8 : memref<80x125xi32, #tpu.memory_space<vmem>>)
        tpu.yield
      }) : () -> ()
      %scan3A_70 = arith.constant 0 : i32
      %scan3A_71 = arith.constant 0 : i32
      %scan3A_72 = arith.constant 80 : i32
      %scan3A_73 = arith.addi %scan3A_71, %scan3A_72 : i32
      %scan3A_74 = arith.constant 1 : i32
      scf.for %scan3A_76 = %scan3A_71 to %scan3A_73 step %scan3A_74  : i32 {
        %dma_start3A = arith.constant 0 : i32
        %dma_start3A_77 = tpu.memref_slice %arg7[%scan3A_76, %dma_start3A] : memref<80x125xi32, #tpu.memory_space<vmem>> -> memref<1x125xi32, #tpu.memory_space<vmem>>
        %dma_start3A_78 = tpu.memref_squeeze %dma_start3A_77 : memref<1x125xi32, #tpu.memory_space<vmem>> -> memref<125xi32, #tpu.memory_space<vmem>>
        %dma_start3A_79 = arith.constant 0 : i32
        %dma_start3A_80 = arith.constant 0 : i32
        %dma_start3A_81 = tpu.memref_slice %arg2[%dma_start3A_79, %dma_start3A_80] : memref<10240x128xf32, #tpu.memory_space<hbm>> -> memref<10240x128xf32, #tpu.memory_space<hbm>>
        tpu.enqueue_indirect_dma source(%dma_start3A_81 : memref<10240x128xf32, #tpu.memory_space<hbm>>) target(%arg9 : memref<125x128xf32, #tpu.memory_space<vmem>>) offsets(%dma_start3A_78 : memref<125xi32, #tpu.memory_space<vmem>>) semaphore(%arg12 : memref<!tpu.dma_semaphore, #tpu.memory_space<semaphore_mem>>)
        %dma_wait3A = arith.constant 0 : i32
        %dma_wait3A_82 = tpu.memref_slice %arg7[%scan3A_76, %dma_wait3A] : memref<80x125xi32, #tpu.memory_space<vmem>> -> memref<1x125xi32, #tpu.memory_space<vmem>>
        %dma_wait3A_83 = tpu.memref_squeeze %dma_wait3A_82 : memref<1x125xi32, #tpu.memory_space<vmem>> -> memref<125xi32, #tpu.memory_space<vmem>>
        %dma_wait3A_84 = arith.constant 0 : i32
        %dma_wait3A_85 = arith.constant 0 : i32
        %dma_wait3A_86 = tpu.memref_slice %arg2[%dma_wait3A_84, %dma_wait3A_85] : memref<10240x128xf32, #tpu.memory_space<hbm>> -> memref<10240x128xf32, #tpu.memory_space<hbm>>
        tpu.wait_indirect_dma semaphore(%arg12 : memref<!tpu.dma_semaphore, #tpu.memory_space<semaphore_mem>>) src(%dma_wait3A_86 : memref<10240x128xf32, #tpu.memory_space<hbm>>) dst(%arg9 : memref<125x128xf32, #tpu.memory_space<vmem>>)
        "tpu.region"() ({
          %run_scoped3A = tpu.sem_alloc : memref<!tpu.dma_semaphore, #tpu.memory_space<semaphore_mem>>
          %dma_start3A_87 = arith.constant 0 : i32
          %dma_start3A_88 = tpu.memref_slice %arg8[%scan3A_76, %dma_start3A_87] : memref<80x125xi32, #tpu.memory_space<vmem>> -> memref<1x125xi32, #tpu.memory_space<vmem>>
          %dma_start3A_89 = tpu.memref_squeeze %dma_start3A_88 : memref<1x125xi32, #tpu.memory_space<vmem>> -> memref<125xi32, #tpu.memory_space<vmem>>
          %dma_start3A_90 = arith.constant 0 : i32
          %dma_start3A_91 = arith.constant 0 : i32
          %dma_start3A_92 = tpu.memref_slice %arg11[%dma_start3A_90, %dma_start3A_91] : memref<10240x128xf32, #tpu.memory_space<vmem_shared>> -> memref<10240x128xf32, #tpu.memory_space<vmem_shared>>
          tpu.enqueue_indirect_dma source(%arg9 : memref<125x128xf32, #tpu.memory_space<vmem>>) target(%dma_start3A_92 : memref<10240x128xf32, #tpu.memory_space<vmem_shared>>) offsets(%dma_start3A_89 : memref<125xi32, #tpu.memory_space<vmem>>) semaphore(%run_scoped3A : memref<!tpu.dma_semaphore, #tpu.memory_space<semaphore_mem>>) {add = true}
          %dma_wait3A_93 = arith.constant 0 : i32
          %dma_wait3A_94 = tpu.memref_slice %arg8[%scan3A_76, %dma_wait3A_93] : memref<80x125xi32, #tpu.memory_space<vmem>> -> memref<1x125xi32, #tpu.memory_space<vmem>>
          %dma_wait3A_95 = tpu.memref_squeeze %dma_wait3A_94 : memref<1x125xi32, #tpu.memory_space<vmem>> -> memref<125xi32, #tpu.memory_space<vmem>>
          %dma_wait3A_96 = arith.constant 0 : i32
          %dma_wait3A_97 = arith.constant 0 : i32
          %dma_wait3A_98 = tpu.memref_slice %arg11[%dma_wait3A_96, %dma_wait3A_97] : memref<10240x128xf32, #tpu.memory_space<vmem_shared>> -> memref<10240x128xf32, #tpu.memory_space<vmem_shared>>
          tpu.wait_indirect_dma semaphore(%run_scoped3A : memref<!tpu.dma_semaphore, #tpu.memory_space<semaphore_mem>>) src(%arg9 : memref<125x128xf32, #tpu.memory_space<vmem>>) dst(%dma_wait3A_98 : memref<10240x128xf32, #tpu.memory_space<vmem_shared>>)
          tpu.yield
        }) : () -> ()
      }
      %scan3A_75 = arith.constant 80 : i32
    } else {
    }
    %eq3A_46 = arith.constant 1 : i32
    %eq3A_47 = arith.cmpi eq, %arg0, %eq3A_46 : i32
    %convert_element_type3A_48 = arith.extui %eq3A_47 : i1 to i32
    %cond3A_49 = arith.constant 0 : i32
    %cond3A_50 = arith.cmpi ne, %convert_element_type3A_48, %cond3A_49 : i32
    scf.if %cond3A_50 {
      %mul3A_56 = arith.constant 160 : i32
      %mul3A_57 = arith.muli %arg1, %mul3A_56 : i32
      %add3A_58 = arith.constant 0 : i32
      %add3A_59 = arith.addi %mul3A_57, %add3A_58 : i32
      "tpu.region"() ({
        %run_scoped3A = tpu.sem_alloc : memref<!tpu.dma_semaphore, #tpu.memory_space<semaphore_mem>>
        %dma_start3A = arith.constant 0 : i32
        %dma_start3A_76 = tpu.memref_slice %arg4[%add3A_59, %dma_start3A] : memref<2560x125xi32, #tpu.memory_space<hbm>> -> memref<80x125xi32, #tpu.memory_space<hbm>>
        %dma_start3A_77 = arith.constant 0 : i32
        %dma_start3A_78 = tpu.memref_slice %arg4[%add3A_59, %dma_start3A_77] : memref<2560x125xi32, #tpu.memory_space<hbm>> -> memref<80x125xi32, #tpu.memory_space<hbm>>
        tpu.enqueue_dma source(%dma_start3A_78 : memref<80x125xi32, #tpu.memory_space<hbm>>) target(%arg7 : memref<80x125xi32, #tpu.memory_space<vmem>>) target_semaphore(%run_scoped3A : memref<!tpu.dma_semaphore, #tpu.memory_space<semaphore_mem>>)
        %dma_wait3A = arith.constant 0 : i32
        %dma_wait3A_79 = tpu.memref_slice %arg4[%add3A_59, %dma_wait3A] : memref<2560x125xi32, #tpu.memory_space<hbm>> -> memref<80x125xi32, #tpu.memory_space<hbm>>
        %dma_wait3A_80 = arith.constant 0 : i32
        %dma_wait3A_81 = tpu.memref_slice %arg4[%add3A_59, %dma_wait3A_80] : memref<2560x125xi32, #tpu.memory_space<hbm>> -> memref<80x125xi32, #tpu.memory_space<hbm>>
        tpu.wait_dma2 semaphore(%run_scoped3A : memref<!tpu.dma_semaphore, #tpu.memory_space<semaphore_mem>>) src(%dma_wait3A_81 : memref<80x125xi32, #tpu.memory_space<hbm>>) dst(%arg7 : memref<80x125xi32, #tpu.memory_space<vmem>>)
        tpu.yield
      }) : () -> ()
      "tpu.region"() ({
        %run_scoped3A = tpu.sem_alloc : memref<!tpu.dma_semaphore, #tpu.memory_space<semaphore_mem>>
        %dma_start3A = arith.constant 0 : i32
        %dma_start3A_76 = tpu.memref_slice %arg5[%add3A_59, %dma_start3A] : memref<2560x125xi32, #tpu.memory_space<hbm>> -> memref<80x125xi32, #tpu.memory_space<hbm>>
        %dma_start3A_77 = arith.constant 0 : i32
        %dma_start3A_78 = tpu.memref_slice %arg5[%add3A_59, %dma_start3A_77] : memref<2560x125xi32, #tpu.memory_space<hbm>> -> memref<80x125xi32, #tpu.memory_space<hbm>>
        tpu.enqueue_dma source(%dma_start3A_78 : memref<80x125xi32, #tpu.memory_space<hbm>>) target(%arg8 : memref<80x125xi32, #tpu.memory_space<vmem>>) target_semaphore(%run_scoped3A : memref<!tpu.dma_semaphore, #tpu.memory_space<semaphore_mem>>)
        %dma_wait3A = arith.constant 0 : i32
        %dma_wait3A_79 = tpu.memref_slice %arg5[%add3A_59, %dma_wait3A] : memref<2560x125xi32, #tpu.memory_space<hbm>> -> memref<80x125xi32, #tpu.memory_space<hbm>>
        %dma_wait3A_80 = arith.constant 0 : i32
        %dma_wait3A_81 = tpu.memref_slice %arg5[%add3A_59, %dma_wait3A_80] : memref<2560x125xi32, #tpu.memory_space<hbm>> -> memref<80x125xi32, #tpu.memory_space<hbm>>
        tpu.wait_dma2 semaphore(%run_scoped3A : memref<!tpu.dma_semaphore, #tpu.memory_space<semaphore_mem>>) src(%dma_wait3A_81 : memref<80x125xi32, #tpu.memory_space<hbm>>) dst(%arg8 : memref<80x125xi32, #tpu.memory_space<vmem>>)
        tpu.yield
      }) : () -> ()
      %scan3A_60 = arith.constant 0 : i32
      %scan3A_61 = arith.constant 0 : i32
      %scan3A_62 = arith.constant 80 : i32
      %scan3A_63 = arith.addi %scan3A_61, %scan3A_62 : i32
      %scan3A_64 = arith.constant 1 : i32
      scf.for %scan3A_76 = %scan3A_61 to %scan3A_63 step %scan3A_64  : i32 {
        %dma_start3A = arith.constant 0 : i32
        %dma_start3A_77 = tpu.memref_slice %arg7[%scan3A_76, %dma_start3A] : memref<80x125xi32, #tpu.memory_space<vmem>> -> memref<1x125xi32, #tpu.memory_space<vmem>>
        %dma_start3A_78 = tpu.memref_squeeze %dma_start3A_77 : memref<1x125xi32, #tpu.memory_space<vmem>> -> memref<125xi32, #tpu.memory_space<vmem>>
        %dma_start3A_79 = arith.constant 0 : i32
        %dma_start3A_80 = arith.constant 0 : i32
        %dma_start3A_81 = tpu.memref_slice %arg3[%dma_start3A_79, %dma_start3A_80] : memref<10240x128xf32, #tpu.memory_space<hbm>> -> memref<10240x128xf32, #tpu.memory_space<hbm>>
        tpu.enqueue_indirect_dma source(%dma_start3A_81 : memref<10240x128xf32, #tpu.memory_space<hbm>>) target(%arg9 : memref<125x128xf32, #tpu.memory_space<vmem>>) offsets(%dma_start3A_78 : memref<125xi32, #tpu.memory_space<vmem>>) semaphore(%arg12 : memref<!tpu.dma_semaphore, #tpu.memory_space<semaphore_mem>>)
        %dma_wait3A = arith.constant 0 : i32
        %dma_wait3A_82 = tpu.memref_slice %arg7[%scan3A_76, %dma_wait3A] : memref<80x125xi32, #tpu.memory_space<vmem>> -> memref<1x125xi32, #tpu.memory_space<vmem>>
        %dma_wait3A_83 = tpu.memref_squeeze %dma_wait3A_82 : memref<1x125xi32, #tpu.memory_space<vmem>> -> memref<125xi32, #tpu.memory_space<vmem>>
        %dma_wait3A_84 = arith.constant 0 : i32
        %dma_wait3A_85 = arith.constant 0 : i32
        %dma_wait3A_86 = tpu.memref_slice %arg3[%dma_wait3A_84, %dma_wait3A_85] : memref<10240x128xf32, #tpu.memory_space<hbm>> -> memref<10240x128xf32, #tpu.memory_space<hbm>>
        tpu.wait_indirect_dma semaphore(%arg12 : memref<!tpu.dma_semaphore, #tpu.memory_space<semaphore_mem>>) src(%dma_wait3A_86 : memref<10240x128xf32, #tpu.memory_space<hbm>>) dst(%arg9 : memref<125x128xf32, #tpu.memory_space<vmem>>)
        "tpu.region"() ({
          %run_scoped3A = tpu.sem_alloc : memref<!tpu.dma_semaphore, #tpu.memory_space<semaphore_mem>>
          %dma_start3A_87 = arith.constant 0 : i32
          %dma_start3A_88 = tpu.memref_slice %arg8[%scan3A_76, %dma_start3A_87] : memref<80x125xi32, #tpu.memory_space<vmem>> -> memref<1x125xi32, #tpu.memory_space<vmem>>
          %dma_start3A_89 = tpu.memref_squeeze %dma_start3A_88 : memref<1x125xi32, #tpu.memory_space<vmem>> -> memref<125xi32, #tpu.memory_space<vmem>>
          %dma_start3A_90 = arith.constant 0 : i32
          %dma_start3A_91 = arith.constant 0 : i32
          %dma_start3A_92 = tpu.memref_slice %arg11[%dma_start3A_90, %dma_start3A_91] : memref<10240x128xf32, #tpu.memory_space<vmem_shared>> -> memref<10240x128xf32, #tpu.memory_space<vmem_shared>>
          tpu.enqueue_indirect_dma source(%arg9 : memref<125x128xf32, #tpu.memory_space<vmem>>) target(%dma_start3A_92 : memref<10240x128xf32, #tpu.memory_space<vmem_shared>>) offsets(%dma_start3A_89 : memref<125xi32, #tpu.memory_space<vmem>>) semaphore(%run_scoped3A : memref<!tpu.dma_semaphore, #tpu.memory_space<semaphore_mem>>) {add = true}
          %dma_wait3A_93 = arith.constant 0 : i32
          %dma_wait3A_94 = tpu.memref_slice %arg8[%scan3A_76, %dma_wait3A_93] : memref<80x125xi32, #tpu.memory_space<vmem>> -> memref<1x125xi32, #tpu.memory_space<vmem>>
          %dma_wait3A_95 = tpu.memref_squeeze %dma_wait3A_94 : memref<1x125xi32, #tpu.memory_space<vmem>> -> memref<125xi32, #tpu.memory_space<vmem>>
          %dma_wait3A_96 = arith.constant 0 : i32
          %dma_wait3A_97 = arith.constant 0 : i32
          %dma_wait3A_98 = tpu.memref_slice %arg11[%dma_wait3A_96, %dma_wait3A_97] : memref<10240x128xf32, #tpu.memory_space<vmem_shared>> -> memref<10240x128xf32, #tpu.memory_space<vmem_shared>>
          tpu.wait_indirect_dma semaphore(%run_scoped3A : memref<!tpu.dma_semaphore, #tpu.memory_space<semaphore_mem>>) src(%arg9 : memref<125x128xf32, #tpu.memory_space<vmem>>) dst(%dma_wait3A_98 : memref<10240x128xf32, #tpu.memory_space<vmem_shared>>)
          tpu.yield
        }) : () -> ()
      }
      %scan3A_65 = arith.constant 80 : i32
      %mul3A_66 = arith.constant 160 : i32
      %mul3A_67 = arith.muli %arg1, %mul3A_66 : i32
      %add3A_68 = arith.constant 80 : i32
      %add3A_69 = arith.addi %mul3A_67, %add3A_68 : i32
      "tpu.region"() ({
        %run_scoped3A = tpu.sem_alloc : memref<!tpu.dma_semaphore, #tpu.memory_space<semaphore_mem>>
        %dma_start3A = arith.constant 0 : i32
        %dma_start3A_76 = tpu.memref_slice %arg4[%add3A_69, %dma_start3A] : memref<2560x125xi32, #tpu.memory_space<hbm>> -> memref<80x125xi32, #tpu.memory_space<hbm>>
        %dma_start3A_77 = arith.constant 0 : i32
        %dma_start3A_78 = tpu.memref_slice %arg4[%add3A_69, %dma_start3A_77] : memref<2560x125xi32, #tpu.memory_space<hbm>> -> memref<80x125xi32, #tpu.memory_space<hbm>>
        tpu.enqueue_dma source(%dma_start3A_78 : memref<80x125xi32, #tpu.memory_space<hbm>>) target(%arg7 : memref<80x125xi32, #tpu.memory_space<vmem>>) target_semaphore(%run_scoped3A : memref<!tpu.dma_semaphore, #tpu.memory_space<semaphore_mem>>)
        %dma_wait3A = arith.constant 0 : i32
        %dma_wait3A_79 = tpu.memref_slice %arg4[%add3A_69, %dma_wait3A] : memref<2560x125xi32, #tpu.memory_space<hbm>> -> memref<80x125xi32, #tpu.memory_space<hbm>>
        %dma_wait3A_80 = arith.constant 0 : i32
        %dma_wait3A_81 = tpu.memref_slice %arg4[%add3A_69, %dma_wait3A_80] : memref<2560x125xi32, #tpu.memory_space<hbm>> -> memref<80x125xi32, #tpu.memory_space<hbm>>
        tpu.wait_dma2 semaphore(%run_scoped3A : memref<!tpu.dma_semaphore, #tpu.memory_space<semaphore_mem>>) src(%dma_wait3A_81 : memref<80x125xi32, #tpu.memory_space<hbm>>) dst(%arg7 : memref<80x125xi32, #tpu.memory_space<vmem>>)
        tpu.yield
      }) : () -> ()
      "tpu.region"() ({
        %run_scoped3A = tpu.sem_alloc : memref<!tpu.dma_semaphore, #tpu.memory_space<semaphore_mem>>
        %dma_start3A = arith.constant 0 : i32
        %dma_start3A_76 = tpu.memref_slice %arg5[%add3A_69, %dma_start3A] : memref<2560x125xi32, #tpu.memory_space<hbm>> -> memref<80x125xi32, #tpu.memory_space<hbm>>
        %dma_start3A_77 = arith.constant 0 : i32
        %dma_start3A_78 = tpu.memref_slice %arg5[%add3A_69, %dma_start3A_77] : memref<2560x125xi32, #tpu.memory_space<hbm>> -> memref<80x125xi32, #tpu.memory_space<hbm>>
        tpu.enqueue_dma source(%dma_start3A_78 : memref<80x125xi32, #tpu.memory_space<hbm>>) target(%arg8 : memref<80x125xi32, #tpu.memory_space<vmem>>) target_semaphore(%run_scoped3A : memref<!tpu.dma_semaphore, #tpu.memory_space<semaphore_mem>>)
        %dma_wait3A = arith.constant 0 : i32
        %dma_wait3A_79 = tpu.memref_slice %arg5[%add3A_69, %dma_wait3A] : memref<2560x125xi32, #tpu.memory_space<hbm>> -> memref<80x125xi32, #tpu.memory_space<hbm>>
        %dma_wait3A_80 = arith.constant 0 : i32
        %dma_wait3A_81 = tpu.memref_slice %arg5[%add3A_69, %dma_wait3A_80] : memref<2560x125xi32, #tpu.memory_space<hbm>> -> memref<80x125xi32, #tpu.memory_space<hbm>>
        tpu.wait_dma2 semaphore(%run_scoped3A : memref<!tpu.dma_semaphore, #tpu.memory_space<semaphore_mem>>) src(%dma_wait3A_81 : memref<80x125xi32, #tpu.memory_space<hbm>>) dst(%arg8 : memref<80x125xi32, #tpu.memory_space<vmem>>)
        tpu.yield
      }) : () -> ()
      %scan3A_70 = arith.constant 0 : i32
      %scan3A_71 = arith.constant 0 : i32
      %scan3A_72 = arith.constant 80 : i32
      %scan3A_73 = arith.addi %scan3A_71, %scan3A_72 : i32
      %scan3A_74 = arith.constant 1 : i32
      scf.for %scan3A_76 = %scan3A_71 to %scan3A_73 step %scan3A_74  : i32 {
        %dma_start3A = arith.constant 0 : i32
        %dma_start3A_77 = tpu.memref_slice %arg7[%scan3A_76, %dma_start3A] : memref<80x125xi32, #tpu.memory_space<vmem>> -> memref<1x125xi32, #tpu.memory_space<vmem>>
        %dma_start3A_78 = tpu.memref_squeeze %dma_start3A_77 : memref<1x125xi32, #tpu.memory_space<vmem>> -> memref<125xi32, #tpu.memory_space<vmem>>
        %dma_start3A_79 = arith.constant 0 : i32
        %dma_start3A_80 = arith.constant 0 : i32
        %dma_start3A_81 = tpu.memref_slice %arg3[%dma_start3A_79, %dma_start3A_80] : memref<10240x128xf32, #tpu.memory_space<hbm>> -> memref<10240x128xf32, #tpu.memory_space<hbm>>
        tpu.enqueue_indirect_dma source(%dma_start3A_81 : memref<10240x128xf32, #tpu.memory_space<hbm>>) target(%arg9 : memref<125x128xf32, #tpu.memory_space<vmem>>) offsets(%dma_start3A_78 : memref<125xi32, #tpu.memory_space<vmem>>) semaphore(%arg12 : memref<!tpu.dma_semaphore, #tpu.memory_space<semaphore_mem>>)
        %dma_wait3A = arith.constant 0 : i32
        %dma_wait3A_82 = tpu.memref_slice %arg7[%scan3A_76, %dma_wait3A] : memref<80x125xi32, #tpu.memory_space<vmem>> -> memref<1x125xi32, #tpu.memory_space<vmem>>
        %dma_wait3A_83 = tpu.memref_squeeze %dma_wait3A_82 : memref<1x125xi32, #tpu.memory_space<vmem>> -> memref<125xi32, #tpu.memory_space<vmem>>
        %dma_wait3A_84 = arith.constant 0 : i32
        %dma_wait3A_85 = arith.constant 0 : i32
        %dma_wait3A_86 = tpu.memref_slice %arg3[%dma_wait3A_84, %dma_wait3A_85] : memref<10240x128xf32, #tpu.memory_space<hbm>> -> memref<10240x128xf32, #tpu.memory_space<hbm>>
        tpu.wait_indirect_dma semaphore(%arg12 : memref<!tpu.dma_semaphore, #tpu.memory_space<semaphore_mem>>) src(%dma_wait3A_86 : memref<10240x128xf32, #tpu.memory_space<hbm>>) dst(%arg9 : memref<125x128xf32, #tpu.memory_space<vmem>>)
        "tpu.region"() ({
          %run_scoped3A = tpu.sem_alloc : memref<!tpu.dma_semaphore, #tpu.memory_space<semaphore_mem>>
          %dma_start3A_87 = arith.constant 0 : i32
          %dma_start3A_88 = tpu.memref_slice %arg8[%scan3A_76, %dma_start3A_87] : memref<80x125xi32, #tpu.memory_space<vmem>> -> memref<1x125xi32, #tpu.memory_space<vmem>>
          %dma_start3A_89 = tpu.memref_squeeze %dma_start3A_88 : memref<1x125xi32, #tpu.memory_space<vmem>> -> memref<125xi32, #tpu.memory_space<vmem>>
          %dma_start3A_90 = arith.constant 0 : i32
          %dma_start3A_91 = arith.constant 0 : i32
          %dma_start3A_92 = tpu.memref_slice %arg11[%dma_start3A_90, %dma_start3A_91] : memref<10240x128xf32, #tpu.memory_space<vmem_shared>> -> memref<10240x128xf32, #tpu.memory_space<vmem_shared>>
          tpu.enqueue_indirect_dma source(%arg9 : memref<125x128xf32, #tpu.memory_space<vmem>>) target(%dma_start3A_92 : memref<10240x128xf32, #tpu.memory_space<vmem_shared>>) offsets(%dma_start3A_89 : memref<125xi32, #tpu.memory_space<vmem>>) semaphore(%run_scoped3A : memref<!tpu.dma_semaphore, #tpu.memory_space<semaphore_mem>>) {add = true}
          %dma_wait3A_93 = arith.constant 0 : i32
          %dma_wait3A_94 = tpu.memref_slice %arg8[%scan3A_76, %dma_wait3A_93] : memref<80x125xi32, #tpu.memory_space<vmem>> -> memref<1x125xi32, #tpu.memory_space<vmem>>
          %dma_wait3A_95 = tpu.memref_squeeze %dma_wait3A_94 : memref<1x125xi32, #tpu.memory_space<vmem>> -> memref<125xi32, #tpu.memory_space<vmem>>
          %dma_wait3A_96 = arith.constant 0 : i32
          %dma_wait3A_97 = arith.constant 0 : i32
          %dma_wait3A_98 = tpu.memref_slice %arg11[%dma_wait3A_96, %dma_wait3A_97] : memref<10240x128xf32, #tpu.memory_space<vmem_shared>> -> memref<10240x128xf32, #tpu.memory_space<vmem_shared>>
          tpu.wait_indirect_dma semaphore(%run_scoped3A : memref<!tpu.dma_semaphore, #tpu.memory_space<semaphore_mem>>) src(%arg9 : memref<125x128xf32, #tpu.memory_space<vmem>>) dst(%dma_wait3A_98 : memref<10240x128xf32, #tpu.memory_space<vmem_shared>>)
          tpu.yield
        }) : () -> ()
      }
      %scan3A_75 = arith.constant 80 : i32
    } else {
    }
    %barrier3A_51 = arith.constant 0 : index
    tpu.barrier barrier_id(%barrier3A_51)
    %mul3A_52 = arith.constant 640 : i32
    %mul3A_53 = arith.muli %arg1, %mul3A_52 : i32
    %mul3A_54 = arith.constant 640 : i32
    %mul3A_55 = arith.muli %arg1, %mul3A_54 : i32
    "tpu.region"() ({
      %run_scoped3A = tpu.sem_alloc : memref<!tpu.dma_semaphore, #tpu.memory_space<semaphore_mem>>
      %dma_start3A = arith.constant 0 : i32
      %dma_start3A_56 = tpu.memref_slice %arg6[%arg0, %mul3A_55, %dma_start3A] : memref<2x10240x128xf32, #tpu.memory_space<hbm>> -> memref<1x640x128xf32, #tpu.memory_space<hbm>>
      %dma_start3A_57 = tpu.memref_squeeze %dma_start3A_56 : memref<1x640x128xf32, #tpu.memory_space<hbm>> -> memref<640x128xf32, #tpu.memory_space<hbm>>
      %dma_start3A_58 = arith.constant 0 : i32
      %dma_start3A_59 = tpu.memref_slice %arg11[%mul3A_53, %dma_start3A_58] : memref<10240x128xf32, #tpu.memory_space<vmem_shared>> -> memref<640x128xf32, #tpu.memory_space<vmem_shared>>
      tpu.enqueue_dma source(%dma_start3A_59 : memref<640x128xf32, #tpu.memory_space<vmem_shared>>) target(%dma_start3A_57 : memref<640x128xf32, #tpu.memory_space<hbm>>) target_semaphore(%run_scoped3A : memref<!tpu.dma_semaphore, #tpu.memory_space<semaphore_mem>>)
      %dma_wait3A = arith.constant 0 : i32
      %dma_wait3A_60 = tpu.memref_slice %arg6[%arg0, %mul3A_55, %dma_wait3A] : memref<2x10240x128xf32, #tpu.memory_space<hbm>> -> memref<1x640x128xf32, #tpu.memory_space<hbm>>
      %dma_wait3A_61 = tpu.memref_squeeze %dma_wait3A_60 : memref<1x640x128xf32, #tpu.memory_space<hbm>> -> memref<640x128xf32, #tpu.memory_space<hbm>>
      %dma_wait3A_62 = arith.constant 0 : i32
      %dma_wait3A_63 = tpu.memref_slice %arg11[%mul3A_53, %dma_wait3A_62] : memref<10240x128xf32, #tpu.memory_space<vmem_shared>> -> memref<640x128xf32, #tpu.memory_space<vmem_shared>>
      tpu.wait_dma2 semaphore(%run_scoped3A : memref<!tpu.dma_semaphore, #tpu.memory_space<semaphore_mem>>) src(%dma_wait3A_63 : memref<640x128xf32, #tpu.memory_space<vmem_shared>>) dst(%dma_wait3A_61 : memref<640x128xf32, #tpu.memory_space<hbm>>)
      tpu.yield
    }) : () -> ()
    return
  }
}

#map = affine_map<(d0, d1) -> (0, 0)>
#map1 = affine_map<(d0, d1) -> (0, 0, 0)>
module attributes {stable_mosaic.version = 14 : i64} {
  func.func @_agg1_kernel(%arg0: i32, %arg1: i32, %arg2: memref<10240x128xf32, #tpu.memory_space<hbm>>, %arg3: memref<2560x125xi32, #tpu.memory_space<hbm>>, %arg4: memref<2560x125xi32, #tpu.memory_space<hbm>>, %arg5: memref<2x10240x128xf32, #tpu.memory_space<hbm>>, %arg6: memref<80x125xi32, #tpu.memory_space<vmem>>, %arg7: memref<80x125xi32, #tpu.memory_space<vmem>>, %arg8: memref<125x128xf32, #tpu.memory_space<vmem>>, %arg9: memref<64x128xf32, #tpu.memory_space<vmem>>, %arg10: memref<10240x128xf32, #tpu.memory_space<vmem_shared>>, %arg11: memref<!tpu.dma_semaphore, #tpu.memory_space<semaphore_mem>>) attributes {dimension_semantics = [#tpu.dimension_semantics<core_parallel>, #tpu.dimension_semantics<subcore_parallel>], iteration_bounds = array<i64: 2, 16>, scalar_prefetch = 0 : i64, scratch_operands = 6 : i64, tpu.core_type = #tpu.core_type<sc_vector_subcore>, window_params = [{transform_indices = #map}, {transform_indices = #map}, {transform_indices = #map}, {transform_indices = #map1}]} {
    %broadcast_in_dim3A = arith.constant 0.000000e+00 : f32
    %broadcast_in_dim3A_0 = vector.broadcast %broadcast_in_dim3A : f32 to vector<16xf32>
    %scan3A = arith.constant 0 : i32
    %scan3A_1 = arith.constant 0 : i32
    %scan3A_2 = arith.constant 64 : i32
    %scan3A_3 = arith.addi %scan3A_1, %scan3A_2 : i32
    %scan3A_4 = arith.constant 1 : i32
    scf.for %scan3A_60 = %scan3A_1 to %scan3A_3 step %scan3A_4  : i32 {
      %swap3A = arith.index_cast %scan3A_60 : i32 to index
      %swap3A_61 = arith.constant 0 : index
      %swap3A_62 = tpu.vector_load %arg9[%swap3A, %swap3A_61] {strides = array<i32>} : memref<64x128xf32, #tpu.memory_space<vmem>>, vector<1x16xf32>,
      %swap3A_63 = vector.shape_cast %swap3A_62 : vector<1x16xf32> to vector<16xf32>
      %swap3A_64 = vector.shape_cast %broadcast_in_dim3A_0 : vector<16xf32> to vector<1x16xf32>
      tpu.vector_store %arg9[%swap3A, %swap3A_61], %swap3A_64 {strides = array<i32>} : memref<64x128xf32, #tpu.memory_space<vmem>>, vector<1x16xf32>,
      %swap3A_65 = arith.index_cast %scan3A_60 : i32 to index
      %swap3A_66 = arith.constant 16 : index
      %swap3A_67 = tpu.vector_load %arg9[%swap3A_65, %swap3A_66] {strides = array<i32>} : memref<64x128xf32, #tpu.memory_space<vmem>>, vector<1x16xf32>,
      %swap3A_68 = vector.shape_cast %swap3A_67 : vector<1x16xf32> to vector<16xf32>
      %swap3A_69 = vector.shape_cast %broadcast_in_dim3A_0 : vector<16xf32> to vector<1x16xf32>
      tpu.vector_store %arg9[%swap3A_65, %swap3A_66], %swap3A_69 {strides = array<i32>} : memref<64x128xf32, #tpu.memory_space<vmem>>, vector<1x16xf32>,
      %swap3A_70 = arith.index_cast %scan3A_60 : i32 to index
      %swap3A_71 = arith.constant 32 : index
      %swap3A_72 = tpu.vector_load %arg9[%swap3A_70, %swap3A_71] {strides = array<i32>} : memref<64x128xf32, #tpu.memory_space<vmem>>, vector<1x16xf32>,
      %swap3A_73 = vector.shape_cast %swap3A_72 : vector<1x16xf32> to vector<16xf32>
      %swap3A_74 = vector.shape_cast %broadcast_in_dim3A_0 : vector<16xf32> to vector<1x16xf32>
      tpu.vector_store %arg9[%swap3A_70, %swap3A_71], %swap3A_74 {strides = array<i32>} : memref<64x128xf32, #tpu.memory_space<vmem>>, vector<1x16xf32>,
      %swap3A_75 = arith.index_cast %scan3A_60 : i32 to index
      %swap3A_76 = arith.constant 48 : index
      %swap3A_77 = tpu.vector_load %arg9[%swap3A_75, %swap3A_76] {strides = array<i32>} : memref<64x128xf32, #tpu.memory_space<vmem>>, vector<1x16xf32>,
      %swap3A_78 = vector.shape_cast %swap3A_77 : vector<1x16xf32> to vector<16xf32>
      %swap3A_79 = vector.shape_cast %broadcast_in_dim3A_0 : vector<16xf32> to vector<1x16xf32>
      tpu.vector_store %arg9[%swap3A_75, %swap3A_76], %swap3A_79 {strides = array<i32>} : memref<64x128xf32, #tpu.memory_space<vmem>>, vector<1x16xf32>,
      %swap3A_80 = arith.index_cast %scan3A_60 : i32 to index
      %swap3A_81 = arith.constant 64 : index
      %swap3A_82 = tpu.vector_load %arg9[%swap3A_80, %swap3A_81] {strides = array<i32>} : memref<64x128xf32, #tpu.memory_space<vmem>>, vector<1x16xf32>,
      %swap3A_83 = vector.shape_cast %swap3A_82 : vector<1x16xf32> to vector<16xf32>
      %swap3A_84 = vector.shape_cast %broadcast_in_dim3A_0 : vector<16xf32> to vector<1x16xf32>
      tpu.vector_store %arg9[%swap3A_80, %swap3A_81], %swap3A_84 {strides = array<i32>} : memref<64x128xf32, #tpu.memory_space<vmem>>, vector<1x16xf32>,
      %swap3A_85 = arith.index_cast %scan3A_60 : i32 to index
      %swap3A_86 = arith.constant 80 : index
      %swap3A_87 = tpu.vector_load %arg9[%swap3A_85, %swap3A_86] {strides = array<i32>} : memref<64x128xf32, #tpu.memory_space<vmem>>, vector<1x16xf32>,
      %swap3A_88 = vector.shape_cast %swap3A_87 : vector<1x16xf32> to vector<16xf32>
      %swap3A_89 = vector.shape_cast %broadcast_in_dim3A_0 : vector<16xf32> to vector<1x16xf32>
      tpu.vector_store %arg9[%swap3A_85, %swap3A_86], %swap3A_89 {strides = array<i32>} : memref<64x128xf32, #tpu.memory_space<vmem>>, vector<1x16xf32>,
      %swap3A_90 = arith.index_cast %scan3A_60 : i32 to index
      %swap3A_91 = arith.constant 96 : index
      %swap3A_92 = tpu.vector_load %arg9[%swap3A_90, %swap3A_91] {strides = array<i32>} : memref<64x128xf32, #tpu.memory_space<vmem>>, vector<1x16xf32>,
      %swap3A_93 = vector.shape_cast %swap3A_92 : vector<1x16xf32> to vector<16xf32>
      %swap3A_94 = vector.shape_cast %broadcast_in_dim3A_0 : vector<16xf32> to vector<1x16xf32>
      tpu.vector_store %arg9[%swap3A_90, %swap3A_91], %swap3A_94 {strides = array<i32>} : memref<64x128xf32, #tpu.memory_space<vmem>>, vector<1x16xf32>,
      %swap3A_95 = arith.index_cast %scan3A_60 : i32 to index
      %swap3A_96 = arith.constant 112 : index
      %swap3A_97 = tpu.vector_load %arg9[%swap3A_95, %swap3A_96] {strides = array<i32>} : memref<64x128xf32, #tpu.memory_space<vmem>>, vector<1x16xf32>,
      %swap3A_98 = vector.shape_cast %swap3A_97 : vector<1x16xf32> to vector<16xf32>
      %swap3A_99 = vector.shape_cast %broadcast_in_dim3A_0 : vector<16xf32> to vector<1x16xf32>
      tpu.vector_store %arg9[%swap3A_95, %swap3A_96], %swap3A_99 {strides = array<i32>} : memref<64x128xf32, #tpu.memory_space<vmem>>, vector<1x16xf32>,
    }
    %scan3A_5 = arith.constant 64 : i32
    %mul3A = arith.constant 640 : i32
    %mul3A_6 = arith.muli %arg1, %mul3A : i32
    %add3A = arith.constant 0 : i32
    %add3A_7 = arith.addi %mul3A_6, %add3A : i32
    "tpu.region"() ({
      %run_scoped3A = tpu.sem_alloc : memref<!tpu.dma_semaphore, #tpu.memory_space<semaphore_mem>>
      %dma_start3A = arith.constant 0 : i32
      %dma_start3A_60 = tpu.memref_slice %arg10[%add3A_7, %dma_start3A] : memref<10240x128xf32, #tpu.memory_space<vmem_shared>> -> memref<64x128xf32, #tpu.memory_space<vmem_shared>>
      %dma_start3A_61 = arith.constant 0 : i32
      %dma_start3A_62 = tpu.memref_slice %arg10[%add3A_7, %dma_start3A_61] : memref<10240x128xf32, #tpu.memory_space<vmem_shared>> -> memref<64x128xf32, #tpu.memory_space<vmem_shared>>
      tpu.enqueue_dma source(%arg9 : memref<64x128xf32, #tpu.memory_space<vmem>>) target(%dma_start3A_62 : memref<64x128xf32, #tpu.memory_space<vmem_shared>>) target_semaphore(%run_scoped3A : memref<!tpu.dma_semaphore, #tpu.memory_space<semaphore_mem>>)
      %dma_wait3A = arith.constant 0 : i32
      %dma_wait3A_63 = tpu.memref_slice %arg10[%add3A_7, %dma_wait3A] : memref<10240x128xf32, #tpu.memory_space<vmem_shared>> -> memref<64x128xf32, #tpu.memory_space<vmem_shared>>
      %dma_wait3A_64 = arith.constant 0 : i32
      %dma_wait3A_65 = tpu.memref_slice %arg10[%add3A_7, %dma_wait3A_64] : memref<10240x128xf32, #tpu.memory_space<vmem_shared>> -> memref<64x128xf32, #tpu.memory_space<vmem_shared>>
      tpu.wait_dma2 semaphore(%run_scoped3A : memref<!tpu.dma_semaphore, #tpu.memory_space<semaphore_mem>>) src(%arg9 : memref<64x128xf32, #tpu.memory_space<vmem>>) dst(%dma_wait3A_65 : memref<64x128xf32, #tpu.memory_space<vmem_shared>>)
      tpu.yield
    }) : () -> ()
    %mul3A_8 = arith.constant 640 : i32
    %mul3A_9 = arith.muli %arg1, %mul3A_8 : i32
    %add3A_10 = arith.constant 64 : i32
    %add3A_11 = arith.addi %mul3A_9, %add3A_10 : i32
    "tpu.region"() ({
      %run_scoped3A = tpu.sem_alloc : memref<!tpu.dma_semaphore, #tpu.memory_space<semaphore_mem>>
      %dma_start3A = arith.constant 0 : i32
      %dma_start3A_60 = tpu.memref_slice %arg10[%add3A_11, %dma_start3A] : memref<10240x128xf32, #tpu.memory_space<vmem_shared>> -> memref<64x128xf32, #tpu.memory_space<vmem_shared>>
      %dma_start3A_61 = arith.constant 0 : i32
      %dma_start3A_62 = tpu.memref_slice %arg10[%add3A_11, %dma_start3A_61] : memref<10240x128xf32, #tpu.memory_space<vmem_shared>> -> memref<64x128xf32, #tpu.memory_space<vmem_shared>>
      tpu.enqueue_dma source(%arg9 : memref<64x128xf32, #tpu.memory_space<vmem>>) target(%dma_start3A_62 : memref<64x128xf32, #tpu.memory_space<vmem_shared>>) target_semaphore(%run_scoped3A : memref<!tpu.dma_semaphore, #tpu.memory_space<semaphore_mem>>)
      %dma_wait3A = arith.constant 0 : i32
      %dma_wait3A_63 = tpu.memref_slice %arg10[%add3A_11, %dma_wait3A] : memref<10240x128xf32, #tpu.memory_space<vmem_shared>> -> memref<64x128xf32, #tpu.memory_space<vmem_shared>>
      %dma_wait3A_64 = arith.constant 0 : i32
      %dma_wait3A_65 = tpu.memref_slice %arg10[%add3A_11, %dma_wait3A_64] : memref<10240x128xf32, #tpu.memory_space<vmem_shared>> -> memref<64x128xf32, #tpu.memory_space<vmem_shared>>
      tpu.wait_dma2 semaphore(%run_scoped3A : memref<!tpu.dma_semaphore, #tpu.memory_space<semaphore_mem>>) src(%arg9 : memref<64x128xf32, #tpu.memory_space<vmem>>) dst(%dma_wait3A_65 : memref<64x128xf32, #tpu.memory_space<vmem_shared>>)
      tpu.yield
    }) : () -> ()
    %mul3A_12 = arith.constant 640 : i32
    %mul3A_13 = arith.muli %arg1, %mul3A_12 : i32
    %add3A_14 = arith.constant 128 : i32
    %add3A_15 = arith.addi %mul3A_13, %add3A_14 : i32
    "tpu.region"() ({
      %run_scoped3A = tpu.sem_alloc : memref<!tpu.dma_semaphore, #tpu.memory_space<semaphore_mem>>
      %dma_start3A = arith.constant 0 : i32
      %dma_start3A_60 = tpu.memref_slice %arg10[%add3A_15, %dma_start3A] : memref<10240x128xf32, #tpu.memory_space<vmem_shared>> -> memref<64x128xf32, #tpu.memory_space<vmem_shared>>
      %dma_start3A_61 = arith.constant 0 : i32
      %dma_start3A_62 = tpu.memref_slice %arg10[%add3A_15, %dma_start3A_61] : memref<10240x128xf32, #tpu.memory_space<vmem_shared>> -> memref<64x128xf32, #tpu.memory_space<vmem_shared>>
      tpu.enqueue_dma source(%arg9 : memref<64x128xf32, #tpu.memory_space<vmem>>) target(%dma_start3A_62 : memref<64x128xf32, #tpu.memory_space<vmem_shared>>) target_semaphore(%run_scoped3A : memref<!tpu.dma_semaphore, #tpu.memory_space<semaphore_mem>>)
      %dma_wait3A = arith.constant 0 : i32
      %dma_wait3A_63 = tpu.memref_slice %arg10[%add3A_15, %dma_wait3A] : memref<10240x128xf32, #tpu.memory_space<vmem_shared>> -> memref<64x128xf32, #tpu.memory_space<vmem_shared>>
      %dma_wait3A_64 = arith.constant 0 : i32
      %dma_wait3A_65 = tpu.memref_slice %arg10[%add3A_15, %dma_wait3A_64] : memref<10240x128xf32, #tpu.memory_space<vmem_shared>> -> memref<64x128xf32, #tpu.memory_space<vmem_shared>>
      tpu.wait_dma2 semaphore(%run_scoped3A : memref<!tpu.dma_semaphore, #tpu.memory_space<semaphore_mem>>) src(%arg9 : memref<64x128xf32, #tpu.memory_space<vmem>>) dst(%dma_wait3A_65 : memref<64x128xf32, #tpu.memory_space<vmem_shared>>)
      tpu.yield
    }) : () -> ()
    %mul3A_16 = arith.constant 640 : i32
    %mul3A_17 = arith.muli %arg1, %mul3A_16 : i32
    %add3A_18 = arith.constant 192 : i32
    %add3A_19 = arith.addi %mul3A_17, %add3A_18 : i32
    "tpu.region"() ({
      %run_scoped3A = tpu.sem_alloc : memref<!tpu.dma_semaphore, #tpu.memory_space<semaphore_mem>>
      %dma_start3A = arith.constant 0 : i32
      %dma_start3A_60 = tpu.memref_slice %arg10[%add3A_19, %dma_start3A] : memref<10240x128xf32, #tpu.memory_space<vmem_shared>> -> memref<64x128xf32, #tpu.memory_space<vmem_shared>>
      %dma_start3A_61 = arith.constant 0 : i32
      %dma_start3A_62 = tpu.memref_slice %arg10[%add3A_19, %dma_start3A_61] : memref<10240x128xf32, #tpu.memory_space<vmem_shared>> -> memref<64x128xf32, #tpu.memory_space<vmem_shared>>
      tpu.enqueue_dma source(%arg9 : memref<64x128xf32, #tpu.memory_space<vmem>>) target(%dma_start3A_62 : memref<64x128xf32, #tpu.memory_space<vmem_shared>>) target_semaphore(%run_scoped3A : memref<!tpu.dma_semaphore, #tpu.memory_space<semaphore_mem>>)
      %dma_wait3A = arith.constant 0 : i32
      %dma_wait3A_63 = tpu.memref_slice %arg10[%add3A_19, %dma_wait3A] : memref<10240x128xf32, #tpu.memory_space<vmem_shared>> -> memref<64x128xf32, #tpu.memory_space<vmem_shared>>
      %dma_wait3A_64 = arith.constant 0 : i32
      %dma_wait3A_65 = tpu.memref_slice %arg10[%add3A_19, %dma_wait3A_64] : memref<10240x128xf32, #tpu.memory_space<vmem_shared>> -> memref<64x128xf32, #tpu.memory_space<vmem_shared>>
      tpu.wait_dma2 semaphore(%run_scoped3A : memref<!tpu.dma_semaphore, #tpu.memory_space<semaphore_mem>>) src(%arg9 : memref<64x128xf32, #tpu.memory_space<vmem>>) dst(%dma_wait3A_65 : memref<64x128xf32, #tpu.memory_space<vmem_shared>>)
      tpu.yield
    }) : () -> ()
    %mul3A_20 = arith.constant 640 : i32
    %mul3A_21 = arith.muli %arg1, %mul3A_20 : i32
    %add3A_22 = arith.constant 256 : i32
    %add3A_23 = arith.addi %mul3A_21, %add3A_22 : i32
    "tpu.region"() ({
      %run_scoped3A = tpu.sem_alloc : memref<!tpu.dma_semaphore, #tpu.memory_space<semaphore_mem>>
      %dma_start3A = arith.constant 0 : i32
      %dma_start3A_60 = tpu.memref_slice %arg10[%add3A_23, %dma_start3A] : memref<10240x128xf32, #tpu.memory_space<vmem_shared>> -> memref<64x128xf32, #tpu.memory_space<vmem_shared>>
      %dma_start3A_61 = arith.constant 0 : i32
      %dma_start3A_62 = tpu.memref_slice %arg10[%add3A_23, %dma_start3A_61] : memref<10240x128xf32, #tpu.memory_space<vmem_shared>> -> memref<64x128xf32, #tpu.memory_space<vmem_shared>>
      tpu.enqueue_dma source(%arg9 : memref<64x128xf32, #tpu.memory_space<vmem>>) target(%dma_start3A_62 : memref<64x128xf32, #tpu.memory_space<vmem_shared>>) target_semaphore(%run_scoped3A : memref<!tpu.dma_semaphore, #tpu.memory_space<semaphore_mem>>)
      %dma_wait3A = arith.constant 0 : i32
      %dma_wait3A_63 = tpu.memref_slice %arg10[%add3A_23, %dma_wait3A] : memref<10240x128xf32, #tpu.memory_space<vmem_shared>> -> memref<64x128xf32, #tpu.memory_space<vmem_shared>>
      %dma_wait3A_64 = arith.constant 0 : i32
      %dma_wait3A_65 = tpu.memref_slice %arg10[%add3A_23, %dma_wait3A_64] : memref<10240x128xf32, #tpu.memory_space<vmem_shared>> -> memref<64x128xf32, #tpu.memory_space<vmem_shared>>
      tpu.wait_dma2 semaphore(%run_scoped3A : memref<!tpu.dma_semaphore, #tpu.memory_space<semaphore_mem>>) src(%arg9 : memref<64x128xf32, #tpu.memory_space<vmem>>) dst(%dma_wait3A_65 : memref<64x128xf32, #tpu.memory_space<vmem_shared>>)
      tpu.yield
    }) : () -> ()
    %mul3A_24 = arith.constant 640 : i32
    %mul3A_25 = arith.muli %arg1, %mul3A_24 : i32
    %add3A_26 = arith.constant 320 : i32
    %add3A_27 = arith.addi %mul3A_25, %add3A_26 : i32
    "tpu.region"() ({
      %run_scoped3A = tpu.sem_alloc : memref<!tpu.dma_semaphore, #tpu.memory_space<semaphore_mem>>
      %dma_start3A = arith.constant 0 : i32
      %dma_start3A_60 = tpu.memref_slice %arg10[%add3A_27, %dma_start3A] : memref<10240x128xf32, #tpu.memory_space<vmem_shared>> -> memref<64x128xf32, #tpu.memory_space<vmem_shared>>
      %dma_start3A_61 = arith.constant 0 : i32
      %dma_start3A_62 = tpu.memref_slice %arg10[%add3A_27, %dma_start3A_61] : memref<10240x128xf32, #tpu.memory_space<vmem_shared>> -> memref<64x128xf32, #tpu.memory_space<vmem_shared>>
      tpu.enqueue_dma source(%arg9 : memref<64x128xf32, #tpu.memory_space<vmem>>) target(%dma_start3A_62 : memref<64x128xf32, #tpu.memory_space<vmem_shared>>) target_semaphore(%run_scoped3A : memref<!tpu.dma_semaphore, #tpu.memory_space<semaphore_mem>>)
      %dma_wait3A = arith.constant 0 : i32
      %dma_wait3A_63 = tpu.memref_slice %arg10[%add3A_27, %dma_wait3A] : memref<10240x128xf32, #tpu.memory_space<vmem_shared>> -> memref<64x128xf32, #tpu.memory_space<vmem_shared>>
      %dma_wait3A_64 = arith.constant 0 : i32
      %dma_wait3A_65 = tpu.memref_slice %arg10[%add3A_27, %dma_wait3A_64] : memref<10240x128xf32, #tpu.memory_space<vmem_shared>> -> memref<64x128xf32, #tpu.memory_space<vmem_shared>>
      tpu.wait_dma2 semaphore(%run_scoped3A : memref<!tpu.dma_semaphore, #tpu.memory_space<semaphore_mem>>) src(%arg9 : memref<64x128xf32, #tpu.memory_space<vmem>>) dst(%dma_wait3A_65 : memref<64x128xf32, #tpu.memory_space<vmem_shared>>)
      tpu.yield
    }) : () -> ()
    %mul3A_28 = arith.constant 640 : i32
    %mul3A_29 = arith.muli %arg1, %mul3A_28 : i32
    %add3A_30 = arith.constant 384 : i32
    %add3A_31 = arith.addi %mul3A_29, %add3A_30 : i32
    "tpu.region"() ({
      %run_scoped3A = tpu.sem_alloc : memref<!tpu.dma_semaphore, #tpu.memory_space<semaphore_mem>>
      %dma_start3A = arith.constant 0 : i32
      %dma_start3A_60 = tpu.memref_slice %arg10[%add3A_31, %dma_start3A] : memref<10240x128xf32, #tpu.memory_space<vmem_shared>> -> memref<64x128xf32, #tpu.memory_space<vmem_shared>>
      %dma_start3A_61 = arith.constant 0 : i32
      %dma_start3A_62 = tpu.memref_slice %arg10[%add3A_31, %dma_start3A_61] : memref<10240x128xf32, #tpu.memory_space<vmem_shared>> -> memref<64x128xf32, #tpu.memory_space<vmem_shared>>
      tpu.enqueue_dma source(%arg9 : memref<64x128xf32, #tpu.memory_space<vmem>>) target(%dma_start3A_62 : memref<64x128xf32, #tpu.memory_space<vmem_shared>>) target_semaphore(%run_scoped3A : memref<!tpu.dma_semaphore, #tpu.memory_space<semaphore_mem>>)
      %dma_wait3A = arith.constant 0 : i32
      %dma_wait3A_63 = tpu.memref_slice %arg10[%add3A_31, %dma_wait3A] : memref<10240x128xf32, #tpu.memory_space<vmem_shared>> -> memref<64x128xf32, #tpu.memory_space<vmem_shared>>
      %dma_wait3A_64 = arith.constant 0 : i32
      %dma_wait3A_65 = tpu.memref_slice %arg10[%add3A_31, %dma_wait3A_64] : memref<10240x128xf32, #tpu.memory_space<vmem_shared>> -> memref<64x128xf32, #tpu.memory_space<vmem_shared>>
      tpu.wait_dma2 semaphore(%run_scoped3A : memref<!tpu.dma_semaphore, #tpu.memory_space<semaphore_mem>>) src(%arg9 : memref<64x128xf32, #tpu.memory_space<vmem>>) dst(%dma_wait3A_65 : memref<64x128xf32, #tpu.memory_space<vmem_shared>>)
      tpu.yield
    }) : () -> ()
    %mul3A_32 = arith.constant 640 : i32
    %mul3A_33 = arith.muli %arg1, %mul3A_32 : i32
    %add3A_34 = arith.constant 448 : i32
    %add3A_35 = arith.addi %mul3A_33, %add3A_34 : i32
    "tpu.region"() ({
      %run_scoped3A = tpu.sem_alloc : memref<!tpu.dma_semaphore, #tpu.memory_space<semaphore_mem>>
      %dma_start3A = arith.constant 0 : i32
      %dma_start3A_60 = tpu.memref_slice %arg10[%add3A_35, %dma_start3A] : memref<10240x128xf32, #tpu.memory_space<vmem_shared>> -> memref<64x128xf32, #tpu.memory_space<vmem_shared>>
      %dma_start3A_61 = arith.constant 0 : i32
      %dma_start3A_62 = tpu.memref_slice %arg10[%add3A_35, %dma_start3A_61] : memref<10240x128xf32, #tpu.memory_space<vmem_shared>> -> memref<64x128xf32, #tpu.memory_space<vmem_shared>>
      tpu.enqueue_dma source(%arg9 : memref<64x128xf32, #tpu.memory_space<vmem>>) target(%dma_start3A_62 : memref<64x128xf32, #tpu.memory_space<vmem_shared>>) target_semaphore(%run_scoped3A : memref<!tpu.dma_semaphore, #tpu.memory_space<semaphore_mem>>)
      %dma_wait3A = arith.constant 0 : i32
      %dma_wait3A_63 = tpu.memref_slice %arg10[%add3A_35, %dma_wait3A] : memref<10240x128xf32, #tpu.memory_space<vmem_shared>> -> memref<64x128xf32, #tpu.memory_space<vmem_shared>>
      %dma_wait3A_64 = arith.constant 0 : i32
      %dma_wait3A_65 = tpu.memref_slice %arg10[%add3A_35, %dma_wait3A_64] : memref<10240x128xf32, #tpu.memory_space<vmem_shared>> -> memref<64x128xf32, #tpu.memory_space<vmem_shared>>
      tpu.wait_dma2 semaphore(%run_scoped3A : memref<!tpu.dma_semaphore, #tpu.memory_space<semaphore_mem>>) src(%arg9 : memref<64x128xf32, #tpu.memory_space<vmem>>) dst(%dma_wait3A_65 : memref<64x128xf32, #tpu.memory_space<vmem_shared>>)
      tpu.yield
    }) : () -> ()
    %mul3A_36 = arith.constant 640 : i32
    %mul3A_37 = arith.muli %arg1, %mul3A_36 : i32
    %add3A_38 = arith.constant 512 : i32
    %add3A_39 = arith.addi %mul3A_37, %add3A_38 : i32
    "tpu.region"() ({
      %run_scoped3A = tpu.sem_alloc : memref<!tpu.dma_semaphore, #tpu.memory_space<semaphore_mem>>
      %dma_start3A = arith.constant 0 : i32
      %dma_start3A_60 = tpu.memref_slice %arg10[%add3A_39, %dma_start3A] : memref<10240x128xf32, #tpu.memory_space<vmem_shared>> -> memref<64x128xf32, #tpu.memory_space<vmem_shared>>
      %dma_start3A_61 = arith.constant 0 : i32
      %dma_start3A_62 = tpu.memref_slice %arg10[%add3A_39, %dma_start3A_61] : memref<10240x128xf32, #tpu.memory_space<vmem_shared>> -> memref<64x128xf32, #tpu.memory_space<vmem_shared>>
      tpu.enqueue_dma source(%arg9 : memref<64x128xf32, #tpu.memory_space<vmem>>) target(%dma_start3A_62 : memref<64x128xf32, #tpu.memory_space<vmem_shared>>) target_semaphore(%run_scoped3A : memref<!tpu.dma_semaphore, #tpu.memory_space<semaphore_mem>>)
      %dma_wait3A = arith.constant 0 : i32
      %dma_wait3A_63 = tpu.memref_slice %arg10[%add3A_39, %dma_wait3A] : memref<10240x128xf32, #tpu.memory_space<vmem_shared>> -> memref<64x128xf32, #tpu.memory_space<vmem_shared>>
      %dma_wait3A_64 = arith.constant 0 : i32
      %dma_wait3A_65 = tpu.memref_slice %arg10[%add3A_39, %dma_wait3A_64] : memref<10240x128xf32, #tpu.memory_space<vmem_shared>> -> memref<64x128xf32, #tpu.memory_space<vmem_shared>>
      tpu.wait_dma2 semaphore(%run_scoped3A : memref<!tpu.dma_semaphore, #tpu.memory_space<semaphore_mem>>) src(%arg9 : memref<64x128xf32, #tpu.memory_space<vmem>>) dst(%dma_wait3A_65 : memref<64x128xf32, #tpu.memory_space<vmem_shared>>)
      tpu.yield
    }) : () -> ()
    %mul3A_40 = arith.constant 640 : i32
    %mul3A_41 = arith.muli %arg1, %mul3A_40 : i32
    %add3A_42 = arith.constant 576 : i32
    %add3A_43 = arith.addi %mul3A_41, %add3A_42 : i32
    "tpu.region"() ({
      %run_scoped3A = tpu.sem_alloc : memref<!tpu.dma_semaphore, #tpu.memory_space<semaphore_mem>>
      %dma_start3A = arith.constant 0 : i32
      %dma_start3A_60 = tpu.memref_slice %arg10[%add3A_43, %dma_start3A] : memref<10240x128xf32, #tpu.memory_space<vmem_shared>> -> memref<64x128xf32, #tpu.memory_space<vmem_shared>>
      %dma_start3A_61 = arith.constant 0 : i32
      %dma_start3A_62 = tpu.memref_slice %arg10[%add3A_43, %dma_start3A_61] : memref<10240x128xf32, #tpu.memory_space<vmem_shared>> -> memref<64x128xf32, #tpu.memory_space<vmem_shared>>
      tpu.enqueue_dma source(%arg9 : memref<64x128xf32, #tpu.memory_space<vmem>>) target(%dma_start3A_62 : memref<64x128xf32, #tpu.memory_space<vmem_shared>>) target_semaphore(%run_scoped3A : memref<!tpu.dma_semaphore, #tpu.memory_space<semaphore_mem>>)
      %dma_wait3A = arith.constant 0 : i32
      %dma_wait3A_63 = tpu.memref_slice %arg10[%add3A_43, %dma_wait3A] : memref<10240x128xf32, #tpu.memory_space<vmem_shared>> -> memref<64x128xf32, #tpu.memory_space<vmem_shared>>
      %dma_wait3A_64 = arith.constant 0 : i32
      %dma_wait3A_65 = tpu.memref_slice %arg10[%add3A_43, %dma_wait3A_64] : memref<10240x128xf32, #tpu.memory_space<vmem_shared>> -> memref<64x128xf32, #tpu.memory_space<vmem_shared>>
      tpu.wait_dma2 semaphore(%run_scoped3A : memref<!tpu.dma_semaphore, #tpu.memory_space<semaphore_mem>>) src(%arg9 : memref<64x128xf32, #tpu.memory_space<vmem>>) dst(%dma_wait3A_65 : memref<64x128xf32, #tpu.memory_space<vmem_shared>>)
      tpu.yield
    }) : () -> ()
    %barrier3A = arith.constant 0 : index
    tpu.barrier barrier_id(%barrier3A)
    %mul3A_44 = arith.constant 16 : i32
    %mul3A_45 = arith.muli %arg0, %mul3A_44 : i32
    %add3A_46 = arith.addi %mul3A_45, %arg1 : i32
    %mul3A_47 = arith.constant 80 : i32
    %mul3A_48 = arith.muli %add3A_46, %mul3A_47 : i32
    "tpu.region"() ({
      %run_scoped3A = tpu.sem_alloc : memref<!tpu.dma_semaphore, #tpu.memory_space<semaphore_mem>>
      %dma_start3A = arith.constant 0 : i32
      %dma_start3A_60 = tpu.memref_slice %arg3[%mul3A_48, %dma_start3A] : memref<2560x125xi32, #tpu.memory_space<hbm>> -> memref<80x125xi32, #tpu.memory_space<hbm>>
      %dma_start3A_61 = arith.constant 0 : i32
      %dma_start3A_62 = tpu.memref_slice %arg3[%mul3A_48, %dma_start3A_61] : memref<2560x125xi32, #tpu.memory_space<hbm>> -> memref<80x125xi32, #tpu.memory_space<hbm>>
      tpu.enqueue_dma source(%dma_start3A_62 : memref<80x125xi32, #tpu.memory_space<hbm>>) target(%arg6 : memref<80x125xi32, #tpu.memory_space<vmem>>) target_semaphore(%run_scoped3A : memref<!tpu.dma_semaphore, #tpu.memory_space<semaphore_mem>>)
      %dma_wait3A = arith.constant 0 : i32
      %dma_wait3A_63 = tpu.memref_slice %arg3[%mul3A_48, %dma_wait3A] : memref<2560x125xi32, #tpu.memory_space<hbm>> -> memref<80x125xi32, #tpu.memory_space<hbm>>
      %dma_wait3A_64 = arith.constant 0 : i32
      %dma_wait3A_65 = tpu.memref_slice %arg3[%mul3A_48, %dma_wait3A_64] : memref<2560x125xi32, #tpu.memory_space<hbm>> -> memref<80x125xi32, #tpu.memory_space<hbm>>
      tpu.wait_dma2 semaphore(%run_scoped3A : memref<!tpu.dma_semaphore, #tpu.memory_space<semaphore_mem>>) src(%dma_wait3A_65 : memref<80x125xi32, #tpu.memory_space<hbm>>) dst(%arg6 : memref<80x125xi32, #tpu.memory_space<vmem>>)
      tpu.yield
    }) : () -> ()
    "tpu.region"() ({
      %run_scoped3A = tpu.sem_alloc : memref<!tpu.dma_semaphore, #tpu.memory_space<semaphore_mem>>
      %dma_start3A = arith.constant 0 : i32
      %dma_start3A_60 = tpu.memref_slice %arg4[%mul3A_48, %dma_start3A] : memref<2560x125xi32, #tpu.memory_space<hbm>> -> memref<80x125xi32, #tpu.memory_space<hbm>>
      %dma_start3A_61 = arith.constant 0 : i32
      %dma_start3A_62 = tpu.memref_slice %arg4[%mul3A_48, %dma_start3A_61] : memref<2560x125xi32, #tpu.memory_space<hbm>> -> memref<80x125xi32, #tpu.memory_space<hbm>>
      tpu.enqueue_dma source(%dma_start3A_62 : memref<80x125xi32, #tpu.memory_space<hbm>>) target(%arg7 : memref<80x125xi32, #tpu.memory_space<vmem>>) target_semaphore(%run_scoped3A : memref<!tpu.dma_semaphore, #tpu.memory_space<semaphore_mem>>)
      %dma_wait3A = arith.constant 0 : i32
      %dma_wait3A_63 = tpu.memref_slice %arg4[%mul3A_48, %dma_wait3A] : memref<2560x125xi32, #tpu.memory_space<hbm>> -> memref<80x125xi32, #tpu.memory_space<hbm>>
      %dma_wait3A_64 = arith.constant 0 : i32
      %dma_wait3A_65 = tpu.memref_slice %arg4[%mul3A_48, %dma_wait3A_64] : memref<2560x125xi32, #tpu.memory_space<hbm>> -> memref<80x125xi32, #tpu.memory_space<hbm>>
      tpu.wait_dma2 semaphore(%run_scoped3A : memref<!tpu.dma_semaphore, #tpu.memory_space<semaphore_mem>>) src(%dma_wait3A_65 : memref<80x125xi32, #tpu.memory_space<hbm>>) dst(%arg7 : memref<80x125xi32, #tpu.memory_space<vmem>>)
      tpu.yield
    }) : () -> ()
    %scan3A_49 = arith.constant 0 : i32
    %scan3A_50 = arith.constant 0 : i32
    %scan3A_51 = arith.constant 80 : i32
    %scan3A_52 = arith.addi %scan3A_50, %scan3A_51 : i32
    %scan3A_53 = arith.constant 1 : i32
    scf.for %scan3A_60 = %scan3A_50 to %scan3A_52 step %scan3A_53  : i32 {
      %dma_start3A = arith.constant 0 : i32
      %dma_start3A_61 = tpu.memref_slice %arg6[%scan3A_60, %dma_start3A] : memref<80x125xi32, #tpu.memory_space<vmem>> -> memref<1x125xi32, #tpu.memory_space<vmem>>
      %dma_start3A_62 = tpu.memref_squeeze %dma_start3A_61 : memref<1x125xi32, #tpu.memory_space<vmem>> -> memref<125xi32, #tpu.memory_space<vmem>>
      %dma_start3A_63 = arith.constant 0 : i32
      %dma_start3A_64 = arith.constant 0 : i32
      %dma_start3A_65 = tpu.memref_slice %arg2[%dma_start3A_63, %dma_start3A_64] : memref<10240x128xf32, #tpu.memory_space<hbm>> -> memref<10240x128xf32, #tpu.memory_space<hbm>>
      tpu.enqueue_indirect_dma source(%dma_start3A_65 : memref<10240x128xf32, #tpu.memory_space<hbm>>) target(%arg8 : memref<125x128xf32, #tpu.memory_space<vmem>>) offsets(%dma_start3A_62 : memref<125xi32, #tpu.memory_space<vmem>>) semaphore(%arg11 : memref<!tpu.dma_semaphore, #tpu.memory_space<semaphore_mem>>)
      %dma_wait3A = arith.constant 0 : i32
      %dma_wait3A_66 = tpu.memref_slice %arg6[%scan3A_60, %dma_wait3A] : memref<80x125xi32, #tpu.memory_space<vmem>> -> memref<1x125xi32, #tpu.memory_space<vmem>>
      %dma_wait3A_67 = tpu.memref_squeeze %dma_wait3A_66 : memref<1x125xi32, #tpu.memory_space<vmem>> -> memref<125xi32, #tpu.memory_space<vmem>>
      %dma_wait3A_68 = arith.constant 0 : i32
      %dma_wait3A_69 = arith.constant 0 : i32
      %dma_wait3A_70 = tpu.memref_slice %arg2[%dma_wait3A_68, %dma_wait3A_69] : memref<10240x128xf32, #tpu.memory_space<hbm>> -> memref<10240x128xf32, #tpu.memory_space<hbm>>
      tpu.wait_indirect_dma semaphore(%arg11 : memref<!tpu.dma_semaphore, #tpu.memory_space<semaphore_mem>>) src(%dma_wait3A_70 : memref<10240x128xf32, #tpu.memory_space<hbm>>) dst(%arg8 : memref<125x128xf32, #tpu.memory_space<vmem>>)
      "tpu.region"() ({
        %run_scoped3A = tpu.sem_alloc : memref<!tpu.dma_semaphore, #tpu.memory_space<semaphore_mem>>
        %dma_start3A_71 = arith.constant 0 : i32
        %dma_start3A_72 = tpu.memref_slice %arg7[%scan3A_60, %dma_start3A_71] : memref<80x125xi32, #tpu.memory_space<vmem>> -> memref<1x125xi32, #tpu.memory_space<vmem>>
        %dma_start3A_73 = tpu.memref_squeeze %dma_start3A_72 : memref<1x125xi32, #tpu.memory_space<vmem>> -> memref<125xi32, #tpu.memory_space<vmem>>
        %dma_start3A_74 = arith.constant 0 : i32
        %dma_start3A_75 = arith.constant 0 : i32
        %dma_start3A_76 = tpu.memref_slice %arg10[%dma_start3A_74, %dma_start3A_75] : memref<10240x128xf32, #tpu.memory_space<vmem_shared>> -> memref<10240x128xf32, #tpu.memory_space<vmem_shared>>
        tpu.enqueue_indirect_dma source(%arg8 : memref<125x128xf32, #tpu.memory_space<vmem>>) target(%dma_start3A_76 : memref<10240x128xf32, #tpu.memory_space<vmem_shared>>) offsets(%dma_start3A_73 : memref<125xi32, #tpu.memory_space<vmem>>) semaphore(%run_scoped3A : memref<!tpu.dma_semaphore, #tpu.memory_space<semaphore_mem>>) {add = true}
        %dma_wait3A_77 = arith.constant 0 : i32
        %dma_wait3A_78 = tpu.memref_slice %arg7[%scan3A_60, %dma_wait3A_77] : memref<80x125xi32, #tpu.memory_space<vmem>> -> memref<1x125xi32, #tpu.memory_space<vmem>>
        %dma_wait3A_79 = tpu.memref_squeeze %dma_wait3A_78 : memref<1x125xi32, #tpu.memory_space<vmem>> -> memref<125xi32, #tpu.memory_space<vmem>>
        %dma_wait3A_80 = arith.constant 0 : i32
        %dma_wait3A_81 = arith.constant 0 : i32
        %dma_wait3A_82 = tpu.memref_slice %arg10[%dma_wait3A_80, %dma_wait3A_81] : memref<10240x128xf32, #tpu.memory_space<vmem_shared>> -> memref<10240x128xf32, #tpu.memory_space<vmem_shared>>
        tpu.wait_indirect_dma semaphore(%run_scoped3A : memref<!tpu.dma_semaphore, #tpu.memory_space<semaphore_mem>>) src(%arg8 : memref<125x128xf32, #tpu.memory_space<vmem>>) dst(%dma_wait3A_82 : memref<10240x128xf32, #tpu.memory_space<vmem_shared>>)
        tpu.yield
      }) : () -> ()
    }
    %scan3A_54 = arith.constant 80 : i32
    %barrier3A_55 = arith.constant 0 : index
    tpu.barrier barrier_id(%barrier3A_55)
    %mul3A_56 = arith.constant 640 : i32
    %mul3A_57 = arith.muli %arg1, %mul3A_56 : i32
    %mul3A_58 = arith.constant 640 : i32
    %mul3A_59 = arith.muli %arg1, %mul3A_58 : i32
    "tpu.region"() ({
      %run_scoped3A = tpu.sem_alloc : memref<!tpu.dma_semaphore, #tpu.memory_space<semaphore_mem>>
      %dma_start3A = arith.constant 0 : i32
      %dma_start3A_60 = tpu.memref_slice %arg5[%arg0, %mul3A_59, %dma_start3A] : memref<2x10240x128xf32, #tpu.memory_space<hbm>> -> memref<1x640x128xf32, #tpu.memory_space<hbm>>
      %dma_start3A_61 = tpu.memref_squeeze %dma_start3A_60 : memref<1x640x128xf32, #tpu.memory_space<hbm>> -> memref<640x128xf32, #tpu.memory_space<hbm>>
      %dma_start3A_62 = arith.constant 0 : i32
      %dma_start3A_63 = tpu.memref_slice %arg10[%mul3A_57, %dma_start3A_62] : memref<10240x128xf32, #tpu.memory_space<vmem_shared>> -> memref<640x128xf32, #tpu.memory_space<vmem_shared>>
      tpu.enqueue_dma source(%dma_start3A_63 : memref<640x128xf32, #tpu.memory_space<vmem_shared>>) target(%dma_start3A_61 : memref<640x128xf32, #tpu.memory_space<hbm>>) target_semaphore(%run_scoped3A : memref<!tpu.dma_semaphore, #tpu.memory_space<semaphore_mem>>)
      %dma_wait3A = arith.constant 0 : i32
      %dma_wait3A_64 = tpu.memref_slice %arg5[%arg0, %mul3A_59, %dma_wait3A] : memref<2x10240x128xf32, #tpu.memory_space<hbm>> -> memref<1x640x128xf32, #tpu.memory_space<hbm>>
      %dma_wait3A_65 = tpu.memref_squeeze %dma_wait3A_64 : memref<1x640x128xf32, #tpu.memory_space<hbm>> -> memref<640x128xf32, #tpu.memory_space<hbm>>
      %dma_wait3A_66 = arith.constant 0 : i32
      %dma_wait3A_67 = tpu.memref_slice %arg10[%mul3A_57, %dma_wait3A_66] : memref<10240x128xf32, #tpu.memory_space<vmem_shared>> -> memref<640x128xf32, #tpu.memory_space<vmem_shared>>
      tpu.wait_dma2 semaphore(%run_scoped3A : memref<!tpu.dma_semaphore, #tpu.memory_space<semaphore_mem>>) src(%dma_wait3A_67 : memref<640x128xf32, #tpu.memory_space<vmem_shared>>) dst(%dma_wait3A_65 : memref<640x128xf32, #tpu.memory_space<hbm>>)
      tpu.yield
    }) : () -> ()
    return
  }
}

module attributes {stable_mosaic.version = 14 : i64} {
  func.func @_prep_body(%arg0: i32, %arg1: memref<1024x128xf32, #tpu.memory_space<vmem>>, %arg2: memref<1024x16xf32, #tpu.memory_space<vmem>>, %arg3: memref<1024x16xf32, #tpu.memory_space<vmem>>, %arg4: memref<1024x128xf32, #tpu.memory_space<vmem>>, %arg5: memref<1024x128xf32, #tpu.memory_space<vmem>>, %arg6: memref<1024x128xf32, #tpu.memory_space<vmem>>) attributes {dimension_semantics = [#tpu.dimension_semantics<arbitrary>], iteration_bounds = array<i64: 10>, scalar_prefetch = 0 : i64, scratch_operands = 0 : i64, tpu.core_type = #tpu.core_type<tc>, window_params = [{transform_indices = @transform_0, window_bounds = array<i64: 1024, 128>}, {transform_indices = @transform_1, window_bounds = array<i64: 1024, 16>}, {transform_indices = @transform_2, window_bounds = array<i64: 1024, 16>}, {transform_indices = @transform_3, window_bounds = array<i64: 1024, 128>}, {transform_indices = @transform_4, window_bounds = array<i64: 1024, 128>}, {transform_indices = @transform_5, window_bounds = array<i64: 1024, 128>}]} {
    %get3A = arith.constant 0 : index
    %get3A_0 = arith.constant 0 : index
    %get3A_1 = vector.load %arg2[%get3A, %get3A_0] : memref<1024x16xf32, #tpu.memory_space<vmem>>, vector<1024x1xf32>
    %max3A = arith.constant 1.000000e+00 : f32
    %max3A_2 = vector.broadcast %max3A : f32 to vector<1024x1xf32>
    %max3A_3 = arith.maximumf %get3A_1, %max3A_2 : vector<1024x1xf32>
    %rsqrt3A = math.rsqrt %max3A_3 : vector<1024x1xf32>
    %get3A_4 = arith.constant 0 : index
    %get3A_5 = arith.constant 0 : index
    %get3A_6 = vector.load %arg3[%get3A_4, %get3A_5] : memref<1024x16xf32, #tpu.memory_space<vmem>>, vector<1024x1xf32>
    %max3A_7 = arith.constant 1.000000e+00 : f32
    %max3A_8 = vector.broadcast %max3A_7 : f32 to vector<1024x1xf32>
    %max3A_9 = arith.maximumf %get3A_6, %max3A_8 : vector<1024x1xf32>
    %rsqrt3A_10 = math.rsqrt %max3A_9 : vector<1024x1xf32>
    %get3A_11 = arith.constant 0 : index
    %get3A_12 = arith.constant 0 : index
    %get3A_13 = vector.load %arg1[%get3A_11, %get3A_12] : memref<1024x128xf32, #tpu.memory_space<vmem>>, vector<1024x128xf32>
    %mul3A = vector.broadcast %rsqrt3A : vector<1024x1xf32> to vector<1024x128xf32>
    %mul3A_14 = arith.mulf %get3A_13, %mul3A : vector<1024x128xf32>
    %swap3A = arith.constant 0 : index
    %swap3A_15 = arith.constant 0 : index
    %swap3A_16 = vector.load %arg4[%swap3A, %swap3A_15] : memref<1024x128xf32, #tpu.memory_space<vmem>>, vector<1024x128xf32>
    tpu.vector_store %arg4[%swap3A, %swap3A_15], %mul3A_14 {strides = array<i32>} : memref<1024x128xf32, #tpu.memory_space<vmem>>, vector<1024x128xf32>,
    %broadcast_in_dim3A = vector.shape_cast %rsqrt3A : vector<1024x1xf32> to vector<1024x1xf32>
    %broadcast_in_dim3A_17 = vector.broadcast %broadcast_in_dim3A : vector<1024x1xf32> to vector<1024x128xf32>
    %swap3A_18 = arith.constant 0 : index
    %swap3A_19 = arith.constant 0 : index
    %swap3A_20 = vector.load %arg5[%swap3A_18, %swap3A_19] : memref<1024x128xf32, #tpu.memory_space<vmem>>, vector<1024x128xf32>
    tpu.vector_store %arg5[%swap3A_18, %swap3A_19], %broadcast_in_dim3A_17 {strides = array<i32>} : memref<1024x128xf32, #tpu.memory_space<vmem>>, vector<1024x128xf32>,
    %broadcast_in_dim3A_21 = vector.shape_cast %rsqrt3A_10 : vector<1024x1xf32> to vector<1024x1xf32>
    %broadcast_in_dim3A_22 = vector.broadcast %broadcast_in_dim3A_21 : vector<1024x1xf32> to vector<1024x128xf32>
    %swap3A_23 = arith.constant 0 : index
    %swap3A_24 = arith.constant 0 : index
    %swap3A_25 = vector.load %arg6[%swap3A_23, %swap3A_24] : memref<1024x128xf32, #tpu.memory_space<vmem>>, vector<1024x128xf32>
    tpu.vector_store %arg6[%swap3A_23, %swap3A_24], %broadcast_in_dim3A_22 {strides = array<i32>} : memref<1024x128xf32, #tpu.memory_space<vmem>>, vector<1024x128xf32>,
    return
  }
  func.func @transform_0(%arg0: i32) -> (i32, i32) {
    %c0_i32 = arith.constant 0 : i32
    %c0_i32_0 = arith.constant 0 : i32
    return %arg0, %c0_i32 : i32, i32
  }
  func.func @transform_1(%arg0: i32) -> (i32, i32) {
    %c0_i32 = arith.constant 0 : i32
    %c0_i32_0 = arith.constant 0 : i32
    return %arg0, %c0_i32 : i32, i32
  }
  func.func @transform_2(%arg0: i32) -> (i32, i32) {
    %c0_i32 = arith.constant 0 : i32
    %c0_i32_0 = arith.constant 0 : i32
    return %arg0, %c0_i32 : i32, i32
  }
  func.func @transform_3(%arg0: i32) -> (i32, i32) {
    %c0_i32 = arith.constant 0 : i32
    %c0_i32_0 = arith.constant 0 : i32
    return %arg0, %c0_i32 : i32, i32
  }
  func.func @transform_4(%arg0: i32) -> (i32, i32) {
    %c0_i32 = arith.constant 0 : i32
    %c0_i32_0 = arith.constant 0 : i32
    return %arg0, %c0_i32 : i32, i32
  }
  func.func @transform_5(%arg0: i32) -> (i32, i32) {
    %c0_i32 = arith.constant 0 : i32
    %c0_i32_0 = arith.constant 0 : i32
    return %arg0, %c0_i32 : i32, i32
  }
}

module attributes {stable_mosaic.version = 14 : i64} {
  func.func @_l1_body(%arg0: i32, %arg1: memref<1024x128xf32, #tpu.memory_space<vmem>>, %arg2: memref<1024x128xf32, #tpu.memory_space<vmem>>, %arg3: memref<1024x128xf32, #tpu.memory_space<vmem>>, %arg4: memref<1024x128xf32, #tpu.memory_space<vmem>>, %arg5: memref<128x256xf32, #tpu.memory_space<vmem>>, %arg6: memref<1x256xf32, #tpu.memory_space<vmem>>, %arg7: memref<1024x128xf32, #tpu.memory_space<vmem>>, %arg8: memref<1024x128xf32, #tpu.memory_space<vmem>>) attributes {dimension_semantics = [#tpu.dimension_semantics<arbitrary>], iteration_bounds = array<i64: 10>, scalar_prefetch = 0 : i64, scratch_operands = 0 : i64, tpu.core_type = #tpu.core_type<tc>, window_params = [{transform_indices = @transform_0, window_bounds = array<i64: 1024, 128>}, {transform_indices = @transform_1, window_bounds = array<i64: 1024, 128>}, {transform_indices = @transform_2, window_bounds = array<i64: 1024, 128>}, {transform_indices = @transform_3, window_bounds = array<i64: 1024, 128>}, {pipeline_mode = #tpu.pipeline_mode<synchronous>, transform_indices = @transform_4, window_bounds = array<i64: 128, 256>}, {pipeline_mode = #tpu.pipeline_mode<synchronous>, transform_indices = @transform_5, window_bounds = array<i64: 1, 256>}, {transform_indices = @transform_6, window_bounds = array<i64: 1024, 128>}, {transform_indices = @transform_7, window_bounds = array<i64: 1024, 128>}]} {
    %get3A = arith.constant 0 : index
    %get3A_0 = arith.constant 0 : index
    %get3A_1 = vector.load %arg1[%get3A, %get3A_0] : memref<1024x128xf32, #tpu.memory_space<vmem>>, vector<1024x128xf32>
    %get3A_2 = arith.constant 0 : index
    %get3A_3 = arith.constant 0 : index
    %get3A_4 = vector.load %arg2[%get3A_2, %get3A_3] : memref<1024x128xf32, #tpu.memory_space<vmem>>, vector<1024x128xf32>
    %add3A = arith.addf %get3A_1, %get3A_4 : vector<1024x128xf32>
    %get3A_5 = arith.constant 0 : index
    %get3A_6 = arith.constant 0 : index
    %get3A_7 = vector.load %arg3[%get3A_5, %get3A_6] : memref<1024x128xf32, #tpu.memory_space<vmem>>, vector<1024x128xf32>
    %mul3A = arith.mulf %add3A, %get3A_7 : vector<1024x128xf32>
    %get3A_8 = arith.constant 0 : index
    %get3A_9 = arith.constant 0 : index
    %get3A_10 = vector.load %arg5[%get3A_8, %get3A_9] : memref<128x256xf32, #tpu.memory_space<vmem>>, vector<128x256xf32>
    %dot_general3A = arith.constant dense<0.000000e+00> : vector<1024x256xf32>
    %dot_general3A_11 = tpu.matmul %mul3A, %get3A_10, %dot_general3A {dimension_numbers = #tpu.dot_dimension_numbers<[1], [0], [0], [1], [0, 0, 1, 1], [], []>, precision = #tpu.contract_precision<fp32>, transpose_lhs_hint = false} : vector<1024x128xf32>, vector<128x256xf32>, vector<1024x256xf32> -> vector<1024x256xf32>
    %get3A_12 = arith.constant 0 : index
    %get3A_13 = arith.constant 0 : index
    %get3A_14 = vector.load %arg6[%get3A_12, %get3A_13] : memref<1x256xf32, #tpu.memory_space<vmem>>, vector<1x256xf32>
    %add3A_15 = vector.broadcast %get3A_14 : vector<1x256xf32> to vector<1024x256xf32>
    %add3A_16 = arith.addf %dot_general3A_11, %add3A_15 : vector<1024x256xf32>
    %max3A = arith.constant 0.000000e+00 : f32
    %max3A_17 = vector.broadcast %max3A : f32 to vector<1024x256xf32>
    %max3A_18 = arith.maximumf %add3A_16, %max3A_17 : vector<1024x256xf32>
    %get3A_19 = arith.constant 0 : index
    %get3A_20 = arith.constant 0 : index
    %get3A_21 = vector.load %arg4[%get3A_19, %get3A_20] : memref<1024x128xf32, #tpu.memory_space<vmem>>, vector<1024x1xf32>
    %mul3A_22 = vector.broadcast %get3A_21 : vector<1024x1xf32> to vector<1024x256xf32>
    %mul3A_23 = arith.mulf %max3A_18, %mul3A_22 : vector<1024x256xf32>
    %slice3A = vector.extract_strided_slice %mul3A_23 {offsets = [0, 0], sizes = [1024, 128], strides = [1, 1]} : vector<1024x256xf32> to vector<1024x128xf32>
    %swap3A = arith.constant 0 : index
    %swap3A_24 = arith.constant 0 : index
    %swap3A_25 = vector.load %arg7[%swap3A, %swap3A_24] : memref<1024x128xf32, #tpu.memory_space<vmem>>, vector<1024x128xf32>
    tpu.vector_store %arg7[%swap3A, %swap3A_24], %slice3A {strides = array<i32>} : memref<1024x128xf32, #tpu.memory_space<vmem>>, vector<1024x128xf32>,
    %slice3A_26 = vector.extract_strided_slice %mul3A_23 {offsets = [0, 128], sizes = [1024, 128], strides = [1, 1]} : vector<1024x256xf32> to vector<1024x128xf32>
    %swap3A_27 = arith.constant 0 : index
    %swap3A_28 = arith.constant 0 : index
    %swap3A_29 = vector.load %arg8[%swap3A_27, %swap3A_28] : memref<1024x128xf32, #tpu.memory_space<vmem>>, vector<1024x128xf32>
    tpu.vector_store %arg8[%swap3A_27, %swap3A_28], %slice3A_26 {strides = array<i32>} : memref<1024x128xf32, #tpu.memory_space<vmem>>, vector<1024x128xf32>,
    return
  }
  func.func @transform_0(%arg0: i32) -> (i32, i32) {
    %c0_i32 = arith.constant 0 : i32
    %c0_i32_0 = arith.constant 0 : i32
    return %arg0, %c0_i32 : i32, i32
  }
  func.func @transform_1(%arg0: i32) -> (i32, i32) {
    %c0_i32 = arith.constant 0 : i32
    %c0_i32_0 = arith.constant 0 : i32
    return %arg0, %c0_i32 : i32, i32
  }
  func.func @transform_2(%arg0: i32) -> (i32, i32) {
    %c0_i32 = arith.constant 0 : i32
    %c0_i32_0 = arith.constant 0 : i32
    return %arg0, %c0_i32 : i32, i32
  }
  func.func @transform_3(%arg0: i32) -> (i32, i32) {
    %c0_i32 = arith.constant 0 : i32
    %c0_i32_0 = arith.constant 0 : i32
    return %arg0, %c0_i32 : i32, i32
  }
  func.func @transform_4(%arg0: i32) -> (i32, i32) {
    %c0_i32 = arith.constant 0 : i32
    %c0_i32_0 = arith.constant 0 : i32
    %c0_i32_1 = arith.constant 0 : i32
    return %c0_i32, %c0_i32_0 : i32, i32
  }
  func.func @transform_5(%arg0: i32) -> (i32, i32) {
    %c0_i32 = arith.constant 0 : i32
    %c0_i32_0 = arith.constant 0 : i32
    %c0_i32_1 = arith.constant 0 : i32
    return %c0_i32, %c0_i32_0 : i32, i32
  }
  func.func @transform_6(%arg0: i32) -> (i32, i32) {
    %c0_i32 = arith.constant 0 : i32
    %c0_i32_0 = arith.constant 0 : i32
    return %arg0, %c0_i32 : i32, i32
  }
  func.func @transform_7(%arg0: i32) -> (i32, i32) {
    %c0_i32 = arith.constant 0 : i32
    %c0_i32_0 = arith.constant 0 : i32
    return %arg0, %c0_i32 : i32, i32
  }
}

module attributes {stable_mosaic.version = 14 : i64} {
  func.func @_l2_body(%arg0: i32, %arg1: memref<1024x128xf32, #tpu.memory_space<vmem>>, %arg2: memref<1024x128xf32, #tpu.memory_space<vmem>>, %arg3: memref<1024x128xf32, #tpu.memory_space<vmem>>, %arg4: memref<128x256xf32, #tpu.memory_space<vmem>>, %arg5: memref<128x256xf32, #tpu.memory_space<vmem>>, %arg6: memref<1x256xf32, #tpu.memory_space<vmem>>, %arg7: memref<256x256xf32, #tpu.memory_space<vmem>>, %arg8: memref<1x256xf32, #tpu.memory_space<vmem>>, %arg9: memref<256x1xf32, #tpu.memory_space<vmem>>, %arg10: memref<1x1xf32, #tpu.memory_space<vmem>>, %arg11: memref<1x1xf32, #tpu.memory_space<vmem>>, %arg12: memref<1x256xf32, #tpu.memory_space<vmem>>) attributes {dimension_semantics = [#tpu.dimension_semantics<arbitrary>], iteration_bounds = array<i64: 10>, scalar_prefetch = 0 : i64, scratch_operands = 1 : i64, tpu.core_type = #tpu.core_type<tc>, window_params = [{transform_indices = @transform_0, window_bounds = array<i64: 1024, 128>}, {transform_indices = @transform_1, window_bounds = array<i64: 1024, 128>}, {transform_indices = @transform_2, window_bounds = array<i64: 1024, 128>}, {pipeline_mode = #tpu.pipeline_mode<synchronous>, transform_indices = @transform_3, window_bounds = array<i64: 128, 256>}, {pipeline_mode = #tpu.pipeline_mode<synchronous>, transform_indices = @transform_4, window_bounds = array<i64: 128, 256>}, {pipeline_mode = #tpu.pipeline_mode<synchronous>, transform_indices = @transform_5, window_bounds = array<i64: 1, 256>}, {pipeline_mode = #tpu.pipeline_mode<synchronous>, transform_indices = @transform_6, window_bounds = array<i64: 256, 256>}, {pipeline_mode = #tpu.pipeline_mode<synchronous>, transform_indices = @transform_7, window_bounds = array<i64: 1, 256>}, {pipeline_mode = #tpu.pipeline_mode<synchronous>, transform_indices = @transform_8, window_bounds = array<i64: 256, 1>}, {pipeline_mode = #tpu.pipeline_mode<synchronous>, transform_indices = @transform_9, window_bounds = array<i64: 1, 1>}, {pipeline_mode = #tpu.pipeline_mode<synchronous>, transform_indices = @transform_10, window_bounds = array<i64: 1, 1>}]} {
    %eq3A = arith.constant 0 : i32
    %eq3A_0 = arith.cmpi eq, %arg0, %eq3A : i32
    %convert_element_type3A = arith.extui %eq3A_0 : i1 to i32
    %cond3A = arith.constant 0 : i32
    %cond3A_1 = arith.cmpi ne, %convert_element_type3A, %cond3A : i32
    scf.if %cond3A_1 {
      %broadcast_in_dim3A_51 = arith.constant 0.000000e+00 : f32
      %broadcast_in_dim3A_52 = vector.broadcast %broadcast_in_dim3A_51 : f32 to vector<1x256xf32>
      %swap3A_53 = arith.constant 0 : index
      %swap3A_54 = arith.constant 0 : index
      %swap3A_55 = vector.load %arg12[%swap3A_53, %swap3A_54] : memref<1x256xf32, #tpu.memory_space<vmem>>, vector<1x256xf32>
      tpu.vector_store %arg12[%swap3A_53, %swap3A_54], %broadcast_in_dim3A_52 {strides = array<i32>} : memref<1x256xf32, #tpu.memory_space<vmem>>, vector<1x256xf32>,
    } else {
    }
    %get3A = arith.constant 0 : index
    %get3A_2 = arith.constant 0 : index
    %get3A_3 = vector.load %arg1[%get3A, %get3A_2] : memref<1024x128xf32, #tpu.memory_space<vmem>>, vector<1024x128xf32>
    %get3A_4 = arith.constant 0 : index
    %get3A_5 = arith.constant 0 : index
    %get3A_6 = vector.load %arg3[%get3A_4, %get3A_5] : memref<1024x128xf32, #tpu.memory_space<vmem>>, vector<1024x128xf32>
    %mul3A = arith.mulf %get3A_3, %get3A_6 : vector<1024x128xf32>
    %get3A_7 = arith.constant 0 : index
    %get3A_8 = arith.constant 0 : index
    %get3A_9 = vector.load %arg2[%get3A_7, %get3A_8] : memref<1024x128xf32, #tpu.memory_space<vmem>>, vector<1024x128xf32>
    %get3A_10 = arith.constant 0 : index
    %get3A_11 = arith.constant 0 : index
    %get3A_12 = vector.load %arg3[%get3A_10, %get3A_11] : memref<1024x128xf32, #tpu.memory_space<vmem>>, vector<1024x128xf32>
    %mul3A_13 = arith.mulf %get3A_9, %get3A_12 : vector<1024x128xf32>
    %get3A_14 = arith.constant 0 : index
    %get3A_15 = arith.constant 0 : index
    %get3A_16 = vector.load %arg4[%get3A_14, %get3A_15] : memref<128x256xf32, #tpu.memory_space<vmem>>, vector<128x256xf32>
    %dot_general3A = arith.constant dense<0.000000e+00> : vector<1024x256xf32>
    %dot_general3A_17 = tpu.matmul %mul3A, %get3A_16, %dot_general3A {dimension_numbers = #tpu.dot_dimension_numbers<[1], [0], [0], [1], [0, 0, 1, 1], [], []>, precision = #tpu.contract_precision<fp32>, transpose_lhs_hint = false} : vector<1024x128xf32>, vector<128x256xf32>, vector<1024x256xf32> -> vector<1024x256xf32>
    %get3A_18 = arith.constant 0 : index
    %get3A_19 = arith.constant 0 : index
    %get3A_20 = vector.load %arg5[%get3A_18, %get3A_19] : memref<128x256xf32, #tpu.memory_space<vmem>>, vector<128x256xf32>
    %dot_general3A_21 = arith.constant dense<0.000000e+00> : vector<1024x256xf32>
    %dot_general3A_22 = tpu.matmul %mul3A_13, %get3A_20, %dot_general3A_21 {dimension_numbers = #tpu.dot_dimension_numbers<[1], [0], [0], [1], [0, 0, 1, 1], [], []>, precision = #tpu.contract_precision<fp32>, transpose_lhs_hint = false} : vector<1024x128xf32>, vector<128x256xf32>, vector<1024x256xf32> -> vector<1024x256xf32>
    %add3A = arith.addf %dot_general3A_17, %dot_general3A_22 : vector<1024x256xf32>
    %get3A_23 = arith.constant 0 : index
    %get3A_24 = arith.constant 0 : index
    %get3A_25 = vector.load %arg6[%get3A_23, %get3A_24] : memref<1x256xf32, #tpu.memory_space<vmem>>, vector<1x256xf32>
    %add3A_26 = vector.broadcast %get3A_25 : vector<1x256xf32> to vector<1024x256xf32>
    %add3A_27 = arith.addf %add3A, %add3A_26 : vector<1024x256xf32>
    %max3A = arith.constant 0.000000e+00 : f32
    %max3A_28 = vector.broadcast %max3A : f32 to vector<1024x256xf32>
    %max3A_29 = arith.maximumf %add3A_27, %max3A_28 : vector<1024x256xf32>
    %mul3A_30 = arith.constant 1024 : i32
    %mul3A_31 = arith.muli %arg0, %mul3A_30 : i32
    %iota3A = tpu.iota {dimensions = array<i32: 0>} : vector<1024x1xi32>
    %add3A_32 = vector.broadcast %mul3A_31 : i32 to vector<1024x1xi32>
    %add3A_33 = arith.addi %add3A_32, %iota3A : vector<1024x1xi32>
    %lt3A = arith.constant 10000 : i32
    %lt3A_34 = vector.broadcast %lt3A : i32 to vector<1024x1xi32>
    %lt3A_35 = arith.cmpi slt, %add3A_33, %lt3A_34 : vector<1024x1xi32>
    %jit3A = arith.constant 0.000000e+00 : f32
    %broadcast_in_dim3A = vector.shape_cast %lt3A_35 : vector<1024x1xi1> to vector<1024x1xi1>
    %broadcast_in_dim3A_36 = vector.broadcast %broadcast_in_dim3A : vector<1024x1xi1> to vector<1024x256xi1>
    %broadcast_in_dim3A_37 = vector.broadcast %jit3A : f32 to vector<1024x256xf32>
    %select_n3A = arith.select %broadcast_in_dim3A_36, %max3A_29, %broadcast_in_dim3A_37 : vector<1024x256xi1>, vector<1024x256xf32>
    %get3A_38 = arith.constant 0 : index
    %get3A_39 = arith.constant 0 : index
    %get3A_40 = vector.load %arg12[%get3A_38, %get3A_39] : memref<1x256xf32, #tpu.memory_space<vmem>>, vector<1x256xf32>
    %reduce_sum3A = arith.constant dense<0.000000e+00> : vector<256xf32>
    %reduce_sum3A_41 = vector.multi_reduction <add>, %select_n3A, %reduce_sum3A [0] : vector<1024x256xf32> to vector<256xf32>
    %broadcast_in_dim3A_42 = vector.shape_cast %reduce_sum3A_41 : vector<256xf32> to vector<1x256xf32>
    %add3A_43 = arith.addf %get3A_40, %broadcast_in_dim3A_42 : vector<1x256xf32>
    %swap3A = arith.constant 0 : index
    %swap3A_44 = arith.constant 0 : index
    %swap3A_45 = vector.load %arg12[%swap3A, %swap3A_44] : memref<1x256xf32, #tpu.memory_space<vmem>>, vector<1x256xf32>
    tpu.vector_store %arg12[%swap3A, %swap3A_44], %add3A_43 {strides = array<i32>} : memref<1x256xf32, #tpu.memory_space<vmem>>, vector<1x256xf32>,
    %eq3A_46 = arith.constant 9 : i32
    %eq3A_47 = arith.cmpi eq, %arg0, %eq3A_46 : i32
    %convert_element_type3A_48 = arith.extui %eq3A_47 : i1 to i32
    %cond3A_49 = arith.constant 0 : i32
    %cond3A_50 = arith.cmpi ne, %convert_element_type3A_48, %cond3A_49 : i32
    scf.if %cond3A_50 {
      %get3A_51 = arith.constant 0 : index
      %get3A_52 = arith.constant 0 : index
      %get3A_53 = vector.load %arg12[%get3A_51, %get3A_52] : memref<1x256xf32, #tpu.memory_space<vmem>>, vector<1x256xf32>
      %mul3A_54 = arith.constant 9.99999974E-5 : f32
      %mul3A_55 = vector.broadcast %mul3A_54 : f32 to vector<1x256xf32>
      %mul3A_56 = arith.mulf %get3A_53, %mul3A_55 : vector<1x256xf32>
      %get3A_57 = arith.constant 0 : index
      %get3A_58 = arith.constant 0 : index
      %get3A_59 = vector.load %arg7[%get3A_57, %get3A_58] : memref<256x256xf32, #tpu.memory_space<vmem>>, vector<256x256xf32>
      %dot_general3A_60 = arith.constant dense<0.000000e+00> : vector<1x256xf32>
      %dot_general3A_61 = tpu.matmul %mul3A_56, %get3A_59, %dot_general3A_60 {dimension_numbers = #tpu.dot_dimension_numbers<[1], [0], [0], [1], [0, 0, 1, 1], [], []>, precision = #tpu.contract_precision<fp32>, transpose_lhs_hint = false} : vector<1x256xf32>, vector<256x256xf32>, vector<1x256xf32> -> vector<1x256xf32>
      %get3A_62 = arith.constant 0 : index
      %get3A_63 = arith.constant 0 : index
      %get3A_64 = vector.load %arg8[%get3A_62, %get3A_63] : memref<1x256xf32, #tpu.memory_space<vmem>>, vector<1x256xf32>
      %add3A_65 = arith.addf %dot_general3A_61, %get3A_64 : vector<1x256xf32>
      %max3A_66 = arith.constant 0.000000e+00 : f32
      %max3A_67 = vector.broadcast %max3A_66 : f32 to vector<1x256xf32>
      %max3A_68 = arith.maximumf %add3A_65, %max3A_67 : vector<1x256xf32>
      %get3A_69 = arith.constant 0 : index
      %get3A_70 = arith.constant 0 : index
      %get3A_71 = vector.load %arg9[%get3A_69, %get3A_70] : memref<256x1xf32, #tpu.memory_space<vmem>>, vector<256x1xf32>
      %dot_general3A_72 = arith.constant dense<0.000000e+00> : vector<1x1xf32>
      %dot_general3A_73 = tpu.matmul %max3A_68, %get3A_71, %dot_general3A_72 {dimension_numbers = #tpu.dot_dimension_numbers<[1], [0], [0], [1], [0, 0, 1, 1], [], []>, precision = #tpu.contract_precision<fp32>, transpose_lhs_hint = false} : vector<1x256xf32>, vector<256x1xf32>, vector<1x1xf32> -> vector<1x1xf32>
      %get3A_74 = arith.constant 0 : index
      %get3A_75 = arith.constant 0 : index
      %get3A_76 = vector.load %arg10[%get3A_74, %get3A_75] : memref<1x1xf32, #tpu.memory_space<vmem>>, vector<1x1xf32>
      %add3A_77 = arith.addf %dot_general3A_73, %get3A_76 : vector<1x1xf32>
      %swap3A_78 = arith.constant 0 : index
      %swap3A_79 = arith.constant 0 : index
      %swap3A_80 = vector.load %arg11[%swap3A_78, %swap3A_79] : memref<1x1xf32, #tpu.memory_space<vmem>>, vector<1x1xf32>
      tpu.vector_store %arg11[%swap3A_78, %swap3A_79], %add3A_77 {strides = array<i32>} : memref<1x1xf32, #tpu.memory_space<vmem>>, vector<1x1xf32>,
    } else {
    }
    return
  }
  func.func @transform_0(%arg0: i32) -> (i32, i32) {
    %c0_i32 = arith.constant 0 : i32
    %c0_i32_0 = arith.constant 0 : i32
    return %arg0, %c0_i32 : i32, i32
  }
  func.func @transform_1(%arg0: i32) -> (i32, i32) {
    %c0_i32 = arith.constant 0 : i32
    %c0_i32_0 = arith.constant 0 : i32
    return %arg0, %c0_i32 : i32, i32
  }
  func.func @transform_2(%arg0: i32) -> (i32, i32) {
    %c0_i32 = arith.constant 0 : i32
    %c0_i32_0 = arith.constant 0 : i32
    return %arg0, %c0_i32 : i32, i32
  }
  func.func @transform_3(%arg0: i32) -> (i32, i32) {
    %c0_i32 = arith.constant 0 : i32
    %c0_i32_0 = arith.constant 0 : i32
    %c0_i32_1 = arith.constant 0 : i32
    return %c0_i32, %c0_i32_0 : i32, i32
  }
  func.func @transform_4(%arg0: i32) -> (i32, i32) {
    %c0_i32 = arith.constant 0 : i32
    %c0_i32_0 = arith.constant 0 : i32
    %c0_i32_1 = arith.constant 0 : i32
    return %c0_i32, %c0_i32_0 : i32, i32
  }
  func.func @transform_5(%arg0: i32) -> (i32, i32) {
    %c0_i32 = arith.constant 0 : i32
    %c0_i32_0 = arith.constant 0 : i32
    %c0_i32_1 = arith.constant 0 : i32
    return %c0_i32, %c0_i32_0 : i32, i32
  }
  func.func @transform_6(%arg0: i32) -> (i32, i32) {
    %c0_i32 = arith.constant 0 : i32
    %c0_i32_0 = arith.constant 0 : i32
    %c0_i32_1 = arith.constant 0 : i32
    return %c0_i32, %c0_i32_0 : i32, i32
  }
  func.func @transform_7(%arg0: i32) -> (i32, i32) {
    %c0_i32 = arith.constant 0 : i32
    %c0_i32_0 = arith.constant 0 : i32
    %c0_i32_1 = arith.constant 0 : i32
    return %c0_i32, %c0_i32_0 : i32, i32
  }
  func.func @transform_8(%arg0: i32) -> (i32, i32) {
    %c0_i32 = arith.constant 0 : i32
    %c0_i32_0 = arith.constant 0 : i32
    %c0_i32_1 = arith.constant 0 : i32
    return %c0_i32, %c0_i32_0 : i32, i32
  }
  func.func @transform_9(%arg0: i32) -> (i32, i32) {
    %c0_i32 = arith.constant 0 : i32
    %c0_i32_0 = arith.constant 0 : i32
    %c0_i32_1 = arith.constant 0 : i32
    return %c0_i32, %c0_i32_0 : i32, i32
  }
  func.func @transform_10(%arg0: i32) -> (i32, i32) {
    %c0_i32 = arith.constant 0 : i32
    %c0_i32_0 = arith.constant 0 : i32
    %c0_i32_1 = arith.constant 0 : i32
    return %c0_i32, %c0_i32_0 : i32, i32
  }
}

</mosaic_0001>

<sc_bundles>
// kernel: kernel.11.cloned.1.call-start
scs
__scs_entry_jumppad:
0x0: {  	(pc) =	sbr.rel $0x88, $3  }
0x1: {  	(tag) =	ssettag $0x0;
	lr =	simm.s32 $0x1  }
0x2: {  	[smem:$0x3F97] =	sst lr;
	_ =	strace $0xD0000000  }
0x3: {  	_ = 	snop  }
0x4: {  	_ = 	snop  }
0x5: {  	_ = 	snop  }
0x6: {  	_ = 	snop  }
0x7: {  	_ = 	snop  }
__scs_overlays_trampoline_lowered:
0x8: {  	[smem:$0x3FA6] =	sst s0  }
0x9: {  	[smem:$0x3FA7] =	sst s1  }
0xa: {  	[smem:$0x3FA8] =	sst s2  }
0xb: {  	[smem:$0x3FA9] =	sst s3  }
0xc: {  	[smem:$0x3FAA] =	sst s4  }
0xd: {  	[smem:$0x3FAB] =	sst s5  }
0xe: {  	[smem:$0x3FAC] =	sst s6  }
0xf: {  	[smem:$0x3FAD] =	sst s7  }
0x10: {  	[smem:$0x3FAE] =	sst s8  }
0x11: {  	[smem:$0x3FAF] =	sst s9;
	s0 =	simm.s32 @!p0 $0x0  }
0x12: {  	s1 =	sld [smem:$0x3F95];
	s0 =	simm.s32 @p0 $0x1  }
0x13: {  	[smem:$0x3FB0] =	sst s0;
	s0 =	simm.s32 @!p1 $0x0  }
0x14: {  	s2 =	sld [smem:$0x3F94];
	s0 =	simm.s32 @p1 $0x1  }
0x15: {  	[smem:$0x3FB1] =	sst s0;
	s0 =	simm.s32 @!p2 $0x0  }
0x16: {  	s3 =	sld [smem:$0x3FDB];
	s0 =	simm.s32 @p2 $0x1  }
0x17: {  	s4 =	simm.s32 $0x1BF5;
	[smem:$0x3FB3] =	sst s0  }
0x18: {  	s0 =	sld [smem:$0x3F96];
	_ =	swait.ge [sflag:s4], $0x0  }
0x19: {  	s7 =	sld [smem:$0x3F97]  }
0x1a: {  	s8 =	sadd.s32 $0xFFFFE003, lr  }
0x1b: {  	s9 =	sadd.s32 $0xFFFFFEF7, lr;
	s5 =	simm.s32 $0xFFFFFFFF;
	p2 =	slt.u32 s8, $0xFFFFF086  }
0x1c: {  	p1 =	slt.u32 s9, $0xF7A;
	s5 =	simm.s32 @!p2 $0x0  }
0x1d: {  	s5 =	simm.s32 @p1 $0x1;
	p0 =	seq.s32 s7, s2  }
0x1e: {  	s7 =	smul.u32 @!p0 $0xF7A, s2;
	p2 =	seq.s32 @!p0 s5, $0x0  }
0x1f: {  	s9 =	smul.u32 $0xF7A, s1;
	s8 =	simm.s32 @!p0 $0x1BF5;
	p2 =	por !p2, p0  }
0x20: {  	[sflag:s8] =	ssyncset.s32 @!p0 $0xFFFFF086;
	s6 =	sadd.s32 @!p0 s3, s7;
	s7 =	simm.s32 @!p0 $0x108  }
0x21: {  	s3 =	sadd.s32 s3, s9;
	s6 =	sadd.s32 @!p0 $0x88, s6;
	s7 =	simm.s32 @p2 $0x1082  }
0x22: {  	[simem:s7], [sflag:s8] =	dma.local @!p0 [hbm:s6], $0xF7A  }
0x23: {  	s9 =	sor.u32 $0xD0000000, s2;
	s6 =	simm.s32 $0x108;
	_ =	swait.ge @!p0 [sflag:s8], $0x0  }
0x24: {  	s3 =	sadd.s32 $0x88, s3;
	s6 =	simm.s32 @!p1 $0x1082;
	[sflag:s4] =	ssyncset.s32 $0xFFFFF086  }
0x25: {  	[simem:s6], [sflag:s4] =	dma.local [hbm:s3], $0xF7A  }
0x26: {  	[smem:$0x3F97] =	sst s1;
	(tag) =	ssettag s2;
	_ =	strace s9  }
0x27: {  	s1 =	sld [smem:$0x3FA7]  }
0x28: {  	s2 =	sld [smem:$0x3FA8]  }
0x29: {  	s4 =	sld [smem:$0x3FAA]  }
0x2a: {  	p0 =	seq.s32 s5, $0x0;
	s5 =	sld [smem:$0x3FAB]  }
0x2b: {  	s6 =	sld [smem:$0x3FAC]  }
0x2c: {  	s7 =	sld [smem:$0x3FAD]  }
0x2d: {  	s3 =	simm.s32 $0x108;
	s8 =	sld [smem:$0x3FAE]  }
0x2e: {  	s3 =	simm.s32 @!p0 $0x1082;
	s9 =	sld [smem:$0x3FAF]  }
0x2f: {  	lr =	sadd.s32 s0, s3;
	s0 =	sld [smem:$0x3FA6]  }
0x30: {  	s3 =	sld [smem:$0x3FA9]  }
0x31: {  	[smem:$0x3FB2] =	sst s10  }
0x32: {  	s10 =	sld [smem:$0x3FB0];
	_ =	sdelay $0x3  }
0x33: {  	p0 =	seq.s32 s10, $0x1;
	s10 =	sld [smem:$0x3FB2];
	_ =	sdelay $0x3  }
0x34: {  	[smem:$0x3FB2] =	sst s10  }
0x35: {  	s10 =	sld [smem:$0x3FB1];
	_ =	sdelay $0x3  }
0x36: {  	p1 =	seq.s32 s10, $0x1;
	s10 =	sld [smem:$0x3FB2];
	_ =	sdelay $0x3  }
0x37: {  	[smem:$0x3FB2] =	sst s10  }
0x38: {  	s10 =	sld [smem:$0x3FB3]  }
0x39: {  	_ = 	snop;
	(pc) =	sbr.ind lr, $3  }
0x3a: {  	_ = 	snop  }
0x3b: {  	_ = 	snop  }
0x3c: {  	p2 =	seq.s32 s10, $0x1;
	s10 =	sld [smem:$0x3FB2]  }
0x3d: {  	_ =	shalt  }
0x3e: {  	_ =	shalt  }
0x3f: {  	_ =	shalt  }
0x40: {  	_ =	shalt  }
0x41: {  	_ =	shalt  }
0x42: {  	_ =	shalt  }
0x43: {  	_ =	shalt  }
0x44: {  	_ =	shalt  }
0x45: {  	_ =	shalt  }
0x46: {  	_ =	shalt  }
0x47: {  	_ =	shalt  }
0x48: {  	_ =	shalt  }
0x49: {  	_ =	shalt  }
0x4a: {  	_ =	shalt  }
0x4b: {  	_ =	shalt  }
0x4c: {  	_ =	shalt  }
0x4d: {  	_ =	shalt  }
0x4e: {  	_ =	shalt  }
0x4f: {  	_ =	shalt  }
0x50: {  	_ =	shalt  }
0x51: {  	_ =	shalt  }
0x52: {  	_ =	shalt  }
0x53: {  	_ =	shalt  }
0x54: {  	_ =	shalt  }
0x55: {  	_ =	shalt  }
0x56: {  	_ =	shalt  }
0x57: {  	_ =	shalt  }
0x58: {  	_ =	shalt  }
0x59: {  	_ =	shalt  }
0x5a: {  	_ =	shalt  }
0x5b: {  	_ =	shalt  }
0x5c: {  	_ =	shalt  }
0x5d: {  	_ =	shalt  }
0x5e: {  	_ =	shalt  }
0x5f: {  	_ =	shalt  }
0x60: {  	_ =	shalt  }
0x61: {  	_ =	shalt  }
0x62: {  	_ =	shalt  }
0x63: {  	_ =	shalt  }
0x64: {  	_ =	shalt  }
0x65: {  	_ =	shalt  }
0x66: {  	_ =	shalt  }
0x67: {  	_ =	shalt  }
0x68: {  	_ =	shalt  }
0x69: {  	_ =	shalt  }
0x6a: {  	_ =	shalt  }
0x6b: {  	_ =	shalt  }
0x6c: {  	_ =	shalt  }
0x6d: {  	_ =	shalt  }
0x6e: {  	_ =	shalt  }
0x6f: {  	_ =	shalt  }
0x70: {  	_ =	shalt  }
0x71: {  	_ =	shalt  }
0x72: {  	_ =	shalt  }
0x73: {  	_ =	shalt  }
0x74: {  	_ =	shalt  }
0x75: {  	_ =	shalt  }
0x76: {  	_ =	shalt  }
0x77: {  	_ =	shalt  }
0x78: {  	_ =	shalt  }
0x79: {  	_ =	shalt  }
0x7a: {  	_ =	shalt  }
0x7b: {  	_ =	shalt  }
0x7c: {  	_ =	shalt  }
0x7d: {  	_ =	shalt  }
0x7e: {  	_ =	shalt  }
0x7f: {  	_ =	shalt  }
0x80: {  	_ =	shalt  }
0x81: {  	_ =	shalt  }
0x82: {  	_ =	shalt  }
0x83: {  	_ =	shalt  }
0x84: {  	_ =	shalt  }
0x85: {  	_ =	shalt  }
0x86: {  	_ =	shalt  }
0x87: {  	_ =	shalt  }
.Lfunc_end0:
.L_simem_size_0:
called_computation.1_lowered:
.L_overlay_start_0:
0x88: {  	s2 =	sld [smem:$0x3FD9]  }
0x89: {  	s3 =	sld [smem:$0x3FFE];
	_ =	sdelay $0x1  }
0x8a: {  	s1 =	srdreg.scid  }
0x8b: {  	s0 =	sand.u32 $0x1, s1  }
0x8c: {  	s16 =	sshll.u32 s0, $0xA;
	s2 =	sadd.s32 s3, s2  }
0x8d: {  	s2 =	sadd.s32 s2, s16  }
0x8e: {  	[smem:$0x3FBE] =	sst s2  }
0x8f: {  	_ = 	snop  }
0x90: {  	(tm) =	ssettm $0x1  }
0x91: {  	s17 =	sld [smem:$0x3FFB];
	_ =	sdelay $0x3  }
0x92: {  	_ =	strace s17  }
0x93: {  	s2 =	sld [smem:$0x3FFC];
	_ =	sdelay $0x3  }
0x94: {  	_ =	strace s2  }
0x95: {  	s2 =	sld [smem:$0x3FFD];
	_ =	sdelay $0x3  }
0x96: {  	_ =	strace s2  }
0x97: {  	_ =	strace $0x8FFFFFFF  }
0x98: {  	s18 =	sld [smem:$0x3FDB];
	_ =	sdelay $0x1  }
0x99: {  	s19 =	simm.s32 $_scs_section_size  }
0x9a: {  	s4 =	simm.s32 $_size__tile_overlayer_lowered;
	s5 =	simm.s32 $_tile_overlayer_lowered  }
0x9b: {  	s22 =	simm.s32 $0x1BFF;
	s21 =	sshll.u32 s5, $0x1;
	s2 =	sadd.s32 s19, s18  }
0x9c: {  	s6 =	simm.s32 $0x0;
	s20 =	sshll.u32 s4, $0x1;
	s4 =	sadd.s32 s21, s2  }
0x9d: {  	[timem:s6], [sflag:s22] =	dma.local [hbm:s4], s20  }
0x9e: {  	_ =	swait.ge [sflag:s22], s20  }
0x9f: {  	s3 =	ssub.s32 $0x0, s20;
	[sflag:s22] =	ssyncset.done $0x0  }
0xa0: {  	[sflag:s22] =	ssyncadd.s32 s3;
	_ =	sdelay $0x1  }
0xa1: {  	s23 =	simm.s32 $0x1B8B  }
0xa2: {  	_ =	swait.ge [sflag:s23], $0x1  }
0xa3: {  	[sflag:s23] =	ssyncset.done $0x0  }
0xa4: {  	s25 =	simm.s32 $0x1B8E;
	s24 =	sld [smem:$0x3FFE];
	[sflag:s23] =	ssyncadd.s32 $0xFFFFFFFF  }
0xa5: {  	s26 =	simm.s32 $execute0_lowered;
	[smem:$0x3FD2] =	sst s25  }
0xa6: {  	s4 =	sshll.u32 s26, $0x1;
	_ =	strace $0x80000049;
	[dreg:$0x1] =	wrdreg $0xFFFFFFFF  }
0xa7: {  	s28 =	simm.s32 $_size_execute0_lowered;
	s2 =	sadd.s32 s2, s4;
	[dreg:$0x0] =	wrdreg $0x0  }
0xa8: {  	s4 =	sshll.u32 s28, $0x1;
	[dreg:$0x2] =	wrdreg s2  }
0xa9: {  	[dreg:$0x3] =	wrdreg s4  }
0xaa: {  	[dreg:$0x4] =	wrdreg $0xC0  }
0xab: {  	_ =	task [dreg:s6], $0x5FFFF  }
0xac: {  	[dreg:$0x1] =	wrdreg $0xFFFFFFFF  }
0xad: {  	[dreg:$0x0] =	wrdreg $0x60  }
0xae: {  	[dreg:$0x2] =	wrdreg s24  }
0xaf: {  	[dreg:$0x3] =	wrdreg $0xB0000  }
0xb0: {  	[dreg:$0x4] =	wrdreg $0x9  }
0xb1: {  	_ =	task.clear_ibuf [dreg:s6], $0x5FFFF;
	_ =	strace $0x90000049  }
0xb2: {  	s29 =	simm.s32 $0x9;
	_ =	strace $0x8000004B  }
0xb3: {  	_ =	swait.ge [sflag:s29], $0x1  }
0xb4: {  	[sflag:s29] =	ssyncadd.s32 $0xFFFFFFFF  }
0xb5: {  	_ =	strace $0x9000004B  }
0xb6: {  	_ =	sfence  }
0xb7: {  	s30 =	sld [smem:$0x0];
	_ =	sdelay $0x2  }
0xb8: {  	s31 =	sshll.u32 s1, $0xD;
	s1 =	sshrl.u32 s1, $0x2  }
0xb9: {  	s3 =	sand.u32 $0x4000, s31;
	s1 =	sadd.s32 s1, s30  }
0xba: {  	s0 =	sor.u32 s3, s0;
	s1 =	sshll.u32 s1, $0x11  }
0xbb: {  	s0 =	sor.u32 s1, s0  }
0xbc: {  	s0 =	sadd.s32 $0x8F2B, s0  }
0xbd: {  	[sflag:s0] =	ssyncadd.remote.s32 $0x1  }
0xbe: {  	_ =	sfence.sel $0xFFFF  }
0xbf: {  	[dreg:$0x0] =	wrdreg $0xFFFFFFFF;
	(pc) =	sbr.abs _section_cstart, $3  }
0xc0: {  	[dreg:$0x1] =	wrdreg $0xFFFFFFFF  }
0xc1: {  	_ =	task.clear_ibuf [dreg:s6], $0x2FFFF;
	_ =	strace $0x9FFFFFFF  }
0xc2: {  	(tm) =	ssettm $0x7FFFFFFF  }
0xc3: {  	_ =	shalt  }
tec
execute0_lowered:
.L_overlay_start_1:
0x0: {  	(tag) =	ssettag $0x1  }
0x1: {  	s0 =	srdreg.scid;
	s6 =	rddreg [dreg:$0x0]  }
0x2: {  	s2 =	rddreg [dreg:$0x1];
	s3 =	simm.s32 $0x0;
	s19 =	simm.s32 $0x9000  }
0x3: {  	s20 =	simm.s32 $0x2;
	s21 =	simm.s32 $0x2800;
	s22 =	simm.s32 $0x7D  }
0x4: {  	s23 =	simm.s32 $0x5000;
	s5 =	sand.u32 $0x1, s0;
	s0 =	stileid.u32  }
0x5: {  	s24 =	simm.s32 $0x1;
	[smem:$0x7FF] =	sst s3;
	s8 =	smul.u32 $0x140000, s5  }
0x6: {  	s4 =	sadd.s32 $0x17800, s6;
	s1 =	sshll.u32 s5, $0x4;
	s9 =	smul.u32 $0x14000, s0  }
0x7: {  	s10 =	smul.u32 $0x50000, s0;
	s29 =	ssub.s32 $0x2, s5;
	s1 =	sor.u32 s0, s1  }
0x8: {  	s31 =	sshrl.u32 s29, $0x1;
	s7 =	smul.u32 $0x500, s1;
	s1 =	rddreg [dreg:$0x2]  }
0x9: {  	_ =	strace $0x8000004A;
	s30 =	sshrl.u32 s10, $0x2;
	s18 =	ssub.s32 s29, s31  }
0xa: {  	s28 =	sadd.s32 s9, s8;
	s5 =	sadd.s32 s30, s2;
	s18 =	smax.u32 s18, $0x1  }
0xb: {  	s16 =	sadd.s32 s7, s6;
	s7 =	sshrl.u32 s28, $0x3;
	s8 =	sadd.s32 $0x6000, s5  }
0xc: {  	s9 =	sadd.s32 $0x8000, s5;
	s10 =	sadd.s32 $0xA000, s5;
	s11 =	sadd.s32 $0xC000, s5  }
0xd: {  	s12 =	sadd.s32 $0xE000, s5;
	s13 =	sadd.s32 $0x10000, s5;
	s14 =	sadd.s32 $0x12000, s5  }
0xe: {  	s17 =	sadd.s32 s7, s6;
	s6 =	sadd.s32 $0x2000, s5;
	s7 =	sadd.s32 $0x4000, s5  }
0xf: {  	v0 =	vimm.f32 $0.0e+00;
	s15 =	sadd.s32 $0x3800, s16;
	s16 =	sadd.s32 $0xD800, s16;
	s17 =	sadd.s32 $0x8F800, s17  }
.LBB2_1:
0x10: {  	s25 =	simm.s32 $0x0;
	s26 =	simm.s32 $0x200  }
.LBB2_2:
0x11: {  	p0 =	sne.s32 s26, $0x7E00;
	[tilespmem:s25+$0x9070] =	vst v0  }
0x12: {  	[tilespmem:s25+$0x9000] =	vst v0  }
0x13: {  	[tilespmem:s25+$0x9010] =	vst v0  }
.Ltmp0:
0x14: {  	[tilespmem:s25+$0x9020] =	vst v0;
	(pc) =	sbr.rel @p0 .LBB2_2-.Ltmp0, $4  }
0x15: {  	[tilespmem:s25+$0x9030] =	vst v0  }
0x16: {  	[tilespmem:s25+$0x9040] =	vst v0  }
0x17: {  	[tilespmem:s25+$0x9050] =	vst v0  }
0x18: {  	[tilespmem:s25+$0x9060] =	vst v0;
	s25 =	sshra.s32 s26, $0x2;
	s26 =	sadd.s32 $0x200, s26  }
0x19: {  	[tilespmem:s25+$0x9070] =	vst v0  }
0x1a: {  	[tilespmem:s25+$0x9000] =	vst v0  }
0x1b: {  	[tilespmem:s25+$0x9010] =	vst v0  }
0x1c: {  	[tilespmem:s25+$0x9020] =	vst v0  }
0x1d: {  	[tilespmem:s25+$0x9030] =	vst v0  }
0x1e: {  	[tilespmem:s25+$0x9040] =	vst v0  }
0x1f: {  	[tilespmem:s25+$0x9050] =	vst v0  }
0x20: {  	[tilespmem:s25+$0x9060] =	vst v0  }
0x21: {  	[spmem:s5] =	stream.linear.scatter [tilespmem:s19], [sflag:$0x2], $0x2000, $0x38;
	[tilespmem:$0x1F000] =	vst v63  }
0x22: {  	_ =	swait.ge [sflag:s20], $0x2000  }
0x23: {  	[sflag:s20] =	ssyncset.done $0x0  }
0x24: {  	[sflag:s20] =	ssyncadd.s32 $0xFFFFE000  }
0x25: {  	[spmem:s6] =	stream.linear.scatter [tilespmem:s19], [sflag:$0x2], $0x2000, $0x38;
	[tilespmem:$0x1F000] =	vst v63  }
0x26: {  	_ =	swait.ge [sflag:s20], $0x2000  }
0x27: {  	[sflag:s20] =	ssyncset.done $0x0  }
0x28: {  	[sflag:s20] =	ssyncadd.s32 $0xFFFFE000  }
0x29: {  	[spmem:s7] =	stream.linear.scatter [tilespmem:s19], [sflag:$0x2], $0x2000, $0x38;
	[tilespmem:$0x1F000] =	vst v63  }
0x2a: {  	_ =	swait.ge [sflag:s20], $0x2000  }
0x2b: {  	[sflag:s20] =	ssyncset.done $0x0  }
0x2c: {  	[sflag:s20] =	ssyncadd.s32 $0xFFFFE000  }
0x2d: {  	[spmem:s8] =	stream.linear.scatter [tilespmem:s19], [sflag:$0x2], $0x2000, $0x38;
	[tilespmem:$0x1F000] =	vst v63  }
0x2e: {  	_ =	swait.ge [sflag:s20], $0x2000  }
0x2f: {  	[sflag:s20] =	ssyncset.done $0x0  }
0x30: {  	[sflag:s20] =	ssyncadd.s32 $0xFFFFE000  }
0x31: {  	[spmem:s9] =	stream.linear.scatter [tilespmem:s19], [sflag:$0x2], $0x2000, $0x38;
	[tilespmem:$0x1F000] =	vst v63  }
0x32: {  	_ =	swait.ge [sflag:s20], $0x2000  }
0x33: {  	[sflag:s20] =	ssyncset.done $0x0  }
0x34: {  	[sflag:s20] =	ssyncadd.s32 $0xFFFFE000  }
0x35: {  	[spmem:s10] =	stream.linear.scatter [tilespmem:s19], [sflag:$0x2], $0x2000, $0x38;
	[tilespmem:$0x1F000] =	vst v63  }
0x36: {  	_ =	swait.ge [sflag:s20], $0x2000  }
0x37: {  	[sflag:s20] =	ssyncset.done $0x0  }
0x38: {  	[sflag:s20] =	ssyncadd.s32 $0xFFFFE000  }
0x39: {  	[spmem:s11] =	stream.linear.scatter [tilespmem:s19], [sflag:$0x2], $0x2000, $0x38;
	[tilespmem:$0x1F000] =	vst v63  }
0x3a: {  	_ =	swait.ge [sflag:s20], $0x2000  }
0x3b: {  	[sflag:s20] =	ssyncset.done $0x0  }
0x3c: {  	[sflag:s20] =	ssyncadd.s32 $0xFFFFE000  }
0x3d: {  	[spmem:s12] =	stream.linear.scatter [tilespmem:s19], [sflag:$0x2], $0x2000, $0x38;
	[tilespmem:$0x1F000] =	vst v63  }
0x3e: {  	_ =	swait.ge [sflag:s20], $0x2000  }
0x3f: {  	[sflag:s20] =	ssyncset.done $0x0  }
0x40: {  	[sflag:s20] =	ssyncadd.s32 $0xFFFFE000  }
0x41: {  	[spmem:s13] =	stream.linear.scatter [tilespmem:s19], [sflag:$0x2], $0x2000, $0x38;
	[tilespmem:$0x1F000] =	vst v63  }
0x42: {  	_ =	swait.ge [sflag:s20], $0x2000  }
0x43: {  	[sflag:s20] =	ssyncset.done $0x0  }
0x44: {  	[sflag:s20] =	ssyncadd.s32 $0xFFFFE000  }
0x45: {  	[spmem:s14] =	stream.linear.scatter [tilespmem:s19], [sflag:$0x2], $0x2000, $0x38;
	[tilespmem:$0x1F000] =	vst v63  }
0x46: {  	_ =	swait.ge [sflag:s20], $0x2000  }
0x47: {  	[sflag:s20] =	ssyncset.done $0x0  }
0x48: {  	[sflag:s20] =	ssyncadd.s32 $0xFFFFE000  }
0x49: {  	s29 =	simm.s32 $0x0;
	[bflag:$0x0] =	sbarrier.arrive $0xFFFF  }
0x4a: {  	[tilespmem:s29], [sflag:$0x2] =	stream.linear.gather [hbm4b:s15+s29], $0x2800, $0x38;
	[tilespmem:$0x1F000] =	vst v63  }
0x4b: {  	_ =	swait.ge [sflag:s20], $0x2800  }
0x4c: {  	[sflag:s20] =	ssyncset.done $0x0  }
0x4d: {  	[sflag:s20] =	ssyncadd.s32 $0xFFFFD800  }
0x4e: {  	[tilespmem:s21], [sflag:$0x2] =	stream.linear.gather [hbm4b:s16+s29], $0x2800, $0x38;
	[tilespmem:$0x1F000] =	vst v63  }
0x4f: {  	_ =	swait.ge [sflag:s20], $0x2800  }
0x50: {  	[sflag:s20] =	ssyncset.done $0x0  }
0x51: {  	s30 =	simm.s32 $0x0;
	[sflag:s20] =	ssyncadd.s32 $0xFFFFD800  }
0x52: {  	[tilespmem:s23], [sflag:$0x1] =	stream.indirect.gather [hbm4b:s4+s22], $0x80, s30, s22, $0xb8;
	[tilespmem:$0x1F000] =	vst v63  }
0x53: {  	_ =	swait.ge [sflag:s24], $0x3E80  }
0x54: {  	[sflag:s24] =	ssyncset.done $0x0  }
0x55: {  	s31 =	simm.s32 $0x2800;
	[sflag:s24] =	ssyncadd.s32 $0xFFFFC180  }
0x56: {  	[spmem:s2] =	stream.indirect.scatter.add.f32 [tilespmem:s23], [sflag:$0x2], $0x80, s31, s22, $0xb8;
	[tilespmem:$0x1F000] =	vst v63  }
0x57: {  	_ =	swait.ge [sflag:s20], $0x3E80  }
0x58: {  	s25 =	simm.s32 $0x200;
	s26 =	simm.s32 $0x400;
	[sflag:s20] =	ssyncset.done $0x0  }
.LBB2_4:
0x59: {  	s28 =	sshra.s32 s25, $0x2  }
0x5a: {  	[sflag:s20] =	ssyncadd.s32 $0xFFFFC180;
	s25 =	smov.u32 s26;
	s29 =	sadd.s32 $0x200, s26  }
0x5b: {  	[tilespmem:s23], [sflag:$0x1] =	stream.indirect.gather [hbm4b:s4+s22], $0x80, s28, s22, $0xb8;
	[tilespmem:$0x1F000] =	vst v63  }
0x5c: {  	p0 =	sne.s32 s26, $0x9E00;
	_ =	swait.ge [sflag:s24], $0x3E80  }
.Ltmp1:
0x5d: {  	[sflag:s24] =	ssyncset.done $0x0;
	(pc) =	sbr.rel @p0 .LBB2_4-.Ltmp1, $4  }
0x5e: {  	s26 =	sadd.s32 $0x2800, s28;
	[sflag:s24] =	ssyncadd.s32 $0xFFFFC180  }
0x5f: {  	[spmem:s2] =	stream.indirect.scatter.add.f32 [tilespmem:s23], [sflag:$0x2], $0x80, s26, s22, $0xb8;
	[tilespmem:$0x1F000] =	vst v63  }
0x60: {  	_ =	swait.ge [sflag:s20], $0x3E80  }
0x61: {  	s26 =	smov.u32 s29;
	[sflag:s20] =	ssyncset.done $0x0  }
0x62: {  	s25 =	sshra.s32 s25, $0x2;
	[sflag:s20] =	ssyncadd.s32 $0xFFFFC180  }
0x63: {  	[tilespmem:s23], [sflag:$0x1] =	stream.indirect.gather [hbm4b:s4+s22], $0x80, s25, s22, $0xb8;
	[tilespmem:$0x1F000] =	vst v63  }
0x64: {  	_ =	swait.ge [sflag:s24], $0x3E80  }
0x65: {  	[sflag:s24] =	ssyncset.done $0x0  }
0x66: {  	s25 =	sadd.s32 $0x2800, s25;
	[sflag:s24] =	ssyncadd.s32 $0xFFFFC180  }
0x67: {  	[spmem:s2] =	stream.indirect.scatter.add.f32 [tilespmem:s23], [sflag:$0x2], $0x80, s25, s22, $0xb8;
	[tilespmem:$0x1F000] =	vst v63  }
0x68: {  	_ =	swait.ge [sflag:s20], $0x3E80  }
0x69: {  	s31 =	sshll.u32 s0, $0x6;
	s3 =	sadd.s32 $0x1, s3;
	[sflag:s20] =	ssyncset.done $0x0  }
0x6a: {  	s26 =	sshrl.u32 s5, $0x3;
	p0 =	sne.s32 s3, s18;
	[sflag:s20] =	ssyncadd.s32 $0xFFFFC180  }
.Ltmp2:
0x6b: {  	s25 =	sor.u32 $0x1C02, s31;
	[bflag:$0x0] =	sbarrier.arrive $0xFFFF;
	(pc) =	sbr.rel @p0 .LBB2_1-.Ltmp2, $4  }
0x6c: {  	[hbm:s17], [sflag:s25] =	dma.local [spmem:s26], $0x2800  }
0x6d: {  	_ =	swait.ge [sflag:s20], $0x2800  }
0x6e: {  	[sflag:s20] =	ssyncset.done $0x0  }
0x6f: {  	[sflag:s20] =	ssyncadd.s32 $0xFFFFD800  }
0x70: {  	_ =	sfence.sel $0x180000  }
0x71: {  	[bflag:$0x0] =	sbarrier.arrive $0xFFFF  }
0x72: {  	p0 =	sne.s32 s0, $0x0;
	_ =	strace $0x9000004A  }
0x73: {  	s0 =	sadd.s32 @!p0 $0x100000, s1;
	[bflag:$0x2] =	sbarrier.arrive $0xFFFF  }
0x74: {  	[sflag:s0] =	ssyncadd.tile.s32 @!p0 $0x1;
	_ =	shalt  }
.Lfunc_end2:
_tile_overlayer_lowered:
.L_overlay_start_2:
0x75: {  	(tag) =	ssettag $0x2  }
0x76: {  	s0 =	rddreg [dreg:$0x0];
	s2 =	stileid.u32  }
0x77: {  	s1 =	rddreg [dreg:$0x1];
	p0 =	sne.s32 s2, $0x0  }
0x78: {  	s3 =	rddreg [dreg:$0x2];
	[bflag:$0x3] =	sbarrier.arrive $0xFFFF;
	s2 =	simm.s32 @!p0 $0x1C02  }
0x79: {  	[timem:s3], [sflag:s2] =	dma.local @!p0 [hbm:s0], s1  }
0x7a: {  	s0 =	simm.s32 @!p0 $0x2  }
0x7b: {  	_ =	swait.ge @!p0 [sflag:s0], s1  }
0x7c: {  	s1 =	ssub.s32 @!p0 $0x0, s1;
	[sflag:s0] =	ssyncset.done @!p0 $0x0  }
0x7d: {  	[sflag:s0] =	ssyncadd.s32 @!p0 s1  }
0x7e: {  	[bflag:$0x3] =	sbarrier.arrive $0xFFFF  }
0x7f: {  	_ =	shalt  }

// kernel: kernel.14.cloned.1.call-start
scs
__scs_entry_jumppad:
0x0: {  	(pc) =	sbr.rel $0x88, $3  }
0x1: {  	(tag) =	ssettag $0x0;
	lr =	simm.s32 $0x1  }
0x2: {  	[smem:$0x3F97] =	sst lr;
	_ =	strace $0xD0000000  }
0x3: {  	_ = 	snop  }
0x4: {  	_ = 	snop  }
0x5: {  	_ = 	snop  }
0x6: {  	_ = 	snop  }
0x7: {  	_ = 	snop  }
__scs_overlays_trampoline_lowered:
0x8: {  	[smem:$0x3FA6] =	sst s0  }
0x9: {  	[smem:$0x3FA7] =	sst s1  }
0xa: {  	[smem:$0x3FA8] =	sst s2  }
0xb: {  	[smem:$0x3FA9] =	sst s3  }
0xc: {  	[smem:$0x3FAA] =	sst s4  }
0xd: {  	[smem:$0x3FAB] =	sst s5  }
0xe: {  	[smem:$0x3FAC] =	sst s6  }
0xf: {  	[smem:$0x3FAD] =	sst s7  }
0x10: {  	[smem:$0x3FAE] =	sst s8  }
0x11: {  	[smem:$0x3FAF] =	sst s9;
	s0 =	simm.s32 @!p0 $0x0  }
0x12: {  	s1 =	sld [smem:$0x3F95];
	s0 =	simm.s32 @p0 $0x1  }
0x13: {  	[smem:$0x3FB0] =	sst s0;
	s0 =	simm.s32 @!p1 $0x0  }
0x14: {  	s2 =	sld [smem:$0x3F94];
	s0 =	simm.s32 @p1 $0x1  }
0x15: {  	[smem:$0x3FB1] =	sst s0;
	s0 =	simm.s32 @!p2 $0x0  }
0x16: {  	s3 =	sld [smem:$0x3FDB];
	s0 =	simm.s32 @p2 $0x1  }
0x17: {  	s4 =	simm.s32 $0x1BF5;
	[smem:$0x3FB3] =	sst s0  }
0x18: {  	s0 =	sld [smem:$0x3F96];
	_ =	swait.ge [sflag:s4], $0x0  }
0x19: {  	s7 =	sld [smem:$0x3F97]  }
0x1a: {  	s8 =	sadd.s32 $0xFFFFE003, lr  }
0x1b: {  	s9 =	sadd.s32 $0xFFFFFEF7, lr;
	s5 =	simm.s32 $0xFFFFFFFF;
	p2 =	slt.u32 s8, $0xFFFFF086  }
0x1c: {  	p1 =	slt.u32 s9, $0xF7A;
	s5 =	simm.s32 @!p2 $0x0  }
0x1d: {  	s5 =	simm.s32 @p1 $0x1;
	p0 =	seq.s32 s7, s2  }
0x1e: {  	s7 =	smul.u32 @!p0 $0xF7A, s2;
	p2 =	seq.s32 @!p0 s5, $0x0  }
0x1f: {  	s9 =	smul.u32 $0xF7A, s1;
	s8 =	simm.s32 @!p0 $0x1BF5;
	p2 =	por !p2, p0  }
0x20: {  	[sflag:s8] =	ssyncset.s32 @!p0 $0xFFFFF086;
	s6 =	sadd.s32 @!p0 s3, s7;
	s7 =	simm.s32 @!p0 $0x108  }
0x21: {  	s3 =	sadd.s32 s3, s9;
	s6 =	sadd.s32 @!p0 $0x88, s6;
	s7 =	simm.s32 @p2 $0x1082  }
0x22: {  	[simem:s7], [sflag:s8] =	dma.local @!p0 [hbm:s6], $0xF7A  }
0x23: {  	s9 =	sor.u32 $0xD0000000, s2;
	s6 =	simm.s32 $0x108;
	_ =	swait.ge @!p0 [sflag:s8], $0x0  }
0x24: {  	s3 =	sadd.s32 $0x88, s3;
	s6 =	simm.s32 @!p1 $0x1082;
	[sflag:s4] =	ssyncset.s32 $0xFFFFF086  }
0x25: {  	[simem:s6], [sflag:s4] =	dma.local [hbm:s3], $0xF7A  }
0x26: {  	[smem:$0x3F97] =	sst s1;
	(tag) =	ssettag s2;
	_ =	strace s9  }
0x27: {  	s1 =	sld [smem:$0x3FA7]  }
0x28: {  	s2 =	sld [smem:$0x3FA8]  }
0x29: {  	s4 =	sld [smem:$0x3FAA]  }
0x2a: {  	p0 =	seq.s32 s5, $0x0;
	s5 =	sld [smem:$0x3FAB]  }
0x2b: {  	s6 =	sld [smem:$0x3FAC]  }
0x2c: {  	s7 =	sld [smem:$0x3FAD]  }
0x2d: {  	s3 =	simm.s32 $0x108;
	s8 =	sld [smem:$0x3FAE]  }
0x2e: {  	s3 =	simm.s32 @!p0 $0x1082;
	s9 =	sld [smem:$0x3FAF]  }
0x2f: {  	lr =	sadd.s32 s0, s3;
	s0 =	sld [smem:$0x3FA6]  }
0x30: {  	s3 =	sld [smem:$0x3FA9]  }
0x31: {  	[smem:$0x3FB2] =	sst s10  }
0x32: {  	s10 =	sld [smem:$0x3FB0];
	_ =	sdelay $0x3  }
0x33: {  	p0 =	seq.s32 s10, $0x1;
	s10 =	sld [smem:$0x3FB2];
	_ =	sdelay $0x3  }
0x34: {  	[smem:$0x3FB2] =	sst s10  }
0x35: {  	s10 =	sld [smem:$0x3FB1];
	_ =	sdelay $0x3  }
0x36: {  	p1 =	seq.s32 s10, $0x1;
	s10 =	sld [smem:$0x3FB2];
	_ =	sdelay $0x3  }
0x37: {  	[smem:$0x3FB2] =	sst s10  }
0x38: {  	s10 =	sld [smem:$0x3FB3]  }
0x39: {  	_ = 	snop;
	(pc) =	sbr.ind lr, $3  }
0x3a: {  	_ = 	snop  }
0x3b: {  	_ = 	snop  }
0x3c: {  	p2 =	seq.s32 s10, $0x1;
	s10 =	sld [smem:$0x3FB2]  }
0x3d: {  	_ =	shalt  }
0x3e: {  	_ =	shalt  }
0x3f: {  	_ =	shalt  }
0x40: {  	_ =	shalt  }
0x41: {  	_ =	shalt  }
0x42: {  	_ =	shalt  }
0x43: {  	_ =	shalt  }
0x44: {  	_ =	shalt  }
0x45: {  	_ =	shalt  }
0x46: {  	_ =	shalt  }
0x47: {  	_ =	shalt  }
0x48: {  	_ =	shalt  }
0x49: {  	_ =	shalt  }
0x4a: {  	_ =	shalt  }
0x4b: {  	_ =	shalt  }
0x4c: {  	_ =	shalt  }
0x4d: {  	_ =	shalt  }
0x4e: {  	_ =	shalt  }
0x4f: {  	_ =	shalt  }
0x50: {  	_ =	shalt  }
0x51: {  	_ =	shalt  }
0x52: {  	_ =	shalt  }
0x53: {  	_ =	shalt  }
0x54: {  	_ =	shalt  }
0x55: {  	_ =	shalt  }
0x56: {  	_ =	shalt  }
0x57: {  	_ =	shalt  }
0x58: {  	_ =	shalt  }
0x59: {  	_ =	shalt  }
0x5a: {  	_ =	shalt  }
0x5b: {  	_ =	shalt  }
0x5c: {  	_ =	shalt  }
0x5d: {  	_ =	shalt  }
0x5e: {  	_ =	shalt  }
0x5f: {  	_ =	shalt  }
0x60: {  	_ =	shalt  }
0x61: {  	_ =	shalt  }
0x62: {  	_ =	shalt  }
0x63: {  	_ =	shalt  }
0x64: {  	_ =	shalt  }
0x65: {  	_ =	shalt  }
0x66: {  	_ =	shalt  }
0x67: {  	_ =	shalt  }
0x68: {  	_ =	shalt  }
0x69: {  	_ =	shalt  }
0x6a: {  	_ =	shalt  }
0x6b: {  	_ =	shalt  }
0x6c: {  	_ =	shalt  }
0x6d: {  	_ =	shalt  }
0x6e: {  	_ =	shalt  }
0x6f: {  	_ =	shalt  }
0x70: {  	_ =	shalt  }
0x71: {  	_ =	shalt  }
0x72: {  	_ =	shalt  }
0x73: {  	_ =	shalt  }
0x74: {  	_ =	shalt  }
0x75: {  	_ =	shalt  }
0x76: {  	_ =	shalt  }
0x77: {  	_ =	shalt  }
0x78: {  	_ =	shalt  }
0x79: {  	_ =	shalt  }
0x7a: {  	_ =	shalt  }
0x7b: {  	_ =	shalt  }
0x7c: {  	_ =	shalt  }
0x7d: {  	_ =	shalt  }
0x7e: {  	_ =	shalt  }
0x7f: {  	_ =	shalt  }
0x80: {  	_ =	shalt  }
0x81: {  	_ =	shalt  }
0x82: {  	_ =	shalt  }
0x83: {  	_ =	shalt  }
0x84: {  	_ =	shalt  }
0x85: {  	_ =	shalt  }
0x86: {  	_ =	shalt  }
0x87: {  	_ =	shalt  }
.Lfunc_end0:
.L_simem_size_0:
called_computation.2_lowered:
.L_overlay_start_0:
0x88: {  	s2 =	sld [smem:$0x3FD9]  }
0x89: {  	s3 =	sld [smem:$0x3FFE];
	_ =	sdelay $0x1  }
0x8a: {  	s1 =	srdreg.scid  }
0x8b: {  	s0 =	sand.u32 $0x1, s1  }
0x8c: {  	s16 =	sshll.u32 s0, $0xA;
	s2 =	sadd.s32 s3, s2  }
0x8d: {  	s2 =	sadd.s32 s2, s16  }
0x8e: {  	[smem:$0x3FBE] =	sst s2  }
0x8f: {  	_ = 	snop  }
0x90: {  	(tm) =	ssettm $0x1  }
0x91: {  	s17 =	sld [smem:$0x3FFB];
	_ =	sdelay $0x3  }
0x92: {  	_ =	strace s17  }
0x93: {  	s2 =	sld [smem:$0x3FFC];
	_ =	sdelay $0x3  }
0x94: {  	_ =	strace s2  }
0x95: {  	s2 =	sld [smem:$0x3FFD];
	_ =	sdelay $0x3  }
0x96: {  	_ =	strace s2  }
0x97: {  	_ =	strace $0x8FFFFFFF  }
0x98: {  	s18 =	sld [smem:$0x3FDB];
	_ =	sdelay $0x1  }
0x99: {  	s19 =	simm.s32 $_scs_section_size  }
0x9a: {  	s4 =	simm.s32 $_size__tile_overlayer_lowered;
	s5 =	simm.s32 $_tile_overlayer_lowered  }
0x9b: {  	s22 =	simm.s32 $0x1BFF;
	s21 =	sshll.u32 s5, $0x1;
	s2 =	sadd.s32 s19, s18  }
0x9c: {  	s6 =	simm.s32 $0x0;
	s20 =	sshll.u32 s4, $0x1;
	s4 =	sadd.s32 s21, s2  }
0x9d: {  	[timem:s6], [sflag:s22] =	dma.local [hbm:s4], s20  }
0x9e: {  	_ =	swait.ge [sflag:s22], s20  }
0x9f: {  	s3 =	ssub.s32 $0x0, s20;
	[sflag:s22] =	ssyncset.done $0x0  }
0xa0: {  	[sflag:s22] =	ssyncadd.s32 s3;
	_ =	sdelay $0x1  }
0xa1: {  	s23 =	simm.s32 $0x1B8B  }
0xa2: {  	_ =	swait.ge [sflag:s23], $0x1  }
0xa3: {  	[sflag:s23] =	ssyncset.done $0x0  }
0xa4: {  	s25 =	simm.s32 $0x1B8E;
	s24 =	sld [smem:$0x3FFE];
	[sflag:s23] =	ssyncadd.s32 $0xFFFFFFFF  }
0xa5: {  	s26 =	simm.s32 $execute0_lowered;
	[smem:$0x3FD2] =	sst s25  }
0xa6: {  	s4 =	sshll.u32 s26, $0x1;
	_ =	strace $0x8000004C;
	[dreg:$0x1] =	wrdreg $0xFFFFFFFF  }
0xa7: {  	s28 =	simm.s32 $_size_execute0_lowered;
	s2 =	sadd.s32 s2, s4;
	[dreg:$0x0] =	wrdreg $0x0  }
0xa8: {  	s4 =	sshll.u32 s28, $0x1;
	[dreg:$0x2] =	wrdreg s2  }
0xa9: {  	[dreg:$0x3] =	wrdreg s4  }
0xaa: {  	[dreg:$0x4] =	wrdreg $0xC0  }
0xab: {  	_ =	task [dreg:s6], $0x5FFFF  }
0xac: {  	[dreg:$0x1] =	wrdreg $0xFFFFFFFF  }
0xad: {  	[dreg:$0x0] =	wrdreg $0x60  }
0xae: {  	[dreg:$0x2] =	wrdreg s24  }
0xaf: {  	[dreg:$0x3] =	wrdreg $0xB0000  }
0xb0: {  	[dreg:$0x4] =	wrdreg $0x9  }
0xb1: {  	_ =	task.clear_ibuf [dreg:s6], $0x5FFFF;
	_ =	strace $0x9000004C  }
0xb2: {  	s29 =	simm.s32 $0x9;
	_ =	strace $0x8000004E  }
0xb3: {  	_ =	swait.ge [sflag:s29], $0x1  }
0xb4: {  	[sflag:s29] =	ssyncadd.s32 $0xFFFFFFFF  }
0xb5: {  	_ =	strace $0x9000004E  }
0xb6: {  	_ =	sfence  }
0xb7: {  	s30 =	sld [smem:$0x0];
	_ =	sdelay $0x2  }
0xb8: {  	s31 =	sshll.u32 s1, $0xD;
	s1 =	sshrl.u32 s1, $0x2  }
0xb9: {  	s3 =	sand.u32 $0x4000, s31;
	s1 =	sadd.s32 s1, s30  }
0xba: {  	s0 =	sor.u32 s3, s0;
	s1 =	sshll.u32 s1, $0x11  }
0xbb: {  	s0 =	sor.u32 s1, s0  }
0xbc: {  	s0 =	sadd.s32 $0x8F2B, s0  }
0xbd: {  	[sflag:s0] =	ssyncadd.remote.s32 $0x1  }
0xbe: {  	_ =	sfence.sel $0xFFFF  }
0xbf: {  	[dreg:$0x0] =	wrdreg $0xFFFFFFFF;
	(pc) =	sbr.abs _section_cstart, $3  }
0xc0: {  	[dreg:$0x1] =	wrdreg $0xFFFFFFFF  }
0xc1: {  	_ =	task.clear_ibuf [dreg:s6], $0x2FFFF;
	_ =	strace $0x9FFFFFFF  }
0xc2: {  	(tm) =	ssettm $0x7FFFFFFF  }
0xc3: {  	_ =	shalt  }
tec
execute0_lowered:
.L_overlay_start_1:
0x0: {  	(tag) =	ssettag $0x1  }
0x1: {  	s6 =	rddreg [dreg:$0x0]  }
0x2: {  	s1 =	rddreg [dreg:$0x1]  }
0x3: {  	s3 =	simm.s32 $0x0;
	s2 =	srdreg.scid;
	s23 =	simm.s32 $0x2  }
0x4: {  	s24 =	simm.s32 $0x2800;
	s25 =	simm.s32 $0x7D;
	s16 =	sand.u32 $0x1, s2  }
0x5: {  	s26 =	simm.s32 $0x5000;
	s2 =	stileid.u32;
	s7 =	smul.u32 $0x140000, s16  }
0x6: {  	s28 =	simm.s32 $0x1;
	[smem:$0x7FF] =	sst s3;
	s8 =	smul.u32 $0x14000, s2  }
0x7: {  	s4 =	sadd.s32 $0x17800, s6;
	s5 =	sadd.s32 $0x67800, s6;
	s9 =	smul.u32 $0x50000, s2  }
0x8: {  	s18 =	sadd.s32 $0x3800, s6;
	s19 =	sadd.s32 $0xD800, s6;
	s15 =	smul.u32 $0x5000, s2  }
0x9: {  	_ =	strace $0x8000004D;
	s30 =	ssub.s32 $0x2, s16;
	s17 =	smul.u32 $0xA00, s2  }
0xa: {  	p0 =	seq.s32 s16, $0x1;
	s31 =	sshrl.u32 s30, $0x1;
	s7 =	sadd.s32 s8, s7  }
0xb: {  	s9 =	sshrl.u32 s9, $0x2;
	s21 =	ssub.s32 s30, s31;
	s22 =	sshrl.u32 s15, $0x3  }
0xc: {  	s16 =	sadd.s32 s18, s17;
	s17 =	sadd.s32 s19, s17;
	s7 =	sshrl.u32 s7, $0x3  }
0xd: {  	s22 =	sadd.s32 $0x500, s22;
	s21 =	smax.u32 s21, $0x1;
	s20 =	sadd.s32 s7, s6  }
.Ltmp0:
0xe: {  	s6 =	sadd.s32 s9, s1;
	s18 =	sadd.s32 s18, s22;
	(pc) =	sbr.rel .LBB2_1-.Ltmp0, $4  }
0xf: {  	s19 =	sadd.s32 s19, s22;
	s22 =	simm.s32 $0x9000;
	s7 =	sadd.s32 $0x2000, s6  }
0x10: {  	s8 =	sadd.s32 $0x4000, s6;
	s9 =	sadd.s32 $0x6000, s6;
	s10 =	sadd.s32 $0x8000, s6  }
0x11: {  	s11 =	sadd.s32 $0xA000, s6;
	s12 =	sadd.s32 $0xC000, s6;
	s13 =	sadd.s32 $0xE000, s6  }
0x12: {  	v0 =	vimm.f32 $0.0e+00;
	s14 =	sadd.s32 $0x10000, s6;
	s15 =	sadd.s32 $0x12000, s6;
	s20 =	sadd.s32 $0x8F800, s20  }
.LBB2_8:
0x13: {  	s0 =	sshra.s32 s29, $0x2;
	[sflag:s23] =	ssyncadd.s32 $0xFFFFC180  }
0x14: {  	[tilespmem:s26], [sflag:$0x1] =	stream.indirect.gather [hbm4b:s4+s25], $0x80, s0, s25, $0xb8;
	[tilespmem:$0x1F000] =	vst v63  }
0x15: {  	_ =	swait.ge [sflag:s28], $0x3E80  }
0x16: {  	[sflag:s28] =	ssyncset.done $0x0  }
0x17: {  	s0 =	sadd.s32 $0x2800, s0;
	[sflag:s28] =	ssyncadd.s32 $0xFFFFC180  }
0x18: {  	[spmem:s1] =	stream.indirect.scatter.add.f32 [tilespmem:s26], [sflag:$0x2], $0x80, s0, s25, $0xb8;
	[tilespmem:$0x1F000] =	vst v63  }
0x19: {  	_ =	swait.ge [sflag:s23], $0x3E80  }
0x1a: {  	[sflag:s23] =	ssyncset.done $0x0  }
0x1b: {  	[sflag:s23] =	ssyncadd.s32 $0xFFFFC180  }
.LBB2_14:
0x1c: {  	s3 =	sadd.s32 $0x1, s3  }
0x1d: {  	s0 =	sshll.u32 s2, $0x6;
	[bflag:$0x0] =	sbarrier.arrive $0xFFFF;
	p1 =	sne.s32 s3, s21  }
.Ltmp1:
0x1e: {  	s29 =	sshrl.u32 s6, $0x3;
	s0 =	sor.u32 $0x1C02, s0;
	(pc) =	sbr.rel @!p1 .LBB2_15-.Ltmp1, $4  }
0x1f: {  	[hbm:s20], [sflag:s0] =	dma.local [spmem:s29], $0x2800  }
0x20: {  	_ =	swait.ge [sflag:s23], $0x2800  }
0x21: {  	[sflag:s23] =	ssyncset.done $0x0  }
0x22: {  	[sflag:s23] =	ssyncadd.s32 $0xFFFFD800  }
.LBB2_1:
0x23: {  	s29 =	simm.s32 $0x0;
	s30 =	simm.s32 $0x200  }
.LBB2_2:
0x24: {  	p1 =	sne.s32 s30, $0x7E00;
	[tilespmem:s29+$0x9070] =	vst v0  }
0x25: {  	[tilespmem:s29+$0x9000] =	vst v0  }
0x26: {  	[tilespmem:s29+$0x9010] =	vst v0  }
.Ltmp2:
0x27: {  	[tilespmem:s29+$0x9020] =	vst v0;
	(pc) =	sbr.rel @p1 .LBB2_2-.Ltmp2, $4  }
0x28: {  	[tilespmem:s29+$0x9030] =	vst v0  }
0x29: {  	[tilespmem:s29+$0x9040] =	vst v0  }
0x2a: {  	[tilespmem:s29+$0x9050] =	vst v0  }
0x2b: {  	[tilespmem:s29+$0x9060] =	vst v0;
	s29 =	sshra.s32 s30, $0x2;
	s30 =	sadd.s32 $0x200, s30  }
0x2c: {  	[tilespmem:s29+$0x9070] =	vst v0  }
0x2d: {  	[tilespmem:s29+$0x9000] =	vst v0  }
0x2e: {  	[tilespmem:s29+$0x9010] =	vst v0  }
0x2f: {  	[tilespmem:s29+$0x9020] =	vst v0  }
0x30: {  	[tilespmem:s29+$0x9030] =	vst v0  }
0x31: {  	[tilespmem:s29+$0x9040] =	vst v0  }
0x32: {  	[tilespmem:s29+$0x9050] =	vst v0  }
0x33: {  	[tilespmem:s29+$0x9060] =	vst v0  }
0x34: {  	[spmem:s6] =	stream.linear.scatter [tilespmem:s22], [sflag:$0x2], $0x2000, $0x38;
	[tilespmem:$0x1F000] =	vst v63  }
0x35: {  	_ =	swait.ge [sflag:s23], $0x2000  }
0x36: {  	[sflag:s23] =	ssyncset.done $0x0  }
0x37: {  	[sflag:s23] =	ssyncadd.s32 $0xFFFFE000  }
0x38: {  	[spmem:s7] =	stream.linear.scatter [tilespmem:s22], [sflag:$0x2], $0x2000, $0x38;
	[tilespmem:$0x1F000] =	vst v63  }
0x39: {  	_ =	swait.ge [sflag:s23], $0x2000  }
0x3a: {  	[sflag:s23] =	ssyncset.done $0x0  }
0x3b: {  	[sflag:s23] =	ssyncadd.s32 $0xFFFFE000  }
0x3c: {  	[spmem:s8] =	stream.linear.scatter [tilespmem:s22], [sflag:$0x2], $0x2000, $0x38;
	[tilespmem:$0x1F000] =	vst v63  }
0x3d: {  	_ =	swait.ge [sflag:s23], $0x2000  }
0x3e: {  	[sflag:s23] =	ssyncset.done $0x0  }
0x3f: {  	[sflag:s23] =	ssyncadd.s32 $0xFFFFE000  }
0x40: {  	[spmem:s9] =	stream.linear.scatter [tilespmem:s22], [sflag:$0x2], $0x2000, $0x38;
	[tilespmem:$0x1F000] =	vst v63  }
0x41: {  	_ =	swait.ge [sflag:s23], $0x2000  }
0x42: {  	[sflag:s23] =	ssyncset.done $0x0  }
0x43: {  	[sflag:s23] =	ssyncadd.s32 $0xFFFFE000  }
0x44: {  	[spmem:s10] =	stream.linear.scatter [tilespmem:s22], [sflag:$0x2], $0x2000, $0x38;
	[tilespmem:$0x1F000] =	vst v63  }
0x45: {  	_ =	swait.ge [sflag:s23], $0x2000  }
0x46: {  	[sflag:s23] =	ssyncset.done $0x0  }
0x47: {  	[sflag:s23] =	ssyncadd.s32 $0xFFFFE000  }
0x48: {  	[spmem:s11] =	stream.linear.scatter [tilespmem:s22], [sflag:$0x2], $0x2000, $0x38;
	[tilespmem:$0x1F000] =	vst v63  }
0x49: {  	_ =	swait.ge [sflag:s23], $0x2000  }
0x4a: {  	[sflag:s23] =	ssyncset.done $0x0  }
0x4b: {  	[sflag:s23] =	ssyncadd.s32 $0xFFFFE000  }
0x4c: {  	[spmem:s12] =	stream.linear.scatter [tilespmem:s22], [sflag:$0x2], $0x2000, $0x38;
	[tilespmem:$0x1F000] =	vst v63  }
0x4d: {  	_ =	swait.ge [sflag:s23], $0x2000  }
0x4e: {  	[sflag:s23] =	ssyncset.done $0x0  }
0x4f: {  	[sflag:s23] =	ssyncadd.s32 $0xFFFFE000  }
0x50: {  	[spmem:s13] =	stream.linear.scatter [tilespmem:s22], [sflag:$0x2], $0x2000, $0x38;
	[tilespmem:$0x1F000] =	vst v63  }
0x51: {  	_ =	swait.ge [sflag:s23], $0x2000  }
0x52: {  	[sflag:s23] =	ssyncset.done $0x0  }
0x53: {  	[sflag:s23] =	ssyncadd.s32 $0xFFFFE000  }
0x54: {  	[spmem:s14] =	stream.linear.scatter [tilespmem:s22], [sflag:$0x2], $0x2000, $0x38;
	[tilespmem:$0x1F000] =	vst v63  }
0x55: {  	_ =	swait.ge [sflag:s23], $0x2000  }
0x56: {  	[sflag:s23] =	ssyncset.done $0x0  }
0x57: {  	[sflag:s23] =	ssyncadd.s32 $0xFFFFE000  }
0x58: {  	[spmem:s15] =	stream.linear.scatter [tilespmem:s22], [sflag:$0x2], $0x2000, $0x38;
	[tilespmem:$0x1F000] =	vst v63  }
0x59: {  	_ =	swait.ge [sflag:s23], $0x2000  }
0x5a: {  	[sflag:s23] =	ssyncset.done $0x0  }
0x5b: {  	[sflag:s23] =	ssyncadd.s32 $0xFFFFE000  }
0x5c: {  	s31 =	simm.s32 $0x0;
	[bflag:$0x0] =	sbarrier.arrive $0xFFFF  }
0x5d: {  	[tilespmem:s31], [sflag:$0x2] =	stream.linear.gather [hbm4b:s16+s31], $0x2800, $0x38;
	[tilespmem:$0x1F000] =	vst v63  }
0x5e: {  	_ =	swait.ge [sflag:s23], $0x2800  }
0x5f: {  	[sflag:s23] =	ssyncset.done $0x0  }
.Ltmp3:
0x60: {  	[sflag:s23] =	ssyncadd.s32 $0xFFFFD800;
	(pc) =	sbr.rel @!p0 .LBB2_4-.Ltmp3, $4  }
0x61: {  	[tilespmem:s24], [sflag:$0x2] =	stream.linear.gather [hbm4b:s17+s31], $0x2800, $0x38;
	[tilespmem:$0x1F000] =	vst v63  }
0x62: {  	_ =	swait.ge [sflag:s23], $0x2800  }
0x63: {  	[sflag:s23] =	ssyncset.done $0x0  }
0x64: {  	[sflag:s23] =	ssyncadd.s32 $0xFFFFD800  }
0x65: {  	s0 =	simm.s32 $0x0  }
0x66: {  	[tilespmem:s26], [sflag:$0x1] =	stream.indirect.gather [hbm4b:s5+s25], $0x80, s0, s25, $0xb8;
	[tilespmem:$0x1F000] =	vst v63  }
0x67: {  	_ =	swait.ge [sflag:s28], $0x3E80  }
0x68: {  	[sflag:s28] =	ssyncset.done $0x0  }
0x69: {  	s31 =	simm.s32 $0x2800;
	[sflag:s28] =	ssyncadd.s32 $0xFFFFC180  }
0x6a: {  	[spmem:s1] =	stream.indirect.scatter.add.f32 [tilespmem:s26], [sflag:$0x2], $0x80, s31, s25, $0xb8;
	[tilespmem:$0x1F000] =	vst v63  }
0x6b: {  	_ =	swait.ge [sflag:s23], $0x3E80  }
0x6c: {  	s29 =	simm.s32 $0x200;
	s30 =	simm.s32 $0x400;
	[sflag:s23] =	ssyncset.done $0x0  }
.LBB2_10:
0x6d: {  	s0 =	sshra.s32 s29, $0x2  }
0x6e: {  	[sflag:s23] =	ssyncadd.s32 $0xFFFFC180;
	s29 =	smov.u32 s30;
	s31 =	sadd.s32 $0x200, s30  }
0x6f: {  	[tilespmem:s26], [sflag:$0x1] =	stream.indirect.gather [hbm4b:s5+s25], $0x80, s0, s25, $0xb8;
	[tilespmem:$0x1F000] =	vst v63  }
0x70: {  	p1 =	sne.s32 s30, $0x9E00;
	_ =	swait.ge [sflag:s28], $0x3E80  }
.Ltmp4:
0x71: {  	[sflag:s28] =	ssyncset.done $0x0;
	(pc) =	sbr.rel @p1 .LBB2_10-.Ltmp4, $4  }
0x72: {  	s0 =	sadd.s32 $0x2800, s0;
	[sflag:s28] =	ssyncadd.s32 $0xFFFFC180  }
0x73: {  	[spmem:s1] =	stream.indirect.scatter.add.f32 [tilespmem:s26], [sflag:$0x2], $0x80, s0, s25, $0xb8;
	[tilespmem:$0x1F000] =	vst v63  }
0x74: {  	_ =	swait.ge [sflag:s23], $0x3E80  }
0x75: {  	s30 =	smov.u32 s31;
	[sflag:s23] =	ssyncset.done $0x0  }
0x76: {  	s0 =	sshra.s32 s29, $0x2;
	[sflag:s23] =	ssyncadd.s32 $0xFFFFC180  }
0x77: {  	[tilespmem:s26], [sflag:$0x1] =	stream.indirect.gather [hbm4b:s5+s25], $0x80, s0, s25, $0xb8;
	[tilespmem:$0x1F000] =	vst v63  }
0x78: {  	_ =	swait.ge [sflag:s28], $0x3E80  }
0x79: {  	[sflag:s28] =	ssyncset.done $0x0  }
0x7a: {  	s0 =	sadd.s32 $0x2800, s0;
	[sflag:s28] =	ssyncadd.s32 $0xFFFFC180  }
0x7b: {  	[spmem:s1] =	stream.indirect.scatter.add.f32 [tilespmem:s26], [sflag:$0x2], $0x80, s0, s25, $0xb8;
	[tilespmem:$0x1F000] =	vst v63  }
0x7c: {  	_ =	swait.ge [sflag:s23], $0x3E80  }
0x7d: {  	[sflag:s23] =	ssyncset.done $0x0  }
0x7e: {  	s31 =	simm.s32 $0x0;
	[sflag:s23] =	ssyncadd.s32 $0xFFFFC180  }
0x7f: {  	[tilespmem:s31], [sflag:$0x2] =	stream.linear.gather [hbm4b:s18+s31], $0x2800, $0x38;
	[tilespmem:$0x1F000] =	vst v63  }
0x80: {  	_ =	swait.ge [sflag:s23], $0x2800  }
0x81: {  	[sflag:s23] =	ssyncset.done $0x0  }
0x82: {  	[sflag:s23] =	ssyncadd.s32 $0xFFFFD800  }
0x83: {  	[tilespmem:s24], [sflag:$0x2] =	stream.linear.gather [hbm4b:s19+s31], $0x2800, $0x38;
	[tilespmem:$0x1F000] =	vst v63  }
0x84: {  	_ =	swait.ge [sflag:s23], $0x2800  }
0x85: {  	[sflag:s23] =	ssyncset.done $0x0  }
0x86: {  	s31 =	simm.s32 $0x0;
	[sflag:s23] =	ssyncadd.s32 $0xFFFFD800  }
0x87: {  	[tilespmem:s26], [sflag:$0x1] =	stream.indirect.gather [hbm4b:s5+s25], $0x80, s31, s25, $0xb8;
	[tilespmem:$0x1F000] =	vst v63  }
0x88: {  	_ =	swait.ge [sflag:s28], $0x3E80  }
0x89: {  	[sflag:s28] =	ssyncset.done $0x0  }
0x8a: {  	s31 =	simm.s32 $0x2800;
	[sflag:s28] =	ssyncadd.s32 $0xFFFFC180  }
0x8b: {  	[spmem:s1] =	stream.indirect.scatter.add.f32 [tilespmem:s26], [sflag:$0x2], $0x80, s31, s25, $0xb8;
	[tilespmem:$0x1F000] =	vst v63  }
0x8c: {  	_ =	swait.ge [sflag:s23], $0x3E80  }
0x8d: {  	s29 =	simm.s32 $0x200;
	s30 =	simm.s32 $0x400;
	[sflag:s23] =	ssyncset.done $0x0  }
.LBB2_12:
0x8e: {  	s0 =	sshra.s32 s29, $0x2  }
0x8f: {  	[sflag:s23] =	ssyncadd.s32 $0xFFFFC180;
	s29 =	smov.u32 s30;
	s31 =	sadd.s32 $0x200, s30  }
0x90: {  	[tilespmem:s26], [sflag:$0x1] =	stream.indirect.gather [hbm4b:s5+s25], $0x80, s0, s25, $0xb8;
	[tilespmem:$0x1F000] =	vst v63  }
0x91: {  	p1 =	sne.s32 s30, $0x9E00;
	_ =	swait.ge [sflag:s28], $0x3E80  }
.Ltmp5:
0x92: {  	[sflag:s28] =	ssyncset.done $0x0;
	(pc) =	sbr.rel @p1 .LBB2_12-.Ltmp5, $4  }
0x93: {  	s0 =	sadd.s32 $0x2800, s0;
	[sflag:s28] =	ssyncadd.s32 $0xFFFFC180  }
0x94: {  	[spmem:s1] =	stream.indirect.scatter.add.f32 [tilespmem:s26], [sflag:$0x2], $0x80, s0, s25, $0xb8;
	[tilespmem:$0x1F000] =	vst v63  }
0x95: {  	_ =	swait.ge [sflag:s23], $0x3E80  }
0x96: {  	s30 =	smov.u32 s31;
	[sflag:s23] =	ssyncset.done $0x0  }
0x97: {  	s0 =	sshra.s32 s29, $0x2;
	[sflag:s23] =	ssyncadd.s32 $0xFFFFC180  }
0x98: {  	[tilespmem:s26], [sflag:$0x1] =	stream.indirect.gather [hbm4b:s5+s25], $0x80, s0, s25, $0xb8;
	[tilespmem:$0x1F000] =	vst v63  }
0x99: {  	_ =	swait.ge [sflag:s28], $0x3E80  }
0x9a: {  	[sflag:s28] =	ssyncset.done $0x0  }
.Ltmp6:
0x9b: {  	s0 =	sadd.s32 $0x2800, s0;
	[sflag:s28] =	ssyncadd.s32 $0xFFFFC180;
	(pc) =	sbr.rel .LBB2_14-.Ltmp6, $4  }
0x9c: {  	[spmem:s1] =	stream.indirect.scatter.add.f32 [tilespmem:s26], [sflag:$0x2], $0x80, s0, s25, $0xb8;
	[tilespmem:$0x1F000] =	vst v63  }
0x9d: {  	_ =	swait.ge [sflag:s23], $0x3E80  }
0x9e: {  	[sflag:s23] =	ssyncset.done $0x0  }
0x9f: {  	[sflag:s23] =	ssyncadd.s32 $0xFFFFC180  }
.LBB2_4:
0xa0: {  	s29 =	simm.s32 $0x0  }
0xa1: {  	[tilespmem:s26], [sflag:$0x1] =	stream.indirect.gather [hbm4b:s4+s25], $0x80, s29, s25, $0xb8;
	[tilespmem:$0x1F000] =	vst v63  }
0xa2: {  	_ =	swait.ge [sflag:s28], $0x3E80  }
0xa3: {  	[sflag:s28] =	ssyncset.done $0x0  }
0xa4: {  	s29 =	simm.s32 $0x2800;
	[sflag:s28] =	ssyncadd.s32 $0xFFFFC180  }
0xa5: {  	[spmem:s1] =	stream.indirect.scatter.add.f32 [tilespmem:s26], [sflag:$0x2], $0x80, s29, s25, $0xb8;
	[tilespmem:$0x1F000] =	vst v63  }
0xa6: {  	_ =	swait.ge [sflag:s23], $0x3E80  }
0xa7: {  	s30 =	simm.s32 $0x400;
	s29 =	simm.s32 $0x200;
	[sflag:s23] =	ssyncset.done $0x0  }
.LBB2_5:
0xa8: {  	s31 =	sshra.s32 s29, $0x2  }
0xa9: {  	[sflag:s23] =	ssyncadd.s32 $0xFFFFC180;
	s29 =	smov.u32 s30;
	s0 =	sadd.s32 $0x200, s30  }
0xaa: {  	[tilespmem:s26], [sflag:$0x1] =	stream.indirect.gather [hbm4b:s4+s25], $0x80, s31, s25, $0xb8;
	[tilespmem:$0x1F000] =	vst v63  }
0xab: {  	p1 =	sne.s32 s30, $0x9E00;
	_ =	swait.ge [sflag:s28], $0x3E80  }
.Ltmp7:
0xac: {  	[sflag:s28] =	ssyncset.done $0x0;
	(pc) =	sbr.rel @p1 .LBB2_5-.Ltmp7, $4  }
0xad: {  	s30 =	sadd.s32 $0x2800, s31;
	[sflag:s28] =	ssyncadd.s32 $0xFFFFC180  }
0xae: {  	[spmem:s1] =	stream.indirect.scatter.add.f32 [tilespmem:s26], [sflag:$0x2], $0x80, s30, s25, $0xb8;
	[tilespmem:$0x1F000] =	vst v63  }
0xaf: {  	_ =	swait.ge [sflag:s23], $0x3E80  }
0xb0: {  	s30 =	smov.u32 s0;
	[sflag:s23] =	ssyncset.done $0x0  }
0xb1: {  	s0 =	sshra.s32 s29, $0x2;
	[sflag:s23] =	ssyncadd.s32 $0xFFFFC180  }
0xb2: {  	[tilespmem:s26], [sflag:$0x1] =	stream.indirect.gather [hbm4b:s4+s25], $0x80, s0, s25, $0xb8;
	[tilespmem:$0x1F000] =	vst v63  }
0xb3: {  	_ =	swait.ge [sflag:s28], $0x3E80  }
0xb4: {  	[sflag:s28] =	ssyncset.done $0x0  }
0xb5: {  	s0 =	sadd.s32 $0x2800, s0;
	[sflag:s28] =	ssyncadd.s32 $0xFFFFC180  }
0xb6: {  	[spmem:s1] =	stream.indirect.scatter.add.f32 [tilespmem:s26], [sflag:$0x2], $0x80, s0, s25, $0xb8;
	[tilespmem:$0x1F000] =	vst v63  }
0xb7: {  	_ =	swait.ge [sflag:s23], $0x3E80  }
0xb8: {  	[sflag:s23] =	ssyncset.done $0x0  }
0xb9: {  	s31 =	simm.s32 $0x0;
	[sflag:s23] =	ssyncadd.s32 $0xFFFFC180  }
0xba: {  	[tilespmem:s31], [sflag:$0x2] =	stream.linear.gather [hbm4b:s18+s31], $0x2800, $0x38;
	[tilespmem:$0x1F000] =	vst v63  }
0xbb: {  	_ =	swait.ge [sflag:s23], $0x2800  }
0xbc: {  	[sflag:s23] =	ssyncset.done $0x0  }
0xbd: {  	[sflag:s23] =	ssyncadd.s32 $0xFFFFD800  }
0xbe: {  	[tilespmem:s24], [sflag:$0x2] =	stream.linear.gather [hbm4b:s19+s31], $0x2800, $0x38;
	[tilespmem:$0x1F000] =	vst v63  }
0xbf: {  	_ =	swait.ge [sflag:s23], $0x2800  }
0xc0: {  	[sflag:s23] =	ssyncset.done $0x0  }
0xc1: {  	s31 =	simm.s32 $0x0;
	[sflag:s23] =	ssyncadd.s32 $0xFFFFD800  }
0xc2: {  	[tilespmem:s26], [sflag:$0x1] =	stream.indirect.gather [hbm4b:s4+s25], $0x80, s31, s25, $0xb8;
	[tilespmem:$0x1F000] =	vst v63  }
0xc3: {  	_ =	swait.ge [sflag:s28], $0x3E80  }
0xc4: {  	[sflag:s28] =	ssyncset.done $0x0  }
0xc5: {  	s31 =	simm.s32 $0x2800;
	[sflag:s28] =	ssyncadd.s32 $0xFFFFC180  }
0xc6: {  	[spmem:s1] =	stream.indirect.scatter.add.f32 [tilespmem:s26], [sflag:$0x2], $0x80, s31, s25, $0xb8;
	[tilespmem:$0x1F000] =	vst v63  }
0xc7: {  	_ =	swait.ge [sflag:s23], $0x3E80  }
0xc8: {  	s29 =	simm.s32 $0x200;
	s30 =	simm.s32 $0x400;
	[sflag:s23] =	ssyncset.done $0x0  }
.LBB2_7:
0xc9: {  	s0 =	sshra.s32 s29, $0x2  }
0xca: {  	[sflag:s23] =	ssyncadd.s32 $0xFFFFC180;
	s29 =	smov.u32 s30;
	s31 =	sadd.s32 $0x200, s30  }
0xcb: {  	[tilespmem:s26], [sflag:$0x1] =	stream.indirect.gather [hbm4b:s4+s25], $0x80, s0, s25, $0xb8;
	[tilespmem:$0x1F000] =	vst v63  }
0xcc: {  	p1 =	seq.s32 s30, $0x9E00;
	_ =	swait.ge [sflag:s28], $0x3E80  }
.Ltmp8:
0xcd: {  	[sflag:s28] =	ssyncset.done $0x0;
	(pc) =	sbr.rel @!p1 .LBB2_7-.Ltmp8, $4  }
0xce: {  	s0 =	sadd.s32 $0x2800, s0;
	[sflag:s28] =	ssyncadd.s32 $0xFFFFC180  }
0xcf: {  	[spmem:s1] =	stream.indirect.scatter.add.f32 [tilespmem:s26], [sflag:$0x2], $0x80, s0, s25, $0xb8;
	[tilespmem:$0x1F000] =	vst v63  }
0xd0: {  	_ =	swait.ge [sflag:s23], $0x3E80  }
0xd1: {  	s30 =	smov.u32 s31;
	[sflag:s23] =	ssyncset.done $0x0  }
.Ltmp9:
0xd2: {  	_ = 	snop;
	(pc) =	sbr.rel .LBB2_8-.Ltmp9, $1  }
0xd3: {  	_ =	sdelay $0x3  }
.LBB2_15:
0xd4: {  	_ =	sfence.sel $0x180000  }
0xd5: {  	[bflag:$0x0] =	sbarrier.arrive $0xFFFF  }
0xd6: {  	_ =	strace $0x9000004D  }
0xd7: {  	[bflag:$0x2] =	sbarrier.arrive $0xFFFF  }
0xd8: {  	p0 =	sne.s32 s2, $0x0;
	s0 =	rddreg [dreg:$0x2]  }
0xd9: {  	s0 =	sadd.s32 @!p0 $0x100000, s0  }
0xda: {  	[sflag:s0] =	ssyncadd.tile.s32 @!p0 $0x1;
	_ =	shalt  }
.Lfunc_end2:
_tile_overlayer_lowered:
.L_overlay_start_2:
0xdb: {  	(tag) =	ssettag $0x2  }
0xdc: {  	s0 =	rddreg [dreg:$0x0];
	s2 =	stileid.u32  }
0xdd: {  	s1 =	rddreg [dreg:$0x1];
	p0 =	sne.s32 s2, $0x0  }
0xde: {  	s3 =	rddreg [dreg:$0x2];
	[bflag:$0x3] =	sbarrier.arrive $0xFFFF;
	s2 =	simm.s32 @!p0 $0x1C02  }
0xdf: {  	[timem:s3], [sflag:s2] =	dma.local @!p0 [hbm:s0], s1  }
0xe0: {  	s0 =	simm.s32 @!p0 $0x2  }
0xe1: {  	_ =	swait.ge @!p0 [sflag:s0], s1  }
0xe2: {  	s1 =	ssub.s32 @!p0 $0x0, s1;
	[sflag:s0] =	ssyncset.done @!p0 $0x0  }
0xe3: {  	[sflag:s0] =	ssyncadd.s32 @!p0 s1  }
0xe4: {  	[bflag:$0x3] =	sbarrier.arrive $0xFFFF  }
0xe5: {  	_ =	shalt  }

// kernel: kernel.8.cloned.1.call-start
scs
__scs_entry_jumppad:
0x0: {  	(pc) =	sbr.rel $0x88, $3  }
0x1: {  	(tag) =	ssettag $0x0;
	lr =	simm.s32 $0x1  }
0x2: {  	[smem:$0x3F97] =	sst lr;
	_ =	strace $0xD0000000  }
0x3: {  	_ = 	snop  }
0x4: {  	_ = 	snop  }
0x5: {  	_ = 	snop  }
0x6: {  	_ = 	snop  }
0x7: {  	_ = 	snop  }
__scs_overlays_trampoline_lowered:
0x8: {  	[smem:$0x3FA6] =	sst s0  }
0x9: {  	[smem:$0x3FA7] =	sst s1  }
0xa: {  	[smem:$0x3FA8] =	sst s2  }
0xb: {  	[smem:$0x3FA9] =	sst s3  }
0xc: {  	[smem:$0x3FAA] =	sst s4  }
0xd: {  	[smem:$0x3FAB] =	sst s5  }
0xe: {  	[smem:$0x3FAC] =	sst s6  }
0xf: {  	[smem:$0x3FAD] =	sst s7  }
0x10: {  	[smem:$0x3FAE] =	sst s8  }
0x11: {  	[smem:$0x3FAF] =	sst s9;
	s0 =	simm.s32 @!p0 $0x0  }
0x12: {  	s1 =	sld [smem:$0x3F95];
	s0 =	simm.s32 @p0 $0x1  }
0x13: {  	[smem:$0x3FB0] =	sst s0;
	s0 =	simm.s32 @!p1 $0x0  }
0x14: {  	s2 =	sld [smem:$0x3F94];
	s0 =	simm.s32 @p1 $0x1  }
0x15: {  	[smem:$0x3FB1] =	sst s0;
	s0 =	simm.s32 @!p2 $0x0  }
0x16: {  	s3 =	sld [smem:$0x3FDB];
	s0 =	simm.s32 @p2 $0x1  }
0x17: {  	s4 =	simm.s32 $0x1BF5;
	[smem:$0x3FB3] =	sst s0  }
0x18: {  	s0 =	sld [smem:$0x3F96];
	_ =	swait.ge [sflag:s4], $0x0  }
0x19: {  	s7 =	sld [smem:$0x3F97]  }
0x1a: {  	s8 =	sadd.s32 $0xFFFFE003, lr  }
0x1b: {  	s9 =	sadd.s32 $0xFFFFFEF7, lr;
	s5 =	simm.s32 $0xFFFFFFFF;
	p2 =	slt.u32 s8, $0xFFFFF086  }
0x1c: {  	p1 =	slt.u32 s9, $0xF7A;
	s5 =	simm.s32 @!p2 $0x0  }
0x1d: {  	s5 =	simm.s32 @p1 $0x1;
	p0 =	seq.s32 s7, s2  }
0x1e: {  	s7 =	smul.u32 @!p0 $0xF7A, s2;
	p2 =	seq.s32 @!p0 s5, $0x0  }
0x1f: {  	s9 =	smul.u32 $0xF7A, s1;
	s8 =	simm.s32 @!p0 $0x1BF5;
	p2 =	por !p2, p0  }
0x20: {  	[sflag:s8] =	ssyncset.s32 @!p0 $0xFFFFF086;
	s6 =	sadd.s32 @!p0 s3, s7;
	s7 =	simm.s32 @!p0 $0x108  }
0x21: {  	s3 =	sadd.s32 s3, s9;
	s6 =	sadd.s32 @!p0 $0x88, s6;
	s7 =	simm.s32 @p2 $0x1082  }
0x22: {  	[simem:s7], [sflag:s8] =	dma.local @!p0 [hbm:s6], $0xF7A  }
0x23: {  	s9 =	sor.u32 $0xD0000000, s2;
	s6 =	simm.s32 $0x108;
	_ =	swait.ge @!p0 [sflag:s8], $0x0  }
0x24: {  	s3 =	sadd.s32 $0x88, s3;
	s6 =	simm.s32 @!p1 $0x1082;
	[sflag:s4] =	ssyncset.s32 $0xFFFFF086  }
0x25: {  	[simem:s6], [sflag:s4] =	dma.local [hbm:s3], $0xF7A  }
0x26: {  	[smem:$0x3F97] =	sst s1;
	(tag) =	ssettag s2;
	_ =	strace s9  }
0x27: {  	s1 =	sld [smem:$0x3FA7]  }
0x28: {  	s2 =	sld [smem:$0x3FA8]  }
0x29: {  	s4 =	sld [smem:$0x3FAA]  }
0x2a: {  	p0 =	seq.s32 s5, $0x0;
	s5 =	sld [smem:$0x3FAB]  }
0x2b: {  	s6 =	sld [smem:$0x3FAC]  }
0x2c: {  	s7 =	sld [smem:$0x3FAD]  }
0x2d: {  	s3 =	simm.s32 $0x108;
	s8 =	sld [smem:$0x3FAE]  }
0x2e: {  	s3 =	simm.s32 @!p0 $0x1082;
	s9 =	sld [smem:$0x3FAF]  }
0x2f: {  	lr =	sadd.s32 s0, s3;
	s0 =	sld [smem:$0x3FA6]  }
0x30: {  	s3 =	sld [smem:$0x3FA9]  }
0x31: {  	[smem:$0x3FB2] =	sst s10  }
0x32: {  	s10 =	sld [smem:$0x3FB0];
	_ =	sdelay $0x3  }
0x33: {  	p0 =	seq.s32 s10, $0x1;
	s10 =	sld [smem:$0x3FB2];
	_ =	sdelay $0x3  }
0x34: {  	[smem:$0x3FB2] =	sst s10  }
0x35: {  	s10 =	sld [smem:$0x3FB1];
	_ =	sdelay $0x3  }
0x36: {  	p1 =	seq.s32 s10, $0x1;
	s10 =	sld [smem:$0x3FB2];
	_ =	sdelay $0x3  }
0x37: {  	[smem:$0x3FB2] =	sst s10  }
0x38: {  	s10 =	sld [smem:$0x3FB3]  }
0x39: {  	_ = 	snop;
	(pc) =	sbr.ind lr, $3  }
0x3a: {  	_ = 	snop  }
0x3b: {  	_ = 	snop  }
0x3c: {  	p2 =	seq.s32 s10, $0x1;
	s10 =	sld [smem:$0x3FB2]  }
0x3d: {  	_ =	shalt  }
0x3e: {  	_ =	shalt  }
0x3f: {  	_ =	shalt  }
0x40: {  	_ =	shalt  }
0x41: {  	_ =	shalt  }
0x42: {  	_ =	shalt  }
0x43: {  	_ =	shalt  }
0x44: {  	_ =	shalt  }
0x45: {  	_ =	shalt  }
0x46: {  	_ =	shalt  }
0x47: {  	_ =	shalt  }
0x48: {  	_ =	shalt  }
0x49: {  	_ =	shalt  }
0x4a: {  	_ =	shalt  }
0x4b: {  	_ =	shalt  }
0x4c: {  	_ =	shalt  }
0x4d: {  	_ =	shalt  }
0x4e: {  	_ =	shalt  }
0x4f: {  	_ =	shalt  }
0x50: {  	_ =	shalt  }
0x51: {  	_ =	shalt  }
0x52: {  	_ =	shalt  }
0x53: {  	_ =	shalt  }
0x54: {  	_ =	shalt  }
0x55: {  	_ =	shalt  }
0x56: {  	_ =	shalt  }
0x57: {  	_ =	shalt  }
0x58: {  	_ =	shalt  }
0x59: {  	_ =	shalt  }
0x5a: {  	_ =	shalt  }
0x5b: {  	_ =	shalt  }
0x5c: {  	_ =	shalt  }
0x5d: {  	_ =	shalt  }
0x5e: {  	_ =	shalt  }
0x5f: {  	_ =	shalt  }
0x60: {  	_ =	shalt  }
0x61: {  	_ =	shalt  }
0x62: {  	_ =	shalt  }
0x63: {  	_ =	shalt  }
0x64: {  	_ =	shalt  }
0x65: {  	_ =	shalt  }
0x66: {  	_ =	shalt  }
0x67: {  	_ =	shalt  }
0x68: {  	_ =	shalt  }
0x69: {  	_ =	shalt  }
0x6a: {  	_ =	shalt  }
0x6b: {  	_ =	shalt  }
0x6c: {  	_ =	shalt  }
0x6d: {  	_ =	shalt  }
0x6e: {  	_ =	shalt  }
0x6f: {  	_ =	shalt  }
0x70: {  	_ =	shalt  }
0x71: {  	_ =	shalt  }
0x72: {  	_ =	shalt  }
0x73: {  	_ =	shalt  }
0x74: {  	_ =	shalt  }
0x75: {  	_ =	shalt  }
0x76: {  	_ =	shalt  }
0x77: {  	_ =	shalt  }
0x78: {  	_ =	shalt  }
0x79: {  	_ =	shalt  }
0x7a: {  	_ =	shalt  }
0x7b: {  	_ =	shalt  }
0x7c: {  	_ =	shalt  }
0x7d: {  	_ =	shalt  }
0x7e: {  	_ =	shalt  }
0x7f: {  	_ =	shalt  }
0x80: {  	_ =	shalt  }
0x81: {  	_ =	shalt  }
0x82: {  	_ =	shalt  }
0x83: {  	_ =	shalt  }
0x84: {  	_ =	shalt  }
0x85: {  	_ =	shalt  }
0x86: {  	_ =	shalt  }
0x87: {  	_ =	shalt  }
.Lfunc_end0:
.L_simem_size_0:
called_computation_lowered:
.L_overlay_start_0:
0x88: {  	s2 =	sld [smem:$0x3FD9]  }
0x89: {  	s3 =	sld [smem:$0x3FFE];
	_ =	sdelay $0x1  }
0x8a: {  	s1 =	srdreg.scid  }
0x8b: {  	s0 =	sand.u32 $0x1, s1  }
0x8c: {  	s16 =	sshll.u32 s0, $0xA;
	s2 =	sadd.s32 s3, s2  }
0x8d: {  	s2 =	sadd.s32 s2, s16  }
0x8e: {  	[smem:$0x3FBE] =	sst s2  }
0x8f: {  	_ = 	snop  }
0x90: {  	(tm) =	ssettm $0x1  }
0x91: {  	s17 =	sld [smem:$0x3FFB];
	_ =	sdelay $0x3  }
0x92: {  	_ =	strace s17  }
0x93: {  	s2 =	sld [smem:$0x3FFC];
	_ =	sdelay $0x3  }
0x94: {  	_ =	strace s2  }
0x95: {  	s2 =	sld [smem:$0x3FFD];
	_ =	sdelay $0x3  }
0x96: {  	_ =	strace s2  }
0x97: {  	_ =	strace $0x8FFFFFFF  }
0x98: {  	s18 =	sld [smem:$0x3FDB];
	_ =	sdelay $0x1  }
0x99: {  	s19 =	simm.s32 $_scs_section_size  }
0x9a: {  	s4 =	simm.s32 $_size__tile_overlayer_lowered;
	s5 =	simm.s32 $_tile_overlayer_lowered  }
0x9b: {  	s22 =	simm.s32 $0x1BFF;
	s21 =	sshll.u32 s5, $0x1;
	s2 =	sadd.s32 s19, s18  }
0x9c: {  	s6 =	simm.s32 $0x0;
	s20 =	sshll.u32 s4, $0x1;
	s4 =	sadd.s32 s21, s2  }
0x9d: {  	[timem:s6], [sflag:s22] =	dma.local [hbm:s4], s20  }
0x9e: {  	_ =	swait.ge [sflag:s22], s20  }
0x9f: {  	s3 =	ssub.s32 $0x0, s20;
	[sflag:s22] =	ssyncset.done $0x0  }
0xa0: {  	[sflag:s22] =	ssyncadd.s32 s3;
	_ =	sdelay $0x1  }
0xa1: {  	s23 =	simm.s32 $0x1B8B  }
0xa2: {  	_ =	swait.ge [sflag:s23], $0x1  }
0xa3: {  	[sflag:s23] =	ssyncset.done $0x0  }
0xa4: {  	s25 =	simm.s32 $0x1B8E;
	s24 =	sld [smem:$0x3FFE];
	[sflag:s23] =	ssyncadd.s32 $0xFFFFFFFF  }
0xa5: {  	s26 =	simm.s32 $execute0_lowered;
	[smem:$0x3FD2] =	sst s25  }
0xa6: {  	s4 =	sshll.u32 s26, $0x1;
	_ =	strace $0x80000046;
	[dreg:$0x1] =	wrdreg $0xFFFFFFFF  }
0xa7: {  	s28 =	simm.s32 $_size_execute0_lowered;
	s2 =	sadd.s32 s2, s4;
	[dreg:$0x0] =	wrdreg $0x0  }
0xa8: {  	s4 =	sshll.u32 s28, $0x1;
	[dreg:$0x2] =	wrdreg s2  }
0xa9: {  	[dreg:$0x3] =	wrdreg s4  }
0xaa: {  	[dreg:$0x4] =	wrdreg $0xC0  }
0xab: {  	_ =	task [dreg:s6], $0x5FFFF  }
0xac: {  	[dreg:$0x1] =	wrdreg $0xFFFFFFFF  }
0xad: {  	[dreg:$0x0] =	wrdreg $0x60  }
0xae: {  	[dreg:$0x2] =	wrdreg s24  }
0xaf: {  	[dreg:$0x3] =	wrdreg $0xB0000  }
0xb0: {  	[dreg:$0x4] =	wrdreg $0x9  }
0xb1: {  	_ =	task.clear_ibuf [dreg:s6], $0x5FFFF;
	_ =	strace $0x90000046  }
0xb2: {  	s29 =	simm.s32 $0x9;
	_ =	strace $0x80000048  }
0xb3: {  	_ =	swait.ge [sflag:s29], $0x1  }
0xb4: {  	[sflag:s29] =	ssyncadd.s32 $0xFFFFFFFF  }
0xb5: {  	_ =	strace $0x90000048  }
0xb6: {  	_ =	sfence  }
0xb7: {  	s30 =	sld [smem:$0x0];
	_ =	sdelay $0x2  }
0xb8: {  	s31 =	sshll.u32 s1, $0xD;
	s1 =	sshrl.u32 s1, $0x2  }
0xb9: {  	s3 =	sand.u32 $0x4000, s31;
	s1 =	sadd.s32 s1, s30  }
0xba: {  	s0 =	sor.u32 s3, s0;
	s1 =	sshll.u32 s1, $0x11  }
0xbb: {  	s0 =	sor.u32 s1, s0  }
0xbc: {  	s0 =	sadd.s32 $0x8F2B, s0  }
0xbd: {  	[sflag:s0] =	ssyncadd.remote.s32 $0x1  }
0xbe: {  	_ =	sfence.sel $0xFFFF  }
0xbf: {  	[dreg:$0x0] =	wrdreg $0xFFFFFFFF;
	(pc) =	sbr.abs _section_cstart, $3  }
0xc0: {  	[dreg:$0x1] =	wrdreg $0xFFFFFFFF  }
0xc1: {  	_ =	task.clear_ibuf [dreg:s6], $0x2FFFF;
	_ =	strace $0x9FFFFFFF  }
0xc2: {  	(tm) =	ssettm $0x7FFFFFFF  }
0xc3: {  	_ =	shalt  }
tec
execute0_lowered:
.L_overlay_start_1:
0x0: {  	(tag) =	ssettag $0x1  }
0x1: {  	s15 =	rddreg [dreg:$0x0];
	s0 =	srdreg.scid  }
0x2: {  	s2 =	rddreg [dreg:$0x1];
	s1 =	stileid.u32;
	s3 =	simm.s32 $0x0  }
0x3: {  	s17 =	simm.s32 $0xD800;
	s19 =	simm.s32 $0x7D;
	s5 =	smul.u32 $0x14000, s1  }
0x4: {  	s12 =	sand.u32 $0x1, s0;
	s0 =	rddreg [dreg:$0x2];
	s6 =	smul.u32 $0x50000, s1  }
0x5: {  	s20 =	simm.s32 $0x5000;
	[smem:$0x7FF] =	sst s3;
	s4 =	smul.u32 $0x140000, s12  }
0x6: {  	s18 =	smul.u32 $0xA00, s1;
	_ =	strace $0x80000047;
	s31 =	ssub.s32 $0x2, s12  }
0x7: {  	p0 =	seq.s32 s12, $0x1;
	s7 =	sshrl.u32 s31, $0x1;
	s4 =	sadd.s32 s5, s4  }
0x8: {  	s6 =	sshrl.u32 s6, $0x2;
	s17 =	simm.s32 @!p0 $0x3800;
	s4 =	sshrl.u32 s4, $0x3  }
0x9: {  	s16 =	ssub.s32 s31, s7;
	s17 =	sadd.s32 s17, s15;
	s14 =	sadd.s32 s4, s15  }
0xa: {  	s4 =	sadd.s32 s6, s2;
	s15 =	smax.u32 s16, $0x1;
	s16 =	sadd.s32 s17, s18  }
0xb: {  	s17 =	simm.s32 $0x9000;
	s18 =	simm.s32 $0x1;
	s5 =	sadd.s32 $0x2000, s4  }
0xc: {  	s6 =	sadd.s32 $0x4000, s4;
	s7 =	sadd.s32 $0x6000, s4;
	s8 =	sadd.s32 $0x8000, s4  }
0xd: {  	s9 =	sadd.s32 $0xA000, s4;
	s10 =	sadd.s32 $0xC000, s4;
	s11 =	sadd.s32 $0xE000, s4  }
0xe: {  	v0 =	vimm.f32 $1.000000000e+00;
	v1 =	vimm.f32 $0.0e+00;
	s12 =	sadd.s32 $0x10000, s4;
	s13 =	sadd.s32 $0x12000, s4;
	s14 =	sadd.s32 $0x17800, s14  }
.LBB2_1:
0xf: {  	s21 =	simm.s32 $0x0  }
.LBB2_2:
0x10: {  	p0 =	sne.s32 s21, $0xF800  }
.Ltmp0:
0x11: {  	_ = 	snop;
	(pc) =	sbr.rel @p0 .LBB2_2-.Ltmp0, $3  }
0x12: {  	_ =	sdelay $0x1  }
0x13: {  	s22 =	sshra.s32 s21, $0x2  }
0x14: {  	s21 =	sadd.s32 $0x200, s21;
	[tilespmem:s22+$0x5000] =	vst v0  }
0x15: {  	s21 =	simm.s32 $0x200;
	s22 =	simm.s32 $0x0  }
.LBB2_4:
0x16: {  	p0 =	sne.s32 s21, $0x7E00;
	[tilespmem:s22+$0x9000] =	vst v1;
	s22 =	smov.u32 s21;
	s21 =	sadd.s32 $0x200, s21  }
.Ltmp1:
0x17: {  	(pc) =	sbr.rel @p0 .LBB2_4-.Ltmp1, $2  }
0x18: {  	_ =	sdelay $0x2  }
0x19: {  	s22 =	sshra.s32 s22, $0x2  }
0x1a: {  	[tilespmem:s22+$0x9000] =	vst v1  }
0x1b: {  	[spmem:s4] =	stream.linear.scatter [tilespmem:s17], [sflag:$0x1], $0x2000, $0x38;
	[tilespmem:$0xD800] =	vst v63  }
0x1c: {  	_ =	swait.ge [sflag:s18], $0x2000  }
0x1d: {  	[sflag:s18] =	ssyncset.done $0x0  }
0x1e: {  	[sflag:s18] =	ssyncadd.s32 $0xFFFFE000  }
0x1f: {  	[spmem:s5] =	stream.linear.scatter [tilespmem:s17], [sflag:$0x1], $0x2000, $0x38;
	[tilespmem:$0xD800] =	vst v63  }
0x20: {  	_ =	swait.ge [sflag:s18], $0x2000  }
0x21: {  	[sflag:s18] =	ssyncset.done $0x0  }
0x22: {  	[sflag:s18] =	ssyncadd.s32 $0xFFFFE000  }
0x23: {  	[spmem:s6] =	stream.linear.scatter [tilespmem:s17], [sflag:$0x1], $0x2000, $0x38;
	[tilespmem:$0xD800] =	vst v63  }
0x24: {  	_ =	swait.ge [sflag:s18], $0x2000  }
0x25: {  	[sflag:s18] =	ssyncset.done $0x0  }
0x26: {  	[sflag:s18] =	ssyncadd.s32 $0xFFFFE000  }
0x27: {  	[spmem:s7] =	stream.linear.scatter [tilespmem:s17], [sflag:$0x1], $0x2000, $0x38;
	[tilespmem:$0xD800] =	vst v63  }
0x28: {  	_ =	swait.ge [sflag:s18], $0x2000  }
0x29: {  	[sflag:s18] =	ssyncset.done $0x0  }
0x2a: {  	[sflag:s18] =	ssyncadd.s32 $0xFFFFE000  }
0x2b: {  	[spmem:s8] =	stream.linear.scatter [tilespmem:s17], [sflag:$0x1], $0x2000, $0x38;
	[tilespmem:$0xD800] =	vst v63  }
0x2c: {  	_ =	swait.ge [sflag:s18], $0x2000  }
0x2d: {  	[sflag:s18] =	ssyncset.done $0x0  }
0x2e: {  	[sflag:s18] =	ssyncadd.s32 $0xFFFFE000  }
0x2f: {  	[spmem:s9] =	stream.linear.scatter [tilespmem:s17], [sflag:$0x1], $0x2000, $0x38;
	[tilespmem:$0xD800] =	vst v63  }
0x30: {  	_ =	swait.ge [sflag:s18], $0x2000  }
0x31: {  	[sflag:s18] =	ssyncset.done $0x0  }
0x32: {  	[sflag:s18] =	ssyncadd.s32 $0xFFFFE000  }
0x33: {  	[spmem:s10] =	stream.linear.scatter [tilespmem:s17], [sflag:$0x1], $0x2000, $0x38;
	[tilespmem:$0xD800] =	vst v63  }
0x34: {  	_ =	swait.ge [sflag:s18], $0x2000  }
0x35: {  	[sflag:s18] =	ssyncset.done $0x0  }
0x36: {  	[sflag:s18] =	ssyncadd.s32 $0xFFFFE000  }
0x37: {  	[spmem:s11] =	stream.linear.scatter [tilespmem:s17], [sflag:$0x1], $0x2000, $0x38;
	[tilespmem:$0xD800] =	vst v63  }
0x38: {  	_ =	swait.ge [sflag:s18], $0x2000  }
0x39: {  	[sflag:s18] =	ssyncset.done $0x0  }
0x3a: {  	[sflag:s18] =	ssyncadd.s32 $0xFFFFE000  }
0x3b: {  	[spmem:s12] =	stream.linear.scatter [tilespmem:s17], [sflag:$0x1], $0x2000, $0x38;
	[tilespmem:$0xD800] =	vst v63  }
0x3c: {  	_ =	swait.ge [sflag:s18], $0x2000  }
0x3d: {  	[sflag:s18] =	ssyncset.done $0x0  }
0x3e: {  	[sflag:s18] =	ssyncadd.s32 $0xFFFFE000  }
0x3f: {  	[spmem:s13] =	stream.linear.scatter [tilespmem:s17], [sflag:$0x1], $0x2000, $0x38;
	[tilespmem:$0xD800] =	vst v63  }
0x40: {  	_ =	swait.ge [sflag:s18], $0x2000  }
0x41: {  	[sflag:s18] =	ssyncset.done $0x0  }
0x42: {  	[sflag:s18] =	ssyncadd.s32 $0xFFFFE000  }
0x43: {  	s21 =	simm.s32 $0x0;
	[bflag:$0x0] =	sbarrier.arrive $0xFFFF  }
0x44: {  	[tilespmem:s21], [sflag:$0x1] =	stream.linear.gather [hbm4b:s16+s21], $0x5000, $0x38;
	[tilespmem:$0xD800] =	vst v63  }
0x45: {  	_ =	swait.ge [sflag:s18], $0x5000  }
0x46: {  	[sflag:s18] =	ssyncset.done $0x0  }
0x47: {  	s31 =	simm.s32 $0x0;
	[sflag:s18] =	ssyncadd.s32 $0xFFFFB000  }
0x48: {  	[spmem:s2] =	stream.indirect.scatter.add.f32 [tilespmem:s20], [sflag:$0x1], $0x10, s31, s19, $0xb8;
	[tilespmem:$0xD800] =	vst v63  }
0x49: {  	_ =	swait.ge [sflag:s18], $0x7D0  }
0x4a: {  	s21 =	simm.s32 $0x200;
	[sflag:s18] =	ssyncset.done $0x0  }
.LBB2_6:
0x4b: {  	s22 =	sshra.s32 s21, $0x2;
	[sflag:s18] =	ssyncadd.s32 $0xFFFFF830;
	p0 =	sne.s32 s21, $0x13E00  }
0x4c: {  	[spmem:s2] =	stream.indirect.scatter.add.f32 [tilespmem:s20], [sflag:$0x1], $0x10, s22, s19, $0xb8;
	[tilespmem:$0xD800] =	vst v63  }
.Ltmp2:
0x4d: {  	_ = 	snop;
	(pc) =	sbr.rel @p0 .LBB2_6-.Ltmp2, $4  }
0x4e: {  	_ = 	snop  }
0x4f: {  	s21 =	sadd.s32 $0x200, s21  }
0x50: {  	_ =	swait.ge [sflag:s18], $0x7D0  }
0x51: {  	[sflag:s18] =	ssyncset.done $0x0  }
0x52: {  	[sflag:s18] =	ssyncadd.s32 $0xFFFFF830;
	s3 =	sadd.s32 $0x1, s3  }
0x53: {  	s21 =	sshll.u32 s1, $0x6;
	s22 =	sshrl.u32 s4, $0x3;
	p0 =	sne.s32 s3, s15  }
.Ltmp3:
0x54: {  	[bflag:$0x0] =	sbarrier.arrive $0xFFFF;
	s21 =	sor.u32 $0x1C01, s21;
	(pc) =	sbr.rel @p0 .LBB2_1-.Ltmp3, $4  }
0x55: {  	[hbm:s14], [sflag:s21] =	dma.local [spmem:s22], $0x2800  }
0x56: {  	_ =	swait.ge [sflag:s18], $0x2800  }
0x57: {  	[sflag:s18] =	ssyncset.done $0x0  }
0x58: {  	[sflag:s18] =	ssyncadd.s32 $0xFFFFD800  }
0x59: {  	_ =	sfence.sel $0x180000  }
0x5a: {  	[bflag:$0x0] =	sbarrier.arrive $0xFFFF  }
0x5b: {  	p0 =	sne.s32 s1, $0x0;
	_ =	strace $0x90000047  }
0x5c: {  	s0 =	sadd.s32 @!p0 $0x100000, s0;
	[bflag:$0x2] =	sbarrier.arrive $0xFFFF  }
0x5d: {  	[sflag:s0] =	ssyncadd.tile.s32 @!p0 $0x1;
	_ =	shalt  }
.Lfunc_end2:
_tile_overlayer_lowered:
.L_overlay_start_2:
0x5e: {  	(tag) =	ssettag $0x2  }
0x5f: {  	s0 =	rddreg [dreg:$0x0];
	s2 =	stileid.u32  }
0x60: {  	s1 =	rddreg [dreg:$0x1];
	p0 =	sne.s32 s2, $0x0  }
0x61: {  	s3 =	rddreg [dreg:$0x2];
	[bflag:$0x3] =	sbarrier.arrive $0xFFFF;
	s2 =	simm.s32 @!p0 $0x1C01  }
0x62: {  	[timem:s3], [sflag:s2] =	dma.local @!p0 [hbm:s0], s1  }
0x63: {  	s0 =	simm.s32 @!p0 $0x1  }
0x64: {  	_ =	swait.ge @!p0 [sflag:s0], s1  }
0x65: {  	s1 =	ssub.s32 @!p0 $0x0, s1;
	[sflag:s0] =	ssyncset.done @!p0 $0x0  }
0x66: {  	[sflag:s0] =	ssyncadd.s32 @!p0 s1  }
0x67: {  	[bflag:$0x3] =	sbarrier.arrive $0xFFFF  }
0x68: {  	_ =	shalt  }

</sc_bundles>
